<compile_context>
chip_gen: v7x
topology: tpu7x:2x2x1
jax: 0.10.2.dev20260603
libtpu: 0.0.44.dev20260713+nightly
codegen_flags: <defaults>
</compile_context>

<pallas_src>
import functools

import jax
import jax.numpy as jnp
from jax import lax
from jax.experimental import pallas as pl
from jax.experimental.pallas import tpu as pltpu
from jax.experimental.pallas import tpu_sc as plsc

N = 10000
E = 320000
D = 128
NC = 2
NS = 16
NW = NC * NS
EPW = E // NW
B = 128
K = -(-EPW // B)
PAD = K * B - EPW
RPT = 632
NR = RPT * NS
KC = 8
CHUNKS = (128, 128, 128, 128, 120)

_mesh = plsc.VectorSubcoreMesh(
    core_axis_name="c", subcore_axis_name="s", num_cores=NC, num_subcores=NS)


def _fill_tile_buf(ref, nrows, width, value):
  v = jnp.full((16,), value, jnp.float32)

  def row(i, c):
    for cc in range(width // 16):
      ref[i, pl.ds(cc * 16, 16)] = v
    return c

  lax.fori_loop(0, nrows, row, 0)


def _stage_zero(zbuf, shared, r0):
  off = 0
  for sz in CHUNKS:
    pltpu.sync_copy(zbuf.at[pl.ds(0, sz)],
                    shared.at[pl.ds(pl.multiple_of(r0 + off, 8), sz)])
    off += sz


def _stage_out(shared, buf, r0, out_hbm, obase):
  off = 0
  for sz in CHUNKS:
    pltpu.sync_copy(shared.at[pl.ds(pl.multiple_of(r0 + off, 8), sz)],
                    buf.at[pl.ds(0, sz)])
    pltpu.sync_copy(buf.at[pl.ds(0, sz)],
                    out_hbm.at[pl.ds(pl.multiple_of(obase + off, 8), sz)])
    off += sz


def _edge_loop(body_fn, src_hbm, dst_hbm, src_v, dst_v, cid, gather):

  def outer(jj, carry):
    e0 = pl.multiple_of(cid * K * NS + jj * KC, 8)
    if gather:
      pltpu.sync_copy(src_hbm.at[pl.ds(e0, KC)], src_v)
    pltpu.sync_copy(dst_hbm.at[pl.ds(e0, KC)], dst_v)

    def step(j, c):
      body_fn(j)
      return c

    lax.fori_loop(0, KC, step, 0)
    return carry

  lax.fori_loop(0, K * NS // KC, outer, 0)


def _sc_agg_cnt_body(x_hbm, src_hbm, dst_hbm, agg_out, cnt_out, src_v, dst_v,
                     rows_v, acc_sh, sem):
  cid = lax.axis_index("c")
  sid = lax.axis_index("s")
  r0 = pl.multiple_of(sid * RPT, 8)
  obase = pl.multiple_of(cid * NR + r0, 8)
  _fill_tile_buf(rows_v, B, D, 0.0)
  _stage_zero(rows_v, acc_sh, r0)
  plsc.subcore_barrier()

  def step1(j):
    pltpu.async_copy(x_hbm.at[src_v.at[j]], rows_v, sem).wait()
    pltpu.sync_copy(rows_v, acc_sh.at[dst_v.at[j]], add=True)

  @pl.when(sid == 0)
  def _():
    _edge_loop(step1, src_hbm, dst_hbm, src_v, dst_v, cid, gather=True)
  plsc.subcore_barrier()
  _stage_out(acc_sh, rows_v, r0, agg_out, obase)
  _fill_tile_buf(rows_v, B, D, 0.0)
  _stage_zero(rows_v, acc_sh, r0)
  _fill_tile_buf(rows_v, B, D, 1.0)
  plsc.subcore_barrier()

  def step2(j):
    pltpu.sync_copy(rows_v, acc_sh.at[dst_v.at[j]], add=True)

  @pl.when(sid == 0)
  def _():
    _edge_loop(step2, src_hbm, dst_hbm, src_v, dst_v, cid, gather=False)
  plsc.subcore_barrier()
  _stage_out(acc_sh, rows_v, r0, cnt_out, obase)


def _sc_agg_body(x_hbm, src_hbm, dst_hbm, agg_out, src_v, dst_v, rows_v,
                 acc_sh, sem):
  cid = lax.axis_index("c")
  sid = lax.axis_index("s")
  r0 = pl.multiple_of(sid * RPT, 8)
  obase = pl.multiple_of(cid * NR + r0, 8)
  _fill_tile_buf(rows_v, B, D, 0.0)
  _stage_zero(rows_v, acc_sh, r0)
  plsc.subcore_barrier()

  def step1(j):
    pltpu.async_copy(x_hbm.at[src_v.at[j]], rows_v, sem).wait()
    pltpu.sync_copy(rows_v, acc_sh.at[dst_v.at[j]], add=True)

  @pl.when(sid == 0)
  def _():
    _edge_loop(step1, src_hbm, dst_hbm, src_v, dst_v, cid, gather=True)
  plsc.subcore_barrier()
  _stage_out(acc_sh, rows_v, r0, agg_out, obase)


_sc_scratch = [
    pltpu.VMEM((KC, B), jnp.int32),
    pltpu.VMEM((KC, B), jnp.int32),
    pltpu.VMEM((B, D), jnp.float32),
    pltpu.VMEM_SHARED((NR, D), jnp.float32),
    pltpu.SemaphoreType.DMA,
]

_sc_agg_cnt = pl.kernel(
    _sc_agg_cnt_body,
    out_type=(jax.ShapeDtypeStruct((NC * NR, D), jnp.float32),
              jax.ShapeDtypeStruct((NC * NR, D), jnp.float32)),
    mesh=_mesh,
    scratch_types=list(_sc_scratch))

_sc_agg = pl.kernel(
    _sc_agg_body,
    out_type=(jax.ShapeDtypeStruct((NC * NR, D), jnp.float32),),
    mesh=_mesh,
    scratch_types=list(_sc_scratch))

BM = 1000


def _tc_layer_body(relu, agg_ref, cnt_ref, x_ref, wl_ref, wr_ref, b_ref,
                   o_ref):
  a = agg_ref[0] + agg_ref[1]
  c = cnt_ref[0][:, 0:1] + cnt_ref[1][:, 0:1]
  mean = a / jnp.maximum(c, 1.0)
  r = (jnp.dot(mean, wl_ref[...], preferred_element_type=jnp.float32,
               precision=lax.Precision.HIGHEST)
       + jnp.dot(x_ref[...], wr_ref[...], preferred_element_type=jnp.float32,
                 precision=lax.Precision.HIGHEST)
       + b_ref[...])
  o_ref[...] = jnp.maximum(r, 0.0) if relu else r


def _tc_layer(agg, cnt, x, wl, wr, b, relu):
  return pl.pallas_call(
      functools.partial(_tc_layer_body, relu),
      grid=(N // BM,),
      in_specs=[
          pl.BlockSpec((NC, BM, D), lambda i: (0, i, 0)),
          pl.BlockSpec((NC, BM, D), lambda i: (0, i, 0)),
          pl.BlockSpec((BM, D), lambda i: (i, 0)),
          pl.BlockSpec((D, D), lambda i: (0, 0)),
          pl.BlockSpec((D, D), lambda i: (0, 0)),
          pl.BlockSpec((1, D), lambda i: (0, 0)),
      ],
      out_specs=pl.BlockSpec((BM, D), lambda i: (i, 0)),
      out_shape=jax.ShapeDtypeStruct((N, D), jnp.float32),
  )(agg, cnt, x, wl, wr, b)


def kernel(x, edge_index, Wl1, Wr1, b1, Wl2, Wr2, b2):
  src = edge_index[0].astype(jnp.int32).reshape(NW, EPW)
  dst = edge_index[1].astype(jnp.int32).reshape(NW, EPW)
  src2 = jnp.pad(src, ((0, 0), (0, PAD))).reshape(NW * K, B)
  dst2 = jnp.pad(dst, ((0, 0), (0, PAD)),
                 constant_values=N).reshape(NW * K, B)
  b1r = b1.reshape(1, D)
  b2r = b2.reshape(1, D)

  agg1, cnt = _sc_agg_cnt(x, src2, dst2)
  agg1 = agg1.reshape(NC, NR, D)
  cnt = cnt.reshape(NC, NR, D)
  h = _tc_layer(agg1, cnt, x, Wl1, Wr1, b1r, relu=True)
  (agg2,) = _sc_agg(h, src2, dst2)
  out = _tc_layer(agg2.reshape(NC, NR, D), cnt, h, Wl2, Wr2, b2r, relu=False)
  return out

# --- scband reference (transcript-rebuilt; emitter-appended) ---
"""Pipeline reference for scband-graph-sagemodel-6373731468068 (READ-ONLY COPY).

The authoritative reference and input builder live on the scoring server;
editing this copy changes nothing except your own understanding.
"""

import jax, jax.numpy as jnp
import numpy as np

N_NODES = 10000
N_EDGES = 320000
D_IN = 128
D_HID = 128
D_OUT = 128


def setup_inputs(seed: int = 0) -> dict:
    key = jax.random.key(seed)
    ks = jax.random.split(key, 8)
    x = jax.random.normal(ks[0], (N_NODES, D_IN), dtype=jnp.float32)
    edge_index = jax.random.randint(ks[1], (2, N_EDGES), 0, N_NODES, dtype=jnp.int64)
    s1 = 1.0 / np.sqrt(D_IN)
    s2 = 1.0 / np.sqrt(D_HID)
    Wl1 = jax.random.uniform(ks[2], (D_IN, D_HID), jnp.float32, -s1, s1)
    Wr1 = jax.random.uniform(ks[3], (D_IN, D_HID), jnp.float32, -s1, s1)
    b1 = jnp.zeros((D_HID,), jnp.float32)
    Wl2 = jax.random.uniform(ks[4], (D_HID, D_OUT), jnp.float32, -s2, s2)
    Wr2 = jax.random.uniform(ks[5], (D_HID, D_OUT), jnp.float32, -s2, s2)
    b2 = jnp.zeros((D_OUT,), jnp.float32)
    return {"x": x, "edge_index": edge_index, "Wl1": Wl1, "Wr1": Wr1, "b1": b1,
            "Wl2": Wl2, "Wr2": Wr2, "b2": b2}


def _sage_conv(x, edge_index, Wl, Wr, b):
    # PyG SAGEConv (mean aggregator): out = lin_l(mean_agg(x_src by dst)) + lin_r(x)
    src = edge_index[0]
    dst = edge_index[1]
    msgs = x[src]                                        # gather  [E, d]
    agg = jax.ops.segment_sum(msgs, dst, num_segments=x.shape[0])   # scatter-add
    cnt = jax.ops.segment_sum(jnp.ones((edge_index.shape[1],), jnp.float32), dst,
                              num_segments=x.shape[0])
    mean = agg / jnp.maximum(cnt, 1.0)[:, None]
    return mean @ Wl + x @ Wr + b


def reference(x, edge_index, Wl1, Wr1, b1, Wl2, Wr2, b2):
    h = _sage_conv(x, edge_index, Wl1, Wr1, b1)
    h = jax.nn.relu(h)
    out = _sage_conv(h, edge_index, Wl2, Wr2, b2)
    return out

if __name__ == "__main__":
    import jax
    _d = setup_inputs()
    print(jax.jit(kernel)(*tuple(_d.values())))

</pallas_src>

<mosaic_0001>
#map = affine_map<(d0, d1) -> (0, 0)>
module attributes {stable_mosaic.version = 14 : i64} {
  func.func @_sc_agg_cnt_body(%arg0: i32, %arg1: i32, %arg2: memref<10000x128xf32, #tpu.memory_space<hbm>>, %arg3: memref<2528x128xi32, #tpu.memory_space<hbm>>, %arg4: memref<2528x128xi32, #tpu.memory_space<hbm>>, %arg5: memref<20224x128xf32, #tpu.memory_space<hbm>>, %arg6: memref<20224x128xf32, #tpu.memory_space<hbm>>, %arg7: memref<8x128xi32, #tpu.memory_space<vmem>>, %arg8: memref<8x128xi32, #tpu.memory_space<vmem>>, %arg9: memref<128x128xf32, #tpu.memory_space<vmem>>, %arg10: memref<10112x128xf32, #tpu.memory_space<vmem_shared>>, %arg11: memref<!tpu.dma_semaphore, #tpu.memory_space<semaphore_mem>>) attributes {dimension_semantics = [#tpu.dimension_semantics<core_parallel>, #tpu.dimension_semantics<subcore_parallel>], iteration_bounds = array<i64: 2, 16>, scalar_prefetch = 0 : i64, scratch_operands = 5 : i64, tpu.core_type = #tpu.core_type<sc_vector_subcore>, window_params = [{transform_indices = #map}, {transform_indices = #map}, {transform_indices = #map}, {transform_indices = #map}, {transform_indices = #map}]} {
    %mul3A = arith.constant 632 : i32
    %mul3A_0 = arith.muli %arg1, %mul3A : i32
    %multiple_of3A = tpu.assume_multiple %mul3A_0, 8 : i32
    %mul3A_1 = arith.constant 10112 : i32
    %mul3A_2 = arith.muli %arg0, %mul3A_1 : i32
    %add3A = arith.addi %mul3A_2, %multiple_of3A : i32
    %multiple_of3A_3 = tpu.assume_multiple %add3A, 8 : i32
    %broadcast_in_dim3A = arith.constant 0.000000e+00 : f32
    %broadcast_in_dim3A_4 = vector.broadcast %broadcast_in_dim3A : f32 to vector<16xf32>
    %scan3A = arith.constant 0 : i32
    %scan3A_5 = arith.constant 0 : i32
    %scan3A_6 = arith.constant 128 : i32
    %scan3A_7 = arith.addi %scan3A_5, %scan3A_6 : i32
    %scan3A_8 = arith.constant 1 : i32
    scf.for %scan3A_126 = %scan3A_5 to %scan3A_7 step %scan3A_8  : i32 {
      %swap3A = arith.index_cast %scan3A_126 : i32 to index
      %swap3A_127 = arith.constant 0 : index
      %swap3A_128 = tpu.vector_load %arg9[%swap3A, %swap3A_127] {strides = array<i32>} : memref<128x128xf32, #tpu.memory_space<vmem>>, vector<1x16xf32>,
      %swap3A_129 = vector.shape_cast %swap3A_128 : vector<1x16xf32> to vector<16xf32>
      %swap3A_130 = vector.shape_cast %broadcast_in_dim3A_4 : vector<16xf32> to vector<1x16xf32>
      tpu.vector_store %arg9[%swap3A, %swap3A_127], %swap3A_130 {strides = array<i32>} : memref<128x128xf32, #tpu.memory_space<vmem>>, vector<1x16xf32>,
      %swap3A_131 = arith.index_cast %scan3A_126 : i32 to index
      %swap3A_132 = arith.constant 16 : index
      %swap3A_133 = tpu.vector_load %arg9[%swap3A_131, %swap3A_132] {strides = array<i32>} : memref<128x128xf32, #tpu.memory_space<vmem>>, vector<1x16xf32>,
      %swap3A_134 = vector.shape_cast %swap3A_133 : vector<1x16xf32> to vector<16xf32>
      %swap3A_135 = vector.shape_cast %broadcast_in_dim3A_4 : vector<16xf32> to vector<1x16xf32>
      tpu.vector_store %arg9[%swap3A_131, %swap3A_132], %swap3A_135 {strides = array<i32>} : memref<128x128xf32, #tpu.memory_space<vmem>>, vector<1x16xf32>,
      %swap3A_136 = arith.index_cast %scan3A_126 : i32 to index
      %swap3A_137 = arith.constant 32 : index
      %swap3A_138 = tpu.vector_load %arg9[%swap3A_136, %swap3A_137] {strides = array<i32>} : memref<128x128xf32, #tpu.memory_space<vmem>>, vector<1x16xf32>,
      %swap3A_139 = vector.shape_cast %swap3A_138 : vector<1x16xf32> to vector<16xf32>
      %swap3A_140 = vector.shape_cast %broadcast_in_dim3A_4 : vector<16xf32> to vector<1x16xf32>
      tpu.vector_store %arg9[%swap3A_136, %swap3A_137], %swap3A_140 {strides = array<i32>} : memref<128x128xf32, #tpu.memory_space<vmem>>, vector<1x16xf32>,
      %swap3A_141 = arith.index_cast %scan3A_126 : i32 to index
      %swap3A_142 = arith.constant 48 : index
      %swap3A_143 = tpu.vector_load %arg9[%swap3A_141, %swap3A_142] {strides = array<i32>} : memref<128x128xf32, #tpu.memory_space<vmem>>, vector<1x16xf32>,
      %swap3A_144 = vector.shape_cast %swap3A_143 : vector<1x16xf32> to vector<16xf32>
      %swap3A_145 = vector.shape_cast %broadcast_in_dim3A_4 : vector<16xf32> to vector<1x16xf32>
      tpu.vector_store %arg9[%swap3A_141, %swap3A_142], %swap3A_145 {strides = array<i32>} : memref<128x128xf32, #tpu.memory_space<vmem>>, vector<1x16xf32>,
      %swap3A_146 = arith.index_cast %scan3A_126 : i32 to index
      %swap3A_147 = arith.constant 64 : index
      %swap3A_148 = tpu.vector_load %arg9[%swap3A_146, %swap3A_147] {strides = array<i32>} : memref<128x128xf32, #tpu.memory_space<vmem>>, vector<1x16xf32>,
      %swap3A_149 = vector.shape_cast %swap3A_148 : vector<1x16xf32> to vector<16xf32>
      %swap3A_150 = vector.shape_cast %broadcast_in_dim3A_4 : vector<16xf32> to vector<1x16xf32>
      tpu.vector_store %arg9[%swap3A_146, %swap3A_147], %swap3A_150 {strides = array<i32>} : memref<128x128xf32, #tpu.memory_space<vmem>>, vector<1x16xf32>,
      %swap3A_151 = arith.index_cast %scan3A_126 : i32 to index
      %swap3A_152 = arith.constant 80 : index
      %swap3A_153 = tpu.vector_load %arg9[%swap3A_151, %swap3A_152] {strides = array<i32>} : memref<128x128xf32, #tpu.memory_space<vmem>>, vector<1x16xf32>,
      %swap3A_154 = vector.shape_cast %swap3A_153 : vector<1x16xf32> to vector<16xf32>
      %swap3A_155 = vector.shape_cast %broadcast_in_dim3A_4 : vector<16xf32> to vector<1x16xf32>
      tpu.vector_store %arg9[%swap3A_151, %swap3A_152], %swap3A_155 {strides = array<i32>} : memref<128x128xf32, #tpu.memory_space<vmem>>, vector<1x16xf32>,
      %swap3A_156 = arith.index_cast %scan3A_126 : i32 to index
      %swap3A_157 = arith.constant 96 : index
      %swap3A_158 = tpu.vector_load %arg9[%swap3A_156, %swap3A_157] {strides = array<i32>} : memref<128x128xf32, #tpu.memory_space<vmem>>, vector<1x16xf32>,
      %swap3A_159 = vector.shape_cast %swap3A_158 : vector<1x16xf32> to vector<16xf32>
      %swap3A_160 = vector.shape_cast %broadcast_in_dim3A_4 : vector<16xf32> to vector<1x16xf32>
      tpu.vector_store %arg9[%swap3A_156, %swap3A_157], %swap3A_160 {strides = array<i32>} : memref<128x128xf32, #tpu.memory_space<vmem>>, vector<1x16xf32>,
      %swap3A_161 = arith.index_cast %scan3A_126 : i32 to index
      %swap3A_162 = arith.constant 112 : index
      %swap3A_163 = tpu.vector_load %arg9[%swap3A_161, %swap3A_162] {strides = array<i32>} : memref<128x128xf32, #tpu.memory_space<vmem>>, vector<1x16xf32>,
      %swap3A_164 = vector.shape_cast %swap3A_163 : vector<1x16xf32> to vector<16xf32>
      %swap3A_165 = vector.shape_cast %broadcast_in_dim3A_4 : vector<16xf32> to vector<1x16xf32>
      tpu.vector_store %arg9[%swap3A_161, %swap3A_162], %swap3A_165 {strides = array<i32>} : memref<128x128xf32, #tpu.memory_space<vmem>>, vector<1x16xf32>,
    }
    %scan3A_9 = arith.constant 128 : i32
    %add3A_10 = arith.constant 0 : i32
    %add3A_11 = arith.addi %multiple_of3A, %add3A_10 : i32
    %multiple_of3A_12 = tpu.assume_multiple %add3A_11, 8 : i32
    "tpu.region"() ({
      %run_scoped3A = tpu.sem_alloc : memref<!tpu.dma_semaphore, #tpu.memory_space<semaphore_mem>>
      %dma_start3A = arith.constant 0 : i32
      %dma_start3A_126 = arith.constant 0 : i32
      %dma_start3A_127 = tpu.memref_slice %arg9[%dma_start3A, %dma_start3A_126] : memref<128x128xf32, #tpu.memory_space<vmem>> -> memref<128x128xf32, #tpu.memory_space<vmem>>
      %dma_start3A_128 = arith.constant 0 : i32
      %dma_start3A_129 = tpu.memref_slice %arg10[%multiple_of3A_12, %dma_start3A_128] : memref<10112x128xf32, #tpu.memory_space<vmem_shared>> -> memref<128x128xf32, #tpu.memory_space<vmem_shared>>
      %dma_start3A_130 = arith.constant 0 : i32
      %dma_start3A_131 = tpu.memref_slice %arg10[%multiple_of3A_12, %dma_start3A_130] : memref<10112x128xf32, #tpu.memory_space<vmem_shared>> -> memref<128x128xf32, #tpu.memory_space<vmem_shared>>
      %dma_start3A_132 = arith.constant 0 : i32
      %dma_start3A_133 = arith.constant 0 : i32
      %dma_start3A_134 = tpu.memref_slice %arg9[%dma_start3A_132, %dma_start3A_133] : memref<128x128xf32, #tpu.memory_space<vmem>> -> memref<128x128xf32, #tpu.memory_space<vmem>>
      tpu.enqueue_dma source(%dma_start3A_134 : memref<128x128xf32, #tpu.memory_space<vmem>>) target(%dma_start3A_131 : memref<128x128xf32, #tpu.memory_space<vmem_shared>>) target_semaphore(%run_scoped3A : memref<!tpu.dma_semaphore, #tpu.memory_space<semaphore_mem>>)
      %dma_wait3A = arith.constant 0 : i32
      %dma_wait3A_135 = arith.constant 0 : i32
      %dma_wait3A_136 = tpu.memref_slice %arg9[%dma_wait3A, %dma_wait3A_135] : memref<128x128xf32, #tpu.memory_space<vmem>> -> memref<128x128xf32, #tpu.memory_space<vmem>>
      %dma_wait3A_137 = arith.constant 0 : i32
      %dma_wait3A_138 = tpu.memref_slice %arg10[%multiple_of3A_12, %dma_wait3A_137] : memref<10112x128xf32, #tpu.memory_space<vmem_shared>> -> memref<128x128xf32, #tpu.memory_space<vmem_shared>>
      %dma_wait3A_139 = arith.constant 0 : i32
      %dma_wait3A_140 = tpu.memref_slice %arg10[%multiple_of3A_12, %dma_wait3A_139] : memref<10112x128xf32, #tpu.memory_space<vmem_shared>> -> memref<128x128xf32, #tpu.memory_space<vmem_shared>>
      %dma_wait3A_141 = arith.constant 0 : i32
      %dma_wait3A_142 = arith.constant 0 : i32
      %dma_wait3A_143 = tpu.memref_slice %arg9[%dma_wait3A_141, %dma_wait3A_142] : memref<128x128xf32, #tpu.memory_space<vmem>> -> memref<128x128xf32, #tpu.memory_space<vmem>>
      tpu.wait_dma2 semaphore(%run_scoped3A : memref<!tpu.dma_semaphore, #tpu.memory_space<semaphore_mem>>) src(%dma_wait3A_143 : memref<128x128xf32, #tpu.memory_space<vmem>>) dst(%dma_wait3A_140 : memref<128x128xf32, #tpu.memory_space<vmem_shared>>)
      tpu.yield
    }) : () -> ()
    %add3A_13 = arith.constant 128 : i32
    %add3A_14 = arith.addi %multiple_of3A, %add3A_13 : i32
    %multiple_of3A_15 = tpu.assume_multiple %add3A_14, 8 : i32
    "tpu.region"() ({
      %run_scoped3A = tpu.sem_alloc : memref<!tpu.dma_semaphore, #tpu.memory_space<semaphore_mem>>
      %dma_start3A = arith.constant 0 : i32
      %dma_start3A_126 = arith.constant 0 : i32
      %dma_start3A_127 = tpu.memref_slice %arg9[%dma_start3A, %dma_start3A_126] : memref<128x128xf32, #tpu.memory_space<vmem>> -> memref<128x128xf32, #tpu.memory_space<vmem>>
      %dma_start3A_128 = arith.constant 0 : i32
      %dma_start3A_129 = tpu.memref_slice %arg10[%multiple_of3A_15, %dma_start3A_128] : memref<10112x128xf32, #tpu.memory_space<vmem_shared>> -> memref<128x128xf32, #tpu.memory_space<vmem_shared>>
      %dma_start3A_130 = arith.constant 0 : i32
      %dma_start3A_131 = tpu.memref_slice %arg10[%multiple_of3A_15, %dma_start3A_130] : memref<10112x128xf32, #tpu.memory_space<vmem_shared>> -> memref<128x128xf32, #tpu.memory_space<vmem_shared>>
      %dma_start3A_132 = arith.constant 0 : i32
      %dma_start3A_133 = arith.constant 0 : i32
      %dma_start3A_134 = tpu.memref_slice %arg9[%dma_start3A_132, %dma_start3A_133] : memref<128x128xf32, #tpu.memory_space<vmem>> -> memref<128x128xf32, #tpu.memory_space<vmem>>
      tpu.enqueue_dma source(%dma_start3A_134 : memref<128x128xf32, #tpu.memory_space<vmem>>) target(%dma_start3A_131 : memref<128x128xf32, #tpu.memory_space<vmem_shared>>) target_semaphore(%run_scoped3A : memref<!tpu.dma_semaphore, #tpu.memory_space<semaphore_mem>>)
      %dma_wait3A = arith.constant 0 : i32
      %dma_wait3A_135 = arith.constant 0 : i32
      %dma_wait3A_136 = tpu.memref_slice %arg9[%dma_wait3A, %dma_wait3A_135] : memref<128x128xf32, #tpu.memory_space<vmem>> -> memref<128x128xf32, #tpu.memory_space<vmem>>
      %dma_wait3A_137 = arith.constant 0 : i32
      %dma_wait3A_138 = tpu.memref_slice %arg10[%multiple_of3A_15, %dma_wait3A_137] : memref<10112x128xf32, #tpu.memory_space<vmem_shared>> -> memref<128x128xf32, #tpu.memory_space<vmem_shared>>
      %dma_wait3A_139 = arith.constant 0 : i32
      %dma_wait3A_140 = tpu.memref_slice %arg10[%multiple_of3A_15, %dma_wait3A_139] : memref<10112x128xf32, #tpu.memory_space<vmem_shared>> -> memref<128x128xf32, #tpu.memory_space<vmem_shared>>
      %dma_wait3A_141 = arith.constant 0 : i32
      %dma_wait3A_142 = arith.constant 0 : i32
      %dma_wait3A_143 = tpu.memref_slice %arg9[%dma_wait3A_141, %dma_wait3A_142] : memref<128x128xf32, #tpu.memory_space<vmem>> -> memref<128x128xf32, #tpu.memory_space<vmem>>
      tpu.wait_dma2 semaphore(%run_scoped3A : memref<!tpu.dma_semaphore, #tpu.memory_space<semaphore_mem>>) src(%dma_wait3A_143 : memref<128x128xf32, #tpu.memory_space<vmem>>) dst(%dma_wait3A_140 : memref<128x128xf32, #tpu.memory_space<vmem_shared>>)
      tpu.yield
    }) : () -> ()
    %add3A_16 = arith.constant 256 : i32
    %add3A_17 = arith.addi %multiple_of3A, %add3A_16 : i32
    %multiple_of3A_18 = tpu.assume_multiple %add3A_17, 8 : i32
    "tpu.region"() ({
      %run_scoped3A = tpu.sem_alloc : memref<!tpu.dma_semaphore, #tpu.memory_space<semaphore_mem>>
      %dma_start3A = arith.constant 0 : i32
      %dma_start3A_126 = arith.constant 0 : i32
      %dma_start3A_127 = tpu.memref_slice %arg9[%dma_start3A, %dma_start3A_126] : memref<128x128xf32, #tpu.memory_space<vmem>> -> memref<128x128xf32, #tpu.memory_space<vmem>>
      %dma_start3A_128 = arith.constant 0 : i32
      %dma_start3A_129 = tpu.memref_slice %arg10[%multiple_of3A_18, %dma_start3A_128] : memref<10112x128xf32, #tpu.memory_space<vmem_shared>> -> memref<128x128xf32, #tpu.memory_space<vmem_shared>>
      %dma_start3A_130 = arith.constant 0 : i32
      %dma_start3A_131 = tpu.memref_slice %arg10[%multiple_of3A_18, %dma_start3A_130] : memref<10112x128xf32, #tpu.memory_space<vmem_shared>> -> memref<128x128xf32, #tpu.memory_space<vmem_shared>>
      %dma_start3A_132 = arith.constant 0 : i32
      %dma_start3A_133 = arith.constant 0 : i32
      %dma_start3A_134 = tpu.memref_slice %arg9[%dma_start3A_132, %dma_start3A_133] : memref<128x128xf32, #tpu.memory_space<vmem>> -> memref<128x128xf32, #tpu.memory_space<vmem>>
      tpu.enqueue_dma source(%dma_start3A_134 : memref<128x128xf32, #tpu.memory_space<vmem>>) target(%dma_start3A_131 : memref<128x128xf32, #tpu.memory_space<vmem_shared>>) target_semaphore(%run_scoped3A : memref<!tpu.dma_semaphore, #tpu.memory_space<semaphore_mem>>)
      %dma_wait3A = arith.constant 0 : i32
      %dma_wait3A_135 = arith.constant 0 : i32
      %dma_wait3A_136 = tpu.memref_slice %arg9[%dma_wait3A, %dma_wait3A_135] : memref<128x128xf32, #tpu.memory_space<vmem>> -> memref<128x128xf32, #tpu.memory_space<vmem>>
      %dma_wait3A_137 = arith.constant 0 : i32
      %dma_wait3A_138 = tpu.memref_slice %arg10[%multiple_of3A_18, %dma_wait3A_137] : memref<10112x128xf32, #tpu.memory_space<vmem_shared>> -> memref<128x128xf32, #tpu.memory_space<vmem_shared>>
      %dma_wait3A_139 = arith.constant 0 : i32
      %dma_wait3A_140 = tpu.memref_slice %arg10[%multiple_of3A_18, %dma_wait3A_139] : memref<10112x128xf32, #tpu.memory_space<vmem_shared>> -> memref<128x128xf32, #tpu.memory_space<vmem_shared>>
      %dma_wait3A_141 = arith.constant 0 : i32
      %dma_wait3A_142 = arith.constant 0 : i32
      %dma_wait3A_143 = tpu.memref_slice %arg9[%dma_wait3A_141, %dma_wait3A_142] : memref<128x128xf32, #tpu.memory_space<vmem>> -> memref<128x128xf32, #tpu.memory_space<vmem>>
      tpu.wait_dma2 semaphore(%run_scoped3A : memref<!tpu.dma_semaphore, #tpu.memory_space<semaphore_mem>>) src(%dma_wait3A_143 : memref<128x128xf32, #tpu.memory_space<vmem>>) dst(%dma_wait3A_140 : memref<128x128xf32, #tpu.memory_space<vmem_shared>>)
      tpu.yield
    }) : () -> ()
    %add3A_19 = arith.constant 384 : i32
    %add3A_20 = arith.addi %multiple_of3A, %add3A_19 : i32
    %multiple_of3A_21 = tpu.assume_multiple %add3A_20, 8 : i32
    "tpu.region"() ({
      %run_scoped3A = tpu.sem_alloc : memref<!tpu.dma_semaphore, #tpu.memory_space<semaphore_mem>>
      %dma_start3A = arith.constant 0 : i32
      %dma_start3A_126 = arith.constant 0 : i32
      %dma_start3A_127 = tpu.memref_slice %arg9[%dma_start3A, %dma_start3A_126] : memref<128x128xf32, #tpu.memory_space<vmem>> -> memref<128x128xf32, #tpu.memory_space<vmem>>
      %dma_start3A_128 = arith.constant 0 : i32
      %dma_start3A_129 = tpu.memref_slice %arg10[%multiple_of3A_21, %dma_start3A_128] : memref<10112x128xf32, #tpu.memory_space<vmem_shared>> -> memref<128x128xf32, #tpu.memory_space<vmem_shared>>
      %dma_start3A_130 = arith.constant 0 : i32
      %dma_start3A_131 = tpu.memref_slice %arg10[%multiple_of3A_21, %dma_start3A_130] : memref<10112x128xf32, #tpu.memory_space<vmem_shared>> -> memref<128x128xf32, #tpu.memory_space<vmem_shared>>
      %dma_start3A_132 = arith.constant 0 : i32
      %dma_start3A_133 = arith.constant 0 : i32
      %dma_start3A_134 = tpu.memref_slice %arg9[%dma_start3A_132, %dma_start3A_133] : memref<128x128xf32, #tpu.memory_space<vmem>> -> memref<128x128xf32, #tpu.memory_space<vmem>>
      tpu.enqueue_dma source(%dma_start3A_134 : memref<128x128xf32, #tpu.memory_space<vmem>>) target(%dma_start3A_131 : memref<128x128xf32, #tpu.memory_space<vmem_shared>>) target_semaphore(%run_scoped3A : memref<!tpu.dma_semaphore, #tpu.memory_space<semaphore_mem>>)
      %dma_wait3A = arith.constant 0 : i32
      %dma_wait3A_135 = arith.constant 0 : i32
      %dma_wait3A_136 = tpu.memref_slice %arg9[%dma_wait3A, %dma_wait3A_135] : memref<128x128xf32, #tpu.memory_space<vmem>> -> memref<128x128xf32, #tpu.memory_space<vmem>>
      %dma_wait3A_137 = arith.constant 0 : i32
      %dma_wait3A_138 = tpu.memref_slice %arg10[%multiple_of3A_21, %dma_wait3A_137] : memref<10112x128xf32, #tpu.memory_space<vmem_shared>> -> memref<128x128xf32, #tpu.memory_space<vmem_shared>>
      %dma_wait3A_139 = arith.constant 0 : i32
      %dma_wait3A_140 = tpu.memref_slice %arg10[%multiple_of3A_21, %dma_wait3A_139] : memref<10112x128xf32, #tpu.memory_space<vmem_shared>> -> memref<128x128xf32, #tpu.memory_space<vmem_shared>>
      %dma_wait3A_141 = arith.constant 0 : i32
      %dma_wait3A_142 = arith.constant 0 : i32
      %dma_wait3A_143 = tpu.memref_slice %arg9[%dma_wait3A_141, %dma_wait3A_142] : memref<128x128xf32, #tpu.memory_space<vmem>> -> memref<128x128xf32, #tpu.memory_space<vmem>>
      tpu.wait_dma2 semaphore(%run_scoped3A : memref<!tpu.dma_semaphore, #tpu.memory_space<semaphore_mem>>) src(%dma_wait3A_143 : memref<128x128xf32, #tpu.memory_space<vmem>>) dst(%dma_wait3A_140 : memref<128x128xf32, #tpu.memory_space<vmem_shared>>)
      tpu.yield
    }) : () -> ()
    %add3A_22 = arith.constant 512 : i32
    %add3A_23 = arith.addi %multiple_of3A, %add3A_22 : i32
    %multiple_of3A_24 = tpu.assume_multiple %add3A_23, 8 : i32
    "tpu.region"() ({
      %run_scoped3A = tpu.sem_alloc : memref<!tpu.dma_semaphore, #tpu.memory_space<semaphore_mem>>
      %dma_start3A = arith.constant 0 : i32
      %dma_start3A_126 = arith.constant 0 : i32
      %dma_start3A_127 = tpu.memref_slice %arg9[%dma_start3A, %dma_start3A_126] : memref<128x128xf32, #tpu.memory_space<vmem>> -> memref<120x128xf32, #tpu.memory_space<vmem>>
      %dma_start3A_128 = arith.constant 0 : i32
      %dma_start3A_129 = tpu.memref_slice %arg10[%multiple_of3A_24, %dma_start3A_128] : memref<10112x128xf32, #tpu.memory_space<vmem_shared>> -> memref<120x128xf32, #tpu.memory_space<vmem_shared>>
      %dma_start3A_130 = arith.constant 0 : i32
      %dma_start3A_131 = tpu.memref_slice %arg10[%multiple_of3A_24, %dma_start3A_130] : memref<10112x128xf32, #tpu.memory_space<vmem_shared>> -> memref<120x128xf32, #tpu.memory_space<vmem_shared>>
      %dma_start3A_132 = arith.constant 0 : i32
      %dma_start3A_133 = arith.constant 0 : i32
      %dma_start3A_134 = tpu.memref_slice %arg9[%dma_start3A_132, %dma_start3A_133] : memref<128x128xf32, #tpu.memory_space<vmem>> -> memref<120x128xf32, #tpu.memory_space<vmem>>
      tpu.enqueue_dma source(%dma_start3A_134 : memref<120x128xf32, #tpu.memory_space<vmem>>) target(%dma_start3A_131 : memref<120x128xf32, #tpu.memory_space<vmem_shared>>) target_semaphore(%run_scoped3A : memref<!tpu.dma_semaphore, #tpu.memory_space<semaphore_mem>>)
      %dma_wait3A = arith.constant 0 : i32
      %dma_wait3A_135 = arith.constant 0 : i32
      %dma_wait3A_136 = tpu.memref_slice %arg9[%dma_wait3A, %dma_wait3A_135] : memref<128x128xf32, #tpu.memory_space<vmem>> -> memref<120x128xf32, #tpu.memory_space<vmem>>
      %dma_wait3A_137 = arith.constant 0 : i32
      %dma_wait3A_138 = tpu.memref_slice %arg10[%multiple_of3A_24, %dma_wait3A_137] : memref<10112x128xf32, #tpu.memory_space<vmem_shared>> -> memref<120x128xf32, #tpu.memory_space<vmem_shared>>
      %dma_wait3A_139 = arith.constant 0 : i32
      %dma_wait3A_140 = tpu.memref_slice %arg10[%multiple_of3A_24, %dma_wait3A_139] : memref<10112x128xf32, #tpu.memory_space<vmem_shared>> -> memref<120x128xf32, #tpu.memory_space<vmem_shared>>
      %dma_wait3A_141 = arith.constant 0 : i32
      %dma_wait3A_142 = arith.constant 0 : i32
      %dma_wait3A_143 = tpu.memref_slice %arg9[%dma_wait3A_141, %dma_wait3A_142] : memref<128x128xf32, #tpu.memory_space<vmem>> -> memref<120x128xf32, #tpu.memory_space<vmem>>
      tpu.wait_dma2 semaphore(%run_scoped3A : memref<!tpu.dma_semaphore, #tpu.memory_space<semaphore_mem>>) src(%dma_wait3A_143 : memref<120x128xf32, #tpu.memory_space<vmem>>) dst(%dma_wait3A_140 : memref<120x128xf32, #tpu.memory_space<vmem_shared>>)
      tpu.yield
    }) : () -> ()
    %barrier3A = arith.constant 0 : index
    tpu.barrier barrier_id(%barrier3A)
    %eq3A = arith.constant 0 : i32
    %eq3A_25 = arith.cmpi eq, %arg1, %eq3A : i32
    %convert_element_type3A = arith.extui %eq3A_25 : i1 to i32
    %cond3A = arith.constant 0 : i32
    %cond3A_26 = arith.cmpi ne, %convert_element_type3A, %cond3A : i32
    scf.if %cond3A_26 {
      %scan3A_126 = arith.constant 0 : i32
      %scan3A_127 = arith.constant 0 : i32
      %scan3A_128 = arith.constant 158 : i32
      %scan3A_129 = arith.addi %scan3A_127, %scan3A_128 : i32
      %scan3A_130 = arith.constant 1 : i32
      scf.for %scan3A_132 = %scan3A_127 to %scan3A_129 step %scan3A_130  : i32 {
        %mul3A_133 = arith.constant 79 : i32
        %mul3A_134 = arith.muli %arg0, %mul3A_133 : i32
        %mul3A_135 = arith.constant 16 : i32
        %mul3A_136 = arith.muli %mul3A_134, %mul3A_135 : i32
        %mul3A_137 = arith.constant 8 : i32
        %mul3A_138 = arith.muli %scan3A_132, %mul3A_137 : i32
        %add3A_139 = arith.addi %mul3A_136, %mul3A_138 : i32
        %multiple_of3A_140 = tpu.assume_multiple %add3A_139, 8 : i32
        "tpu.region"() ({
          %run_scoped3A = tpu.sem_alloc : memref<!tpu.dma_semaphore, #tpu.memory_space<semaphore_mem>>
          %dma_start3A = arith.constant 0 : i32
          %dma_start3A_147 = tpu.memref_slice %arg3[%multiple_of3A_140, %dma_start3A] : memref<2528x128xi32, #tpu.memory_space<hbm>> -> memref<8x128xi32, #tpu.memory_space<hbm>>
          %dma_start3A_148 = arith.constant 0 : i32
          %dma_start3A_149 = tpu.memref_slice %arg3[%multiple_of3A_140, %dma_start3A_148] : memref<2528x128xi32, #tpu.memory_space<hbm>> -> memref<8x128xi32, #tpu.memory_space<hbm>>
          tpu.enqueue_dma source(%dma_start3A_149 : memref<8x128xi32, #tpu.memory_space<hbm>>) target(%arg7 : memref<8x128xi32, #tpu.memory_space<vmem>>) target_semaphore(%run_scoped3A : memref<!tpu.dma_semaphore, #tpu.memory_space<semaphore_mem>>)
          %dma_wait3A = arith.constant 0 : i32
          %dma_wait3A_150 = tpu.memref_slice %arg3[%multiple_of3A_140, %dma_wait3A] : memref<2528x128xi32, #tpu.memory_space<hbm>> -> memref<8x128xi32, #tpu.memory_space<hbm>>
          %dma_wait3A_151 = arith.constant 0 : i32
          %dma_wait3A_152 = tpu.memref_slice %arg3[%multiple_of3A_140, %dma_wait3A_151] : memref<2528x128xi32, #tpu.memory_space<hbm>> -> memref<8x128xi32, #tpu.memory_space<hbm>>
          tpu.wait_dma2 semaphore(%run_scoped3A : memref<!tpu.dma_semaphore, #tpu.memory_space<semaphore_mem>>) src(%dma_wait3A_152 : memref<8x128xi32, #tpu.memory_space<hbm>>) dst(%arg7 : memref<8x128xi32, #tpu.memory_space<vmem>>)
          tpu.yield
        }) : () -> ()
        "tpu.region"() ({
          %run_scoped3A = tpu.sem_alloc : memref<!tpu.dma_semaphore, #tpu.memory_space<semaphore_mem>>
          %dma_start3A = arith.constant 0 : i32
          %dma_start3A_147 = tpu.memref_slice %arg4[%multiple_of3A_140, %dma_start3A] : memref<2528x128xi32, #tpu.memory_space<hbm>> -> memref<8x128xi32, #tpu.memory_space<hbm>>
          %dma_start3A_148 = arith.constant 0 : i32
          %dma_start3A_149 = tpu.memref_slice %arg4[%multiple_of3A_140, %dma_start3A_148] : memref<2528x128xi32, #tpu.memory_space<hbm>> -> memref<8x128xi32, #tpu.memory_space<hbm>>
          tpu.enqueue_dma source(%dma_start3A_149 : memref<8x128xi32, #tpu.memory_space<hbm>>) target(%arg8 : memref<8x128xi32, #tpu.memory_space<vmem>>) target_semaphore(%run_scoped3A : memref<!tpu.dma_semaphore, #tpu.memory_space<semaphore_mem>>)
          %dma_wait3A = arith.constant 0 : i32
          %dma_wait3A_150 = tpu.memref_slice %arg4[%multiple_of3A_140, %dma_wait3A] : memref<2528x128xi32, #tpu.memory_space<hbm>> -> memref<8x128xi32, #tpu.memory_space<hbm>>
          %dma_wait3A_151 = arith.constant 0 : i32
          %dma_wait3A_152 = tpu.memref_slice %arg4[%multiple_of3A_140, %dma_wait3A_151] : memref<2528x128xi32, #tpu.memory_space<hbm>> -> memref<8x128xi32, #tpu.memory_space<hbm>>
          tpu.wait_dma2 semaphore(%run_scoped3A : memref<!tpu.dma_semaphore, #tpu.memory_space<semaphore_mem>>) src(%dma_wait3A_152 : memref<8x128xi32, #tpu.memory_space<hbm>>) dst(%arg8 : memref<8x128xi32, #tpu.memory_space<vmem>>)
          tpu.yield
        }) : () -> ()
        %scan3A_141 = arith.constant 0 : i32
        %scan3A_142 = arith.constant 0 : i32
        %scan3A_143 = arith.constant 8 : i32
        %scan3A_144 = arith.addi %scan3A_142, %scan3A_143 : i32
        %scan3A_145 = arith.constant 1 : i32
        scf.for %scan3A_147 = %scan3A_142 to %scan3A_144 step %scan3A_145  : i32 {
          %dma_start3A = arith.constant 0 : i32
          %dma_start3A_148 = tpu.memref_slice %arg7[%scan3A_147, %dma_start3A] : memref<8x128xi32, #tpu.memory_space<vmem>> -> memref<1x128xi32, #tpu.memory_space<vmem>>
          %dma_start3A_149 = tpu.memref_squeeze %dma_start3A_148 : memref<1x128xi32, #tpu.memory_space<vmem>> -> memref<128xi32, #tpu.memory_space<vmem>>
          %dma_start3A_150 = arith.constant 0 : i32
          %dma_start3A_151 = arith.constant 0 : i32
          %dma_start3A_152 = tpu.memref_slice %arg2[%dma_start3A_150, %dma_start3A_151] : memref<10000x128xf32, #tpu.memory_space<hbm>> -> memref<10000x128xf32, #tpu.memory_space<hbm>>
          tpu.enqueue_indirect_dma source(%dma_start3A_152 : memref<10000x128xf32, #tpu.memory_space<hbm>>) target(%arg9 : memref<128x128xf32, #tpu.memory_space<vmem>>) offsets(%dma_start3A_149 : memref<128xi32, #tpu.memory_space<vmem>>) semaphore(%arg11 : memref<!tpu.dma_semaphore, #tpu.memory_space<semaphore_mem>>)
          %dma_wait3A = arith.constant 0 : i32
          %dma_wait3A_153 = tpu.memref_slice %arg7[%scan3A_147, %dma_wait3A] : memref<8x128xi32, #tpu.memory_space<vmem>> -> memref<1x128xi32, #tpu.memory_space<vmem>>
          %dma_wait3A_154 = tpu.memref_squeeze %dma_wait3A_153 : memref<1x128xi32, #tpu.memory_space<vmem>> -> memref<128xi32, #tpu.memory_space<vmem>>
          %dma_wait3A_155 = arith.constant 0 : i32
          %dma_wait3A_156 = arith.constant 0 : i32
          %dma_wait3A_157 = tpu.memref_slice %arg2[%dma_wait3A_155, %dma_wait3A_156] : memref<10000x128xf32, #tpu.memory_space<hbm>> -> memref<10000x128xf32, #tpu.memory_space<hbm>>
          tpu.wait_indirect_dma semaphore(%arg11 : memref<!tpu.dma_semaphore, #tpu.memory_space<semaphore_mem>>) src(%dma_wait3A_157 : memref<10000x128xf32, #tpu.memory_space<hbm>>) dst(%arg9 : memref<128x128xf32, #tpu.memory_space<vmem>>)
          "tpu.region"() ({
            %run_scoped3A = tpu.sem_alloc : memref<!tpu.dma_semaphore, #tpu.memory_space<semaphore_mem>>
            %dma_start3A_158 = arith.constant 0 : i32
            %dma_start3A_159 = tpu.memref_slice %arg8[%scan3A_147, %dma_start3A_158] : memref<8x128xi32, #tpu.memory_space<vmem>> -> memref<1x128xi32, #tpu.memory_space<vmem>>
            %dma_start3A_160 = tpu.memref_squeeze %dma_start3A_159 : memref<1x128xi32, #tpu.memory_space<vmem>> -> memref<128xi32, #tpu.memory_space<vmem>>
            %dma_start3A_161 = arith.constant 0 : i32
            %dma_start3A_162 = arith.constant 0 : i32
            %dma_start3A_163 = tpu.memref_slice %arg10[%dma_start3A_161, %dma_start3A_162] : memref<10112x128xf32, #tpu.memory_space<vmem_shared>> -> memref<10112x128xf32, #tpu.memory_space<vmem_shared>>
            tpu.enqueue_indirect_dma source(%arg9 : memref<128x128xf32, #tpu.memory_space<vmem>>) target(%dma_start3A_163 : memref<10112x128xf32, #tpu.memory_space<vmem_shared>>) offsets(%dma_start3A_160 : memref<128xi32, #tpu.memory_space<vmem>>) semaphore(%run_scoped3A : memref<!tpu.dma_semaphore, #tpu.memory_space<semaphore_mem>>) {add = true}
            %dma_wait3A_164 = arith.constant 0 : i32
            %dma_wait3A_165 = tpu.memref_slice %arg8[%scan3A_147, %dma_wait3A_164] : memref<8x128xi32, #tpu.memory_space<vmem>> -> memref<1x128xi32, #tpu.memory_space<vmem>>
            %dma_wait3A_166 = tpu.memref_squeeze %dma_wait3A_165 : memref<1x128xi32, #tpu.memory_space<vmem>> -> memref<128xi32, #tpu.memory_space<vmem>>
            %dma_wait3A_167 = arith.constant 0 : i32
            %dma_wait3A_168 = arith.constant 0 : i32
            %dma_wait3A_169 = tpu.memref_slice %arg10[%dma_wait3A_167, %dma_wait3A_168] : memref<10112x128xf32, #tpu.memory_space<vmem_shared>> -> memref<10112x128xf32, #tpu.memory_space<vmem_shared>>
            tpu.wait_indirect_dma semaphore(%run_scoped3A : memref<!tpu.dma_semaphore, #tpu.memory_space<semaphore_mem>>) src(%arg9 : memref<128x128xf32, #tpu.memory_space<vmem>>) dst(%dma_wait3A_169 : memref<10112x128xf32, #tpu.memory_space<vmem_shared>>)
            tpu.yield
          }) : () -> ()
        }
        %scan3A_146 = arith.constant 8 : i32
      }
      %scan3A_131 = arith.constant 158 : i32
    } else {
    }
    %barrier3A_27 = arith.constant 0 : index
    tpu.barrier barrier_id(%barrier3A_27)
    %add3A_28 = arith.constant 0 : i32
    %add3A_29 = arith.addi %multiple_of3A, %add3A_28 : i32
    %multiple_of3A_30 = tpu.assume_multiple %add3A_29, 8 : i32
    "tpu.region"() ({
      %run_scoped3A = tpu.sem_alloc : memref<!tpu.dma_semaphore, #tpu.memory_space<semaphore_mem>>
      %dma_start3A = arith.constant 0 : i32
      %dma_start3A_126 = arith.constant 0 : i32
      %dma_start3A_127 = tpu.memref_slice %arg9[%dma_start3A, %dma_start3A_126] : memref<128x128xf32, #tpu.memory_space<vmem>> -> memref<128x128xf32, #tpu.memory_space<vmem>>
      %dma_start3A_128 = arith.constant 0 : i32
      %dma_start3A_129 = tpu.memref_slice %arg10[%multiple_of3A_30, %dma_start3A_128] : memref<10112x128xf32, #tpu.memory_space<vmem_shared>> -> memref<128x128xf32, #tpu.memory_space<vmem_shared>>
      %dma_start3A_130 = arith.constant 0 : i32
      %dma_start3A_131 = arith.constant 0 : i32
      %dma_start3A_132 = tpu.memref_slice %arg9[%dma_start3A_130, %dma_start3A_131] : memref<128x128xf32, #tpu.memory_space<vmem>> -> memref<128x128xf32, #tpu.memory_space<vmem>>
      %dma_start3A_133 = arith.constant 0 : i32
      %dma_start3A_134 = tpu.memref_slice %arg10[%multiple_of3A_30, %dma_start3A_133] : memref<10112x128xf32, #tpu.memory_space<vmem_shared>> -> memref<128x128xf32, #tpu.memory_space<vmem_shared>>
      tpu.enqueue_dma source(%dma_start3A_134 : memref<128x128xf32, #tpu.memory_space<vmem_shared>>) target(%dma_start3A_132 : memref<128x128xf32, #tpu.memory_space<vmem>>) target_semaphore(%run_scoped3A : memref<!tpu.dma_semaphore, #tpu.memory_space<semaphore_mem>>)
      %dma_wait3A = arith.constant 0 : i32
      %dma_wait3A_135 = arith.constant 0 : i32
      %dma_wait3A_136 = tpu.memref_slice %arg9[%dma_wait3A, %dma_wait3A_135] : memref<128x128xf32, #tpu.memory_space<vmem>> -> memref<128x128xf32, #tpu.memory_space<vmem>>
      %dma_wait3A_137 = arith.constant 0 : i32
      %dma_wait3A_138 = tpu.memref_slice %arg10[%multiple_of3A_30, %dma_wait3A_137] : memref<10112x128xf32, #tpu.memory_space<vmem_shared>> -> memref<128x128xf32, #tpu.memory_space<vmem_shared>>
      %dma_wait3A_139 = arith.constant 0 : i32
      %dma_wait3A_140 = arith.constant 0 : i32
      %dma_wait3A_141 = tpu.memref_slice %arg9[%dma_wait3A_139, %dma_wait3A_140] : memref<128x128xf32, #tpu.memory_space<vmem>> -> memref<128x128xf32, #tpu.memory_space<vmem>>
      %dma_wait3A_142 = arith.constant 0 : i32
      %dma_wait3A_143 = tpu.memref_slice %arg10[%multiple_of3A_30, %dma_wait3A_142] : memref<10112x128xf32, #tpu.memory_space<vmem_shared>> -> memref<128x128xf32, #tpu.memory_space<vmem_shared>>
      tpu.wait_dma2 semaphore(%run_scoped3A : memref<!tpu.dma_semaphore, #tpu.memory_space<semaphore_mem>>) src(%dma_wait3A_143 : memref<128x128xf32, #tpu.memory_space<vmem_shared>>) dst(%dma_wait3A_141 : memref<128x128xf32, #tpu.memory_space<vmem>>)
      tpu.yield
    }) : () -> ()
    %add3A_31 = arith.constant 0 : i32
    %add3A_32 = arith.addi %multiple_of3A_3, %add3A_31 : i32
    %multiple_of3A_33 = tpu.assume_multiple %add3A_32, 8 : i32
    "tpu.region"() ({
      %run_scoped3A = tpu.sem_alloc : memref<!tpu.dma_semaphore, #tpu.memory_space<semaphore_mem>>
      %dma_start3A = arith.constant 0 : i32
      %dma_start3A_126 = arith.constant 0 : i32
      %dma_start3A_127 = tpu.memref_slice %arg9[%dma_start3A, %dma_start3A_126] : memref<128x128xf32, #tpu.memory_space<vmem>> -> memref<128x128xf32, #tpu.memory_space<vmem>>
      %dma_start3A_128 = arith.constant 0 : i32
      %dma_start3A_129 = tpu.memref_slice %arg5[%multiple_of3A_33, %dma_start3A_128] : memref<20224x128xf32, #tpu.memory_space<hbm>> -> memref<128x128xf32, #tpu.memory_space<hbm>>
      %dma_start3A_130 = arith.constant 0 : i32
      %dma_start3A_131 = tpu.memref_slice %arg5[%multiple_of3A_33, %dma_start3A_130] : memref<20224x128xf32, #tpu.memory_space<hbm>> -> memref<128x128xf32, #tpu.memory_space<hbm>>
      %dma_start3A_132 = arith.constant 0 : i32
      %dma_start3A_133 = arith.constant 0 : i32
      %dma_start3A_134 = tpu.memref_slice %arg9[%dma_start3A_132, %dma_start3A_133] : memref<128x128xf32, #tpu.memory_space<vmem>> -> memref<128x128xf32, #tpu.memory_space<vmem>>
      tpu.enqueue_dma source(%dma_start3A_134 : memref<128x128xf32, #tpu.memory_space<vmem>>) target(%dma_start3A_131 : memref<128x128xf32, #tpu.memory_space<hbm>>) target_semaphore(%run_scoped3A : memref<!tpu.dma_semaphore, #tpu.memory_space<semaphore_mem>>)
      %dma_wait3A = arith.constant 0 : i32
      %dma_wait3A_135 = arith.constant 0 : i32
      %dma_wait3A_136 = tpu.memref_slice %arg9[%dma_wait3A, %dma_wait3A_135] : memref<128x128xf32, #tpu.memory_space<vmem>> -> memref<128x128xf32, #tpu.memory_space<vmem>>
      %dma_wait3A_137 = arith.constant 0 : i32
      %dma_wait3A_138 = tpu.memref_slice %arg5[%multiple_of3A_33, %dma_wait3A_137] : memref<20224x128xf32, #tpu.memory_space<hbm>> -> memref<128x128xf32, #tpu.memory_space<hbm>>
      %dma_wait3A_139 = arith.constant 0 : i32
      %dma_wait3A_140 = tpu.memref_slice %arg5[%multiple_of3A_33, %dma_wait3A_139] : memref<20224x128xf32, #tpu.memory_space<hbm>> -> memref<128x128xf32, #tpu.memory_space<hbm>>
      %dma_wait3A_141 = arith.constant 0 : i32
      %dma_wait3A_142 = arith.constant 0 : i32
      %dma_wait3A_143 = tpu.memref_slice %arg9[%dma_wait3A_141, %dma_wait3A_142] : memref<128x128xf32, #tpu.memory_space<vmem>> -> memref<128x128xf32, #tpu.memory_space<vmem>>
      tpu.wait_dma2 semaphore(%run_scoped3A : memref<!tpu.dma_semaphore, #tpu.memory_space<semaphore_mem>>) src(%dma_wait3A_143 : memref<128x128xf32, #tpu.memory_space<vmem>>) dst(%dma_wait3A_140 : memref<128x128xf32, #tpu.memory_space<hbm>>)
      tpu.yield
    }) : () -> ()
    %add3A_34 = arith.constant 128 : i32
    %add3A_35 = arith.addi %multiple_of3A, %add3A_34 : i32
    %multiple_of3A_36 = tpu.assume_multiple %add3A_35, 8 : i32
    "tpu.region"() ({
      %run_scoped3A = tpu.sem_alloc : memref<!tpu.dma_semaphore, #tpu.memory_space<semaphore_mem>>
      %dma_start3A = arith.constant 0 : i32
      %dma_start3A_126 = arith.constant 0 : i32
      %dma_start3A_127 = tpu.memref_slice %arg9[%dma_start3A, %dma_start3A_126] : memref<128x128xf32, #tpu.memory_space<vmem>> -> memref<128x128xf32, #tpu.memory_space<vmem>>
      %dma_start3A_128 = arith.constant 0 : i32
      %dma_start3A_129 = tpu.memref_slice %arg10[%multiple_of3A_36, %dma_start3A_128] : memref<10112x128xf32, #tpu.memory_space<vmem_shared>> -> memref<128x128xf32, #tpu.memory_space<vmem_shared>>
      %dma_start3A_130 = arith.constant 0 : i32
      %dma_start3A_131 = arith.constant 0 : i32
      %dma_start3A_132 = tpu.memref_slice %arg9[%dma_start3A_130, %dma_start3A_131] : memref<128x128xf32, #tpu.memory_space<vmem>> -> memref<128x128xf32, #tpu.memory_space<vmem>>
      %dma_start3A_133 = arith.constant 0 : i32
      %dma_start3A_134 = tpu.memref_slice %arg10[%multiple_of3A_36, %dma_start3A_133] : memref<10112x128xf32, #tpu.memory_space<vmem_shared>> -> memref<128x128xf32, #tpu.memory_space<vmem_shared>>
      tpu.enqueue_dma source(%dma_start3A_134 : memref<128x128xf32, #tpu.memory_space<vmem_shared>>) target(%dma_start3A_132 : memref<128x128xf32, #tpu.memory_space<vmem>>) target_semaphore(%run_scoped3A : memref<!tpu.dma_semaphore, #tpu.memory_space<semaphore_mem>>)
      %dma_wait3A = arith.constant 0 : i32
      %dma_wait3A_135 = arith.constant 0 : i32
      %dma_wait3A_136 = tpu.memref_slice %arg9[%dma_wait3A, %dma_wait3A_135] : memref<128x128xf32, #tpu.memory_space<vmem>> -> memref<128x128xf32, #tpu.memory_space<vmem>>
      %dma_wait3A_137 = arith.constant 0 : i32
      %dma_wait3A_138 = tpu.memref_slice %arg10[%multiple_of3A_36, %dma_wait3A_137] : memref<10112x128xf32, #tpu.memory_space<vmem_shared>> -> memref<128x128xf32, #tpu.memory_space<vmem_shared>>
      %dma_wait3A_139 = arith.constant 0 : i32
      %dma_wait3A_140 = arith.constant 0 : i32
      %dma_wait3A_141 = tpu.memref_slice %arg9[%dma_wait3A_139, %dma_wait3A_140] : memref<128x128xf32, #tpu.memory_space<vmem>> -> memref<128x128xf32, #tpu.memory_space<vmem>>
      %dma_wait3A_142 = arith.constant 0 : i32
      %dma_wait3A_143 = tpu.memref_slice %arg10[%multiple_of3A_36, %dma_wait3A_142] : memref<10112x128xf32, #tpu.memory_space<vmem_shared>> -> memref<128x128xf32, #tpu.memory_space<vmem_shared>>
      tpu.wait_dma2 semaphore(%run_scoped3A : memref<!tpu.dma_semaphore, #tpu.memory_space<semaphore_mem>>) src(%dma_wait3A_143 : memref<128x128xf32, #tpu.memory_space<vmem_shared>>) dst(%dma_wait3A_141 : memref<128x128xf32, #tpu.memory_space<vmem>>)
      tpu.yield
    }) : () -> ()
    %add3A_37 = arith.constant 128 : i32
    %add3A_38 = arith.addi %multiple_of3A_3, %add3A_37 : i32
    %multiple_of3A_39 = tpu.assume_multiple %add3A_38, 8 : i32
    "tpu.region"() ({
      %run_scoped3A = tpu.sem_alloc : memref<!tpu.dma_semaphore, #tpu.memory_space<semaphore_mem>>
      %dma_start3A = arith.constant 0 : i32
      %dma_start3A_126 = arith.constant 0 : i32
      %dma_start3A_127 = tpu.memref_slice %arg9[%dma_start3A, %dma_start3A_126] : memref<128x128xf32, #tpu.memory_space<vmem>> -> memref<128x128xf32, #tpu.memory_space<vmem>>
      %dma_start3A_128 = arith.constant 0 : i32
      %dma_start3A_129 = tpu.memref_slice %arg5[%multiple_of3A_39, %dma_start3A_128] : memref<20224x128xf32, #tpu.memory_space<hbm>> -> memref<128x128xf32, #tpu.memory_space<hbm>>
      %dma_start3A_130 = arith.constant 0 : i32
      %dma_start3A_131 = tpu.memref_slice %arg5[%multiple_of3A_39, %dma_start3A_130] : memref<20224x128xf32, #tpu.memory_space<hbm>> -> memref<128x128xf32, #tpu.memory_space<hbm>>
      %dma_start3A_132 = arith.constant 0 : i32
      %dma_start3A_133 = arith.constant 0 : i32
      %dma_start3A_134 = tpu.memref_slice %arg9[%dma_start3A_132, %dma_start3A_133] : memref<128x128xf32, #tpu.memory_space<vmem>> -> memref<128x128xf32, #tpu.memory_space<vmem>>
      tpu.enqueue_dma source(%dma_start3A_134 : memref<128x128xf32, #tpu.memory_space<vmem>>) target(%dma_start3A_131 : memref<128x128xf32, #tpu.memory_space<hbm>>) target_semaphore(%run_scoped3A : memref<!tpu.dma_semaphore, #tpu.memory_space<semaphore_mem>>)
      %dma_wait3A = arith.constant 0 : i32
      %dma_wait3A_135 = arith.constant 0 : i32
      %dma_wait3A_136 = tpu.memref_slice %arg9[%dma_wait3A, %dma_wait3A_135] : memref<128x128xf32, #tpu.memory_space<vmem>> -> memref<128x128xf32, #tpu.memory_space<vmem>>
      %dma_wait3A_137 = arith.constant 0 : i32
      %dma_wait3A_138 = tpu.memref_slice %arg5[%multiple_of3A_39, %dma_wait3A_137] : memref<20224x128xf32, #tpu.memory_space<hbm>> -> memref<128x128xf32, #tpu.memory_space<hbm>>
      %dma_wait3A_139 = arith.constant 0 : i32
      %dma_wait3A_140 = tpu.memref_slice %arg5[%multiple_of3A_39, %dma_wait3A_139] : memref<20224x128xf32, #tpu.memory_space<hbm>> -> memref<128x128xf32, #tpu.memory_space<hbm>>
      %dma_wait3A_141 = arith.constant 0 : i32
      %dma_wait3A_142 = arith.constant 0 : i32
      %dma_wait3A_143 = tpu.memref_slice %arg9[%dma_wait3A_141, %dma_wait3A_142] : memref<128x128xf32, #tpu.memory_space<vmem>> -> memref<128x128xf32, #tpu.memory_space<vmem>>
      tpu.wait_dma2 semaphore(%run_scoped3A : memref<!tpu.dma_semaphore, #tpu.memory_space<semaphore_mem>>) src(%dma_wait3A_143 : memref<128x128xf32, #tpu.memory_space<vmem>>) dst(%dma_wait3A_140 : memref<128x128xf32, #tpu.memory_space<hbm>>)
      tpu.yield
    }) : () -> ()
    %add3A_40 = arith.constant 256 : i32
    %add3A_41 = arith.addi %multiple_of3A, %add3A_40 : i32
    %multiple_of3A_42 = tpu.assume_multiple %add3A_41, 8 : i32
    "tpu.region"() ({
      %run_scoped3A = tpu.sem_alloc : memref<!tpu.dma_semaphore, #tpu.memory_space<semaphore_mem>>
      %dma_start3A = arith.constant 0 : i32
      %dma_start3A_126 = arith.constant 0 : i32
      %dma_start3A_127 = tpu.memref_slice %arg9[%dma_start3A, %dma_start3A_126] : memref<128x128xf32, #tpu.memory_space<vmem>> -> memref<128x128xf32, #tpu.memory_space<vmem>>
      %dma_start3A_128 = arith.constant 0 : i32
      %dma_start3A_129 = tpu.memref_slice %arg10[%multiple_of3A_42, %dma_start3A_128] : memref<10112x128xf32, #tpu.memory_space<vmem_shared>> -> memref<128x128xf32, #tpu.memory_space<vmem_shared>>
      %dma_start3A_130 = arith.constant 0 : i32
      %dma_start3A_131 = arith.constant 0 : i32
      %dma_start3A_132 = tpu.memref_slice %arg9[%dma_start3A_130, %dma_start3A_131] : memref<128x128xf32, #tpu.memory_space<vmem>> -> memref<128x128xf32, #tpu.memory_space<vmem>>
      %dma_start3A_133 = arith.constant 0 : i32
      %dma_start3A_134 = tpu.memref_slice %arg10[%multiple_of3A_42, %dma_start3A_133] : memref<10112x128xf32, #tpu.memory_space<vmem_shared>> -> memref<128x128xf32, #tpu.memory_space<vmem_shared>>
      tpu.enqueue_dma source(%dma_start3A_134 : memref<128x128xf32, #tpu.memory_space<vmem_shared>>) target(%dma_start3A_132 : memref<128x128xf32, #tpu.memory_space<vmem>>) target_semaphore(%run_scoped3A : memref<!tpu.dma_semaphore, #tpu.memory_space<semaphore_mem>>)
      %dma_wait3A = arith.constant 0 : i32
      %dma_wait3A_135 = arith.constant 0 : i32
      %dma_wait3A_136 = tpu.memref_slice %arg9[%dma_wait3A, %dma_wait3A_135] : memref<128x128xf32, #tpu.memory_space<vmem>> -> memref<128x128xf32, #tpu.memory_space<vmem>>
      %dma_wait3A_137 = arith.constant 0 : i32
      %dma_wait3A_138 = tpu.memref_slice %arg10[%multiple_of3A_42, %dma_wait3A_137] : memref<10112x128xf32, #tpu.memory_space<vmem_shared>> -> memref<128x128xf32, #tpu.memory_space<vmem_shared>>
      %dma_wait3A_139 = arith.constant 0 : i32
      %dma_wait3A_140 = arith.constant 0 : i32
      %dma_wait3A_141 = tpu.memref_slice %arg9[%dma_wait3A_139, %dma_wait3A_140] : memref<128x128xf32, #tpu.memory_space<vmem>> -> memref<128x128xf32, #tpu.memory_space<vmem>>
      %dma_wait3A_142 = arith.constant 0 : i32
      %dma_wait3A_143 = tpu.memref_slice %arg10[%multiple_of3A_42, %dma_wait3A_142] : memref<10112x128xf32, #tpu.memory_space<vmem_shared>> -> memref<128x128xf32, #tpu.memory_space<vmem_shared>>
      tpu.wait_dma2 semaphore(%run_scoped3A : memref<!tpu.dma_semaphore, #tpu.memory_space<semaphore_mem>>) src(%dma_wait3A_143 : memref<128x128xf32, #tpu.memory_space<vmem_shared>>) dst(%dma_wait3A_141 : memref<128x128xf32, #tpu.memory_space<vmem>>)
      tpu.yield
    }) : () -> ()
    %add3A_43 = arith.constant 256 : i32
    %add3A_44 = arith.addi %multiple_of3A_3, %add3A_43 : i32
    %multiple_of3A_45 = tpu.assume_multiple %add3A_44, 8 : i32
    "tpu.region"() ({
      %run_scoped3A = tpu.sem_alloc : memref<!tpu.dma_semaphore, #tpu.memory_space<semaphore_mem>>
      %dma_start3A = arith.constant 0 : i32
      %dma_start3A_126 = arith.constant 0 : i32
      %dma_start3A_127 = tpu.memref_slice %arg9[%dma_start3A, %dma_start3A_126] : memref<128x128xf32, #tpu.memory_space<vmem>> -> memref<128x128xf32, #tpu.memory_space<vmem>>
      %dma_start3A_128 = arith.constant 0 : i32
      %dma_start3A_129 = tpu.memref_slice %arg5[%multiple_of3A_45, %dma_start3A_128] : memref<20224x128xf32, #tpu.memory_space<hbm>> -> memref<128x128xf32, #tpu.memory_space<hbm>>
      %dma_start3A_130 = arith.constant 0 : i32
      %dma_start3A_131 = tpu.memref_slice %arg5[%multiple_of3A_45, %dma_start3A_130] : memref<20224x128xf32, #tpu.memory_space<hbm>> -> memref<128x128xf32, #tpu.memory_space<hbm>>
      %dma_start3A_132 = arith.constant 0 : i32
      %dma_start3A_133 = arith.constant 0 : i32
      %dma_start3A_134 = tpu.memref_slice %arg9[%dma_start3A_132, %dma_start3A_133] : memref<128x128xf32, #tpu.memory_space<vmem>> -> memref<128x128xf32, #tpu.memory_space<vmem>>
      tpu.enqueue_dma source(%dma_start3A_134 : memref<128x128xf32, #tpu.memory_space<vmem>>) target(%dma_start3A_131 : memref<128x128xf32, #tpu.memory_space<hbm>>) target_semaphore(%run_scoped3A : memref<!tpu.dma_semaphore, #tpu.memory_space<semaphore_mem>>)
      %dma_wait3A = arith.constant 0 : i32
      %dma_wait3A_135 = arith.constant 0 : i32
      %dma_wait3A_136 = tpu.memref_slice %arg9[%dma_wait3A, %dma_wait3A_135] : memref<128x128xf32, #tpu.memory_space<vmem>> -> memref<128x128xf32, #tpu.memory_space<vmem>>
      %dma_wait3A_137 = arith.constant 0 : i32
      %dma_wait3A_138 = tpu.memref_slice %arg5[%multiple_of3A_45, %dma_wait3A_137] : memref<20224x128xf32, #tpu.memory_space<hbm>> -> memref<128x128xf32, #tpu.memory_space<hbm>>
      %dma_wait3A_139 = arith.constant 0 : i32
      %dma_wait3A_140 = tpu.memref_slice %arg5[%multiple_of3A_45, %dma_wait3A_139] : memref<20224x128xf32, #tpu.memory_space<hbm>> -> memref<128x128xf32, #tpu.memory_space<hbm>>
      %dma_wait3A_141 = arith.constant 0 : i32
      %dma_wait3A_142 = arith.constant 0 : i32
      %dma_wait3A_143 = tpu.memref_slice %arg9[%dma_wait3A_141, %dma_wait3A_142] : memref<128x128xf32, #tpu.memory_space<vmem>> -> memref<128x128xf32, #tpu.memory_space<vmem>>
      tpu.wait_dma2 semaphore(%run_scoped3A : memref<!tpu.dma_semaphore, #tpu.memory_space<semaphore_mem>>) src(%dma_wait3A_143 : memref<128x128xf32, #tpu.memory_space<vmem>>) dst(%dma_wait3A_140 : memref<128x128xf32, #tpu.memory_space<hbm>>)
      tpu.yield
    }) : () -> ()
    %add3A_46 = arith.constant 384 : i32
    %add3A_47 = arith.addi %multiple_of3A, %add3A_46 : i32
    %multiple_of3A_48 = tpu.assume_multiple %add3A_47, 8 : i32
    "tpu.region"() ({
      %run_scoped3A = tpu.sem_alloc : memref<!tpu.dma_semaphore, #tpu.memory_space<semaphore_mem>>
      %dma_start3A = arith.constant 0 : i32
      %dma_start3A_126 = arith.constant 0 : i32
      %dma_start3A_127 = tpu.memref_slice %arg9[%dma_start3A, %dma_start3A_126] : memref<128x128xf32, #tpu.memory_space<vmem>> -> memref<128x128xf32, #tpu.memory_space<vmem>>
      %dma_start3A_128 = arith.constant 0 : i32
      %dma_start3A_129 = tpu.memref_slice %arg10[%multiple_of3A_48, %dma_start3A_128] : memref<10112x128xf32, #tpu.memory_space<vmem_shared>> -> memref<128x128xf32, #tpu.memory_space<vmem_shared>>
      %dma_start3A_130 = arith.constant 0 : i32
      %dma_start3A_131 = arith.constant 0 : i32
      %dma_start3A_132 = tpu.memref_slice %arg9[%dma_start3A_130, %dma_start3A_131] : memref<128x128xf32, #tpu.memory_space<vmem>> -> memref<128x128xf32, #tpu.memory_space<vmem>>
      %dma_start3A_133 = arith.constant 0 : i32
      %dma_start3A_134 = tpu.memref_slice %arg10[%multiple_of3A_48, %dma_start3A_133] : memref<10112x128xf32, #tpu.memory_space<vmem_shared>> -> memref<128x128xf32, #tpu.memory_space<vmem_shared>>
      tpu.enqueue_dma source(%dma_start3A_134 : memref<128x128xf32, #tpu.memory_space<vmem_shared>>) target(%dma_start3A_132 : memref<128x128xf32, #tpu.memory_space<vmem>>) target_semaphore(%run_scoped3A : memref<!tpu.dma_semaphore, #tpu.memory_space<semaphore_mem>>)
      %dma_wait3A = arith.constant 0 : i32
      %dma_wait3A_135 = arith.constant 0 : i32
      %dma_wait3A_136 = tpu.memref_slice %arg9[%dma_wait3A, %dma_wait3A_135] : memref<128x128xf32, #tpu.memory_space<vmem>> -> memref<128x128xf32, #tpu.memory_space<vmem>>
      %dma_wait3A_137 = arith.constant 0 : i32
      %dma_wait3A_138 = tpu.memref_slice %arg10[%multiple_of3A_48, %dma_wait3A_137] : memref<10112x128xf32, #tpu.memory_space<vmem_shared>> -> memref<128x128xf32, #tpu.memory_space<vmem_shared>>
      %dma_wait3A_139 = arith.constant 0 : i32
      %dma_wait3A_140 = arith.constant 0 : i32
      %dma_wait3A_141 = tpu.memref_slice %arg9[%dma_wait3A_139, %dma_wait3A_140] : memref<128x128xf32, #tpu.memory_space<vmem>> -> memref<128x128xf32, #tpu.memory_space<vmem>>
      %dma_wait3A_142 = arith.constant 0 : i32
      %dma_wait3A_143 = tpu.memref_slice %arg10[%multiple_of3A_48, %dma_wait3A_142] : memref<10112x128xf32, #tpu.memory_space<vmem_shared>> -> memref<128x128xf32, #tpu.memory_space<vmem_shared>>
      tpu.wait_dma2 semaphore(%run_scoped3A : memref<!tpu.dma_semaphore, #tpu.memory_space<semaphore_mem>>) src(%dma_wait3A_143 : memref<128x128xf32, #tpu.memory_space<vmem_shared>>) dst(%dma_wait3A_141 : memref<128x128xf32, #tpu.memory_space<vmem>>)
      tpu.yield
    }) : () -> ()
    %add3A_49 = arith.constant 384 : i32
    %add3A_50 = arith.addi %multiple_of3A_3, %add3A_49 : i32
    %multiple_of3A_51 = tpu.assume_multiple %add3A_50, 8 : i32
    "tpu.region"() ({
      %run_scoped3A = tpu.sem_alloc : memref<!tpu.dma_semaphore, #tpu.memory_space<semaphore_mem>>
      %dma_start3A = arith.constant 0 : i32
      %dma_start3A_126 = arith.constant 0 : i32
      %dma_start3A_127 = tpu.memref_slice %arg9[%dma_start3A, %dma_start3A_126] : memref<128x128xf32, #tpu.memory_space<vmem>> -> memref<128x128xf32, #tpu.memory_space<vmem>>
      %dma_start3A_128 = arith.constant 0 : i32
      %dma_start3A_129 = tpu.memref_slice %arg5[%multiple_of3A_51, %dma_start3A_128] : memref<20224x128xf32, #tpu.memory_space<hbm>> -> memref<128x128xf32, #tpu.memory_space<hbm>>
      %dma_start3A_130 = arith.constant 0 : i32
      %dma_start3A_131 = tpu.memref_slice %arg5[%multiple_of3A_51, %dma_start3A_130] : memref<20224x128xf32, #tpu.memory_space<hbm>> -> memref<128x128xf32, #tpu.memory_space<hbm>>
      %dma_start3A_132 = arith.constant 0 : i32
      %dma_start3A_133 = arith.constant 0 : i32
      %dma_start3A_134 = tpu.memref_slice %arg9[%dma_start3A_132, %dma_start3A_133] : memref<128x128xf32, #tpu.memory_space<vmem>> -> memref<128x128xf32, #tpu.memory_space<vmem>>
      tpu.enqueue_dma source(%dma_start3A_134 : memref<128x128xf32, #tpu.memory_space<vmem>>) target(%dma_start3A_131 : memref<128x128xf32, #tpu.memory_space<hbm>>) target_semaphore(%run_scoped3A : memref<!tpu.dma_semaphore, #tpu.memory_space<semaphore_mem>>)
      %dma_wait3A = arith.constant 0 : i32
      %dma_wait3A_135 = arith.constant 0 : i32
      %dma_wait3A_136 = tpu.memref_slice %arg9[%dma_wait3A, %dma_wait3A_135] : memref<128x128xf32, #tpu.memory_space<vmem>> -> memref<128x128xf32, #tpu.memory_space<vmem>>
      %dma_wait3A_137 = arith.constant 0 : i32
      %dma_wait3A_138 = tpu.memref_slice %arg5[%multiple_of3A_51, %dma_wait3A_137] : memref<20224x128xf32, #tpu.memory_space<hbm>> -> memref<128x128xf32, #tpu.memory_space<hbm>>
      %dma_wait3A_139 = arith.constant 0 : i32
      %dma_wait3A_140 = tpu.memref_slice %arg5[%multiple_of3A_51, %dma_wait3A_139] : memref<20224x128xf32, #tpu.memory_space<hbm>> -> memref<128x128xf32, #tpu.memory_space<hbm>>
      %dma_wait3A_141 = arith.constant 0 : i32
      %dma_wait3A_142 = arith.constant 0 : i32
      %dma_wait3A_143 = tpu.memref_slice %arg9[%dma_wait3A_141, %dma_wait3A_142] : memref<128x128xf32, #tpu.memory_space<vmem>> -> memref<128x128xf32, #tpu.memory_space<vmem>>
      tpu.wait_dma2 semaphore(%run_scoped3A : memref<!tpu.dma_semaphore, #tpu.memory_space<semaphore_mem>>) src(%dma_wait3A_143 : memref<128x128xf32, #tpu.memory_space<vmem>>) dst(%dma_wait3A_140 : memref<128x128xf32, #tpu.memory_space<hbm>>)
      tpu.yield
    }) : () -> ()
    %add3A_52 = arith.constant 512 : i32
    %add3A_53 = arith.addi %multiple_of3A, %add3A_52 : i32
    %multiple_of3A_54 = tpu.assume_multiple %add3A_53, 8 : i32
    "tpu.region"() ({
      %run_scoped3A = tpu.sem_alloc : memref<!tpu.dma_semaphore, #tpu.memory_space<semaphore_mem>>
      %dma_start3A = arith.constant 0 : i32
      %dma_start3A_126 = arith.constant 0 : i32
      %dma_start3A_127 = tpu.memref_slice %arg9[%dma_start3A, %dma_start3A_126] : memref<128x128xf32, #tpu.memory_space<vmem>> -> memref<120x128xf32, #tpu.memory_space<vmem>>
      %dma_start3A_128 = arith.constant 0 : i32
      %dma_start3A_129 = tpu.memref_slice %arg10[%multiple_of3A_54, %dma_start3A_128] : memref<10112x128xf32, #tpu.memory_space<vmem_shared>> -> memref<120x128xf32, #tpu.memory_space<vmem_shared>>
      %dma_start3A_130 = arith.constant 0 : i32
      %dma_start3A_131 = arith.constant 0 : i32
      %dma_start3A_132 = tpu.memref_slice %arg9[%dma_start3A_130, %dma_start3A_131] : memref<128x128xf32, #tpu.memory_space<vmem>> -> memref<120x128xf32, #tpu.memory_space<vmem>>
      %dma_start3A_133 = arith.constant 0 : i32
      %dma_start3A_134 = tpu.memref_slice %arg10[%multiple_of3A_54, %dma_start3A_133] : memref<10112x128xf32, #tpu.memory_space<vmem_shared>> -> memref<120x128xf32, #tpu.memory_space<vmem_shared>>
      tpu.enqueue_dma source(%dma_start3A_134 : memref<120x128xf32, #tpu.memory_space<vmem_shared>>) target(%dma_start3A_132 : memref<120x128xf32, #tpu.memory_space<vmem>>) target_semaphore(%run_scoped3A : memref<!tpu.dma_semaphore, #tpu.memory_space<semaphore_mem>>)
      %dma_wait3A = arith.constant 0 : i32
      %dma_wait3A_135 = arith.constant 0 : i32
      %dma_wait3A_136 = tpu.memref_slice %arg9[%dma_wait3A, %dma_wait3A_135] : memref<128x128xf32, #tpu.memory_space<vmem>> -> memref<120x128xf32, #tpu.memory_space<vmem>>
      %dma_wait3A_137 = arith.constant 0 : i32
      %dma_wait3A_138 = tpu.memref_slice %arg10[%multiple_of3A_54, %dma_wait3A_137] : memref<10112x128xf32, #tpu.memory_space<vmem_shared>> -> memref<120x128xf32, #tpu.memory_space<vmem_shared>>
      %dma_wait3A_139 = arith.constant 0 : i32
      %dma_wait3A_140 = arith.constant 0 : i32
      %dma_wait3A_141 = tpu.memref_slice %arg9[%dma_wait3A_139, %dma_wait3A_140] : memref<128x128xf32, #tpu.memory_space<vmem>> -> memref<120x128xf32, #tpu.memory_space<vmem>>
      %dma_wait3A_142 = arith.constant 0 : i32
      %dma_wait3A_143 = tpu.memref_slice %arg10[%multiple_of3A_54, %dma_wait3A_142] : memref<10112x128xf32, #tpu.memory_space<vmem_shared>> -> memref<120x128xf32, #tpu.memory_space<vmem_shared>>
      tpu.wait_dma2 semaphore(%run_scoped3A : memref<!tpu.dma_semaphore, #tpu.memory_space<semaphore_mem>>) src(%dma_wait3A_143 : memref<120x128xf32, #tpu.memory_space<vmem_shared>>) dst(%dma_wait3A_141 : memref<120x128xf32, #tpu.memory_space<vmem>>)
      tpu.yield
    }) : () -> ()
    %add3A_55 = arith.constant 512 : i32
    %add3A_56 = arith.addi %multiple_of3A_3, %add3A_55 : i32
    %multiple_of3A_57 = tpu.assume_multiple %add3A_56, 8 : i32
    "tpu.region"() ({
      %run_scoped3A = tpu.sem_alloc : memref<!tpu.dma_semaphore, #tpu.memory_space<semaphore_mem>>
      %dma_start3A = arith.constant 0 : i32
      %dma_start3A_126 = arith.constant 0 : i32
      %dma_start3A_127 = tpu.memref_slice %arg9[%dma_start3A, %dma_start3A_126] : memref<128x128xf32, #tpu.memory_space<vmem>> -> memref<120x128xf32, #tpu.memory_space<vmem>>
      %dma_start3A_128 = arith.constant 0 : i32
      %dma_start3A_129 = tpu.memref_slice %arg5[%multiple_of3A_57, %dma_start3A_128] : memref<20224x128xf32, #tpu.memory_space<hbm>> -> memref<120x128xf32, #tpu.memory_space<hbm>>
      %dma_start3A_130 = arith.constant 0 : i32
      %dma_start3A_131 = tpu.memref_slice %arg5[%multiple_of3A_57, %dma_start3A_130] : memref<20224x128xf32, #tpu.memory_space<hbm>> -> memref<120x128xf32, #tpu.memory_space<hbm>>
      %dma_start3A_132 = arith.constant 0 : i32
      %dma_start3A_133 = arith.constant 0 : i32
      %dma_start3A_134 = tpu.memref_slice %arg9[%dma_start3A_132, %dma_start3A_133] : memref<128x128xf32, #tpu.memory_space<vmem>> -> memref<120x128xf32, #tpu.memory_space<vmem>>
      tpu.enqueue_dma source(%dma_start3A_134 : memref<120x128xf32, #tpu.memory_space<vmem>>) target(%dma_start3A_131 : memref<120x128xf32, #tpu.memory_space<hbm>>) target_semaphore(%run_scoped3A : memref<!tpu.dma_semaphore, #tpu.memory_space<semaphore_mem>>)
      %dma_wait3A = arith.constant 0 : i32
      %dma_wait3A_135 = arith.constant 0 : i32
      %dma_wait3A_136 = tpu.memref_slice %arg9[%dma_wait3A, %dma_wait3A_135] : memref<128x128xf32, #tpu.memory_space<vmem>> -> memref<120x128xf32, #tpu.memory_space<vmem>>
      %dma_wait3A_137 = arith.constant 0 : i32
      %dma_wait3A_138 = tpu.memref_slice %arg5[%multiple_of3A_57, %dma_wait3A_137] : memref<20224x128xf32, #tpu.memory_space<hbm>> -> memref<120x128xf32, #tpu.memory_space<hbm>>
      %dma_wait3A_139 = arith.constant 0 : i32
      %dma_wait3A_140 = tpu.memref_slice %arg5[%multiple_of3A_57, %dma_wait3A_139] : memref<20224x128xf32, #tpu.memory_space<hbm>> -> memref<120x128xf32, #tpu.memory_space<hbm>>
      %dma_wait3A_141 = arith.constant 0 : i32
      %dma_wait3A_142 = arith.constant 0 : i32
      %dma_wait3A_143 = tpu.memref_slice %arg9[%dma_wait3A_141, %dma_wait3A_142] : memref<128x128xf32, #tpu.memory_space<vmem>> -> memref<120x128xf32, #tpu.memory_space<vmem>>
      tpu.wait_dma2 semaphore(%run_scoped3A : memref<!tpu.dma_semaphore, #tpu.memory_space<semaphore_mem>>) src(%dma_wait3A_143 : memref<120x128xf32, #tpu.memory_space<vmem>>) dst(%dma_wait3A_140 : memref<120x128xf32, #tpu.memory_space<hbm>>)
      tpu.yield
    }) : () -> ()
    %broadcast_in_dim3A_58 = arith.constant 0.000000e+00 : f32
    %broadcast_in_dim3A_59 = vector.broadcast %broadcast_in_dim3A_58 : f32 to vector<16xf32>
    %scan3A_60 = arith.constant 0 : i32
    %scan3A_61 = arith.constant 0 : i32
    %scan3A_62 = arith.constant 128 : i32
    %scan3A_63 = arith.addi %scan3A_61, %scan3A_62 : i32
    %scan3A_64 = arith.constant 1 : i32
    scf.for %scan3A_126 = %scan3A_61 to %scan3A_63 step %scan3A_64  : i32 {
      %swap3A = arith.index_cast %scan3A_126 : i32 to index
      %swap3A_127 = arith.constant 0 : index
      %swap3A_128 = tpu.vector_load %arg9[%swap3A, %swap3A_127] {strides = array<i32>} : memref<128x128xf32, #tpu.memory_space<vmem>>, vector<1x16xf32>,
      %swap3A_129 = vector.shape_cast %swap3A_128 : vector<1x16xf32> to vector<16xf32>
      %swap3A_130 = vector.shape_cast %broadcast_in_dim3A_59 : vector<16xf32> to vector<1x16xf32>
      tpu.vector_store %arg9[%swap3A, %swap3A_127], %swap3A_130 {strides = array<i32>} : memref<128x128xf32, #tpu.memory_space<vmem>>, vector<1x16xf32>,
      %swap3A_131 = arith.index_cast %scan3A_126 : i32 to index
      %swap3A_132 = arith.constant 16 : index
      %swap3A_133 = tpu.vector_load %arg9[%swap3A_131, %swap3A_132] {strides = array<i32>} : memref<128x128xf32, #tpu.memory_space<vmem>>, vector<1x16xf32>,
      %swap3A_134 = vector.shape_cast %swap3A_133 : vector<1x16xf32> to vector<16xf32>
      %swap3A_135 = vector.shape_cast %broadcast_in_dim3A_59 : vector<16xf32> to vector<1x16xf32>
      tpu.vector_store %arg9[%swap3A_131, %swap3A_132], %swap3A_135 {strides = array<i32>} : memref<128x128xf32, #tpu.memory_space<vmem>>, vector<1x16xf32>,
      %swap3A_136 = arith.index_cast %scan3A_126 : i32 to index
      %swap3A_137 = arith.constant 32 : index
      %swap3A_138 = tpu.vector_load %arg9[%swap3A_136, %swap3A_137] {strides = array<i32>} : memref<128x128xf32, #tpu.memory_space<vmem>>, vector<1x16xf32>,
      %swap3A_139 = vector.shape_cast %swap3A_138 : vector<1x16xf32> to vector<16xf32>
      %swap3A_140 = vector.shape_cast %broadcast_in_dim3A_59 : vector<16xf32> to vector<1x16xf32>
      tpu.vector_store %arg9[%swap3A_136, %swap3A_137], %swap3A_140 {strides = array<i32>} : memref<128x128xf32, #tpu.memory_space<vmem>>, vector<1x16xf32>,
      %swap3A_141 = arith.index_cast %scan3A_126 : i32 to index
      %swap3A_142 = arith.constant 48 : index
      %swap3A_143 = tpu.vector_load %arg9[%swap3A_141, %swap3A_142] {strides = array<i32>} : memref<128x128xf32, #tpu.memory_space<vmem>>, vector<1x16xf32>,
      %swap3A_144 = vector.shape_cast %swap3A_143 : vector<1x16xf32> to vector<16xf32>
      %swap3A_145 = vector.shape_cast %broadcast_in_dim3A_59 : vector<16xf32> to vector<1x16xf32>
      tpu.vector_store %arg9[%swap3A_141, %swap3A_142], %swap3A_145 {strides = array<i32>} : memref<128x128xf32, #tpu.memory_space<vmem>>, vector<1x16xf32>,
      %swap3A_146 = arith.index_cast %scan3A_126 : i32 to index
      %swap3A_147 = arith.constant 64 : index
      %swap3A_148 = tpu.vector_load %arg9[%swap3A_146, %swap3A_147] {strides = array<i32>} : memref<128x128xf32, #tpu.memory_space<vmem>>, vector<1x16xf32>,
      %swap3A_149 = vector.shape_cast %swap3A_148 : vector<1x16xf32> to vector<16xf32>
      %swap3A_150 = vector.shape_cast %broadcast_in_dim3A_59 : vector<16xf32> to vector<1x16xf32>
      tpu.vector_store %arg9[%swap3A_146, %swap3A_147], %swap3A_150 {strides = array<i32>} : memref<128x128xf32, #tpu.memory_space<vmem>>, vector<1x16xf32>,
      %swap3A_151 = arith.index_cast %scan3A_126 : i32 to index
      %swap3A_152 = arith.constant 80 : index
      %swap3A_153 = tpu.vector_load %arg9[%swap3A_151, %swap3A_152] {strides = array<i32>} : memref<128x128xf32, #tpu.memory_space<vmem>>, vector<1x16xf32>,
      %swap3A_154 = vector.shape_cast %swap3A_153 : vector<1x16xf32> to vector<16xf32>
      %swap3A_155 = vector.shape_cast %broadcast_in_dim3A_59 : vector<16xf32> to vector<1x16xf32>
      tpu.vector_store %arg9[%swap3A_151, %swap3A_152], %swap3A_155 {strides = array<i32>} : memref<128x128xf32, #tpu.memory_space<vmem>>, vector<1x16xf32>,
      %swap3A_156 = arith.index_cast %scan3A_126 : i32 to index
      %swap3A_157 = arith.constant 96 : index
      %swap3A_158 = tpu.vector_load %arg9[%swap3A_156, %swap3A_157] {strides = array<i32>} : memref<128x128xf32, #tpu.memory_space<vmem>>, vector<1x16xf32>,
      %swap3A_159 = vector.shape_cast %swap3A_158 : vector<1x16xf32> to vector<16xf32>
      %swap3A_160 = vector.shape_cast %broadcast_in_dim3A_59 : vector<16xf32> to vector<1x16xf32>
      tpu.vector_store %arg9[%swap3A_156, %swap3A_157], %swap3A_160 {strides = array<i32>} : memref<128x128xf32, #tpu.memory_space<vmem>>, vector<1x16xf32>,
      %swap3A_161 = arith.index_cast %scan3A_126 : i32 to index
      %swap3A_162 = arith.constant 112 : index
      %swap3A_163 = tpu.vector_load %arg9[%swap3A_161, %swap3A_162] {strides = array<i32>} : memref<128x128xf32, #tpu.memory_space<vmem>>, vector<1x16xf32>,
      %swap3A_164 = vector.shape_cast %swap3A_163 : vector<1x16xf32> to vector<16xf32>
      %swap3A_165 = vector.shape_cast %broadcast_in_dim3A_59 : vector<16xf32> to vector<1x16xf32>
      tpu.vector_store %arg9[%swap3A_161, %swap3A_162], %swap3A_165 {strides = array<i32>} : memref<128x128xf32, #tpu.memory_space<vmem>>, vector<1x16xf32>,
    }
    %scan3A_65 = arith.constant 128 : i32
    %add3A_66 = arith.constant 0 : i32
    %add3A_67 = arith.addi %multiple_of3A, %add3A_66 : i32
    %multiple_of3A_68 = tpu.assume_multiple %add3A_67, 8 : i32
    "tpu.region"() ({
      %run_scoped3A = tpu.sem_alloc : memref<!tpu.dma_semaphore, #tpu.memory_space<semaphore_mem>>
      %dma_start3A = arith.constant 0 : i32
      %dma_start3A_126 = arith.constant 0 : i32
      %dma_start3A_127 = tpu.memref_slice %arg9[%dma_start3A, %dma_start3A_126] : memref<128x128xf32, #tpu.memory_space<vmem>> -> memref<128x128xf32, #tpu.memory_space<vmem>>
      %dma_start3A_128 = arith.constant 0 : i32
      %dma_start3A_129 = tpu.memref_slice %arg10[%multiple_of3A_68, %dma_start3A_128] : memref<10112x128xf32, #tpu.memory_space<vmem_shared>> -> memref<128x128xf32, #tpu.memory_space<vmem_shared>>
      %dma_start3A_130 = arith.constant 0 : i32
      %dma_start3A_131 = tpu.memref_slice %arg10[%multiple_of3A_68, %dma_start3A_130] : memref<10112x128xf32, #tpu.memory_space<vmem_shared>> -> memref<128x128xf32, #tpu.memory_space<vmem_shared>>
      %dma_start3A_132 = arith.constant 0 : i32
      %dma_start3A_133 = arith.constant 0 : i32
      %dma_start3A_134 = tpu.memref_slice %arg9[%dma_start3A_132, %dma_start3A_133] : memref<128x128xf32, #tpu.memory_space<vmem>> -> memref<128x128xf32, #tpu.memory_space<vmem>>
      tpu.enqueue_dma source(%dma_start3A_134 : memref<128x128xf32, #tpu.memory_space<vmem>>) target(%dma_start3A_131 : memref<128x128xf32, #tpu.memory_space<vmem_shared>>) target_semaphore(%run_scoped3A : memref<!tpu.dma_semaphore, #tpu.memory_space<semaphore_mem>>)
      %dma_wait3A = arith.constant 0 : i32
      %dma_wait3A_135 = arith.constant 0 : i32
      %dma_wait3A_136 = tpu.memref_slice %arg9[%dma_wait3A, %dma_wait3A_135] : memref<128x128xf32, #tpu.memory_space<vmem>> -> memref<128x128xf32, #tpu.memory_space<vmem>>
      %dma_wait3A_137 = arith.constant 0 : i32
      %dma_wait3A_138 = tpu.memref_slice %arg10[%multiple_of3A_68, %dma_wait3A_137] : memref<10112x128xf32, #tpu.memory_space<vmem_shared>> -> memref<128x128xf32, #tpu.memory_space<vmem_shared>>
      %dma_wait3A_139 = arith.constant 0 : i32
      %dma_wait3A_140 = tpu.memref_slice %arg10[%multiple_of3A_68, %dma_wait3A_139] : memref<10112x128xf32, #tpu.memory_space<vmem_shared>> -> memref<128x128xf32, #tpu.memory_space<vmem_shared>>
      %dma_wait3A_141 = arith.constant 0 : i32
      %dma_wait3A_142 = arith.constant 0 : i32
      %dma_wait3A_143 = tpu.memref_slice %arg9[%dma_wait3A_141, %dma_wait3A_142] : memref<128x128xf32, #tpu.memory_space<vmem>> -> memref<128x128xf32, #tpu.memory_space<vmem>>
      tpu.wait_dma2 semaphore(%run_scoped3A : memref<!tpu.dma_semaphore, #tpu.memory_space<semaphore_mem>>) src(%dma_wait3A_143 : memref<128x128xf32, #tpu.memory_space<vmem>>) dst(%dma_wait3A_140 : memref<128x128xf32, #tpu.memory_space<vmem_shared>>)
      tpu.yield
    }) : () -> ()
    %add3A_69 = arith.constant 128 : i32
    %add3A_70 = arith.addi %multiple_of3A, %add3A_69 : i32
    %multiple_of3A_71 = tpu.assume_multiple %add3A_70, 8 : i32
    "tpu.region"() ({
      %run_scoped3A = tpu.sem_alloc : memref<!tpu.dma_semaphore, #tpu.memory_space<semaphore_mem>>
      %dma_start3A = arith.constant 0 : i32
      %dma_start3A_126 = arith.constant 0 : i32
      %dma_start3A_127 = tpu.memref_slice %arg9[%dma_start3A, %dma_start3A_126] : memref<128x128xf32, #tpu.memory_space<vmem>> -> memref<128x128xf32, #tpu.memory_space<vmem>>
      %dma_start3A_128 = arith.constant 0 : i32
      %dma_start3A_129 = tpu.memref_slice %arg10[%multiple_of3A_71, %dma_start3A_128] : memref<10112x128xf32, #tpu.memory_space<vmem_shared>> -> memref<128x128xf32, #tpu.memory_space<vmem_shared>>
      %dma_start3A_130 = arith.constant 0 : i32
      %dma_start3A_131 = tpu.memref_slice %arg10[%multiple_of3A_71, %dma_start3A_130] : memref<10112x128xf32, #tpu.memory_space<vmem_shared>> -> memref<128x128xf32, #tpu.memory_space<vmem_shared>>
      %dma_start3A_132 = arith.constant 0 : i32
      %dma_start3A_133 = arith.constant 0 : i32
      %dma_start3A_134 = tpu.memref_slice %arg9[%dma_start3A_132, %dma_start3A_133] : memref<128x128xf32, #tpu.memory_space<vmem>> -> memref<128x128xf32, #tpu.memory_space<vmem>>
      tpu.enqueue_dma source(%dma_start3A_134 : memref<128x128xf32, #tpu.memory_space<vmem>>) target(%dma_start3A_131 : memref<128x128xf32, #tpu.memory_space<vmem_shared>>) target_semaphore(%run_scoped3A : memref<!tpu.dma_semaphore, #tpu.memory_space<semaphore_mem>>)
      %dma_wait3A = arith.constant 0 : i32
      %dma_wait3A_135 = arith.constant 0 : i32
      %dma_wait3A_136 = tpu.memref_slice %arg9[%dma_wait3A, %dma_wait3A_135] : memref<128x128xf32, #tpu.memory_space<vmem>> -> memref<128x128xf32, #tpu.memory_space<vmem>>
      %dma_wait3A_137 = arith.constant 0 : i32
      %dma_wait3A_138 = tpu.memref_slice %arg10[%multiple_of3A_71, %dma_wait3A_137] : memref<10112x128xf32, #tpu.memory_space<vmem_shared>> -> memref<128x128xf32, #tpu.memory_space<vmem_shared>>
      %dma_wait3A_139 = arith.constant 0 : i32
      %dma_wait3A_140 = tpu.memref_slice %arg10[%multiple_of3A_71, %dma_wait3A_139] : memref<10112x128xf32, #tpu.memory_space<vmem_shared>> -> memref<128x128xf32, #tpu.memory_space<vmem_shared>>
      %dma_wait3A_141 = arith.constant 0 : i32
      %dma_wait3A_142 = arith.constant 0 : i32
      %dma_wait3A_143 = tpu.memref_slice %arg9[%dma_wait3A_141, %dma_wait3A_142] : memref<128x128xf32, #tpu.memory_space<vmem>> -> memref<128x128xf32, #tpu.memory_space<vmem>>
      tpu.wait_dma2 semaphore(%run_scoped3A : memref<!tpu.dma_semaphore, #tpu.memory_space<semaphore_mem>>) src(%dma_wait3A_143 : memref<128x128xf32, #tpu.memory_space<vmem>>) dst(%dma_wait3A_140 : memref<128x128xf32, #tpu.memory_space<vmem_shared>>)
      tpu.yield
    }) : () -> ()
    %add3A_72 = arith.constant 256 : i32
    %add3A_73 = arith.addi %multiple_of3A, %add3A_72 : i32
    %multiple_of3A_74 = tpu.assume_multiple %add3A_73, 8 : i32
    "tpu.region"() ({
      %run_scoped3A = tpu.sem_alloc : memref<!tpu.dma_semaphore, #tpu.memory_space<semaphore_mem>>
      %dma_start3A = arith.constant 0 : i32
      %dma_start3A_126 = arith.constant 0 : i32
      %dma_start3A_127 = tpu.memref_slice %arg9[%dma_start3A, %dma_start3A_126] : memref<128x128xf32, #tpu.memory_space<vmem>> -> memref<128x128xf32, #tpu.memory_space<vmem>>
      %dma_start3A_128 = arith.constant 0 : i32
      %dma_start3A_129 = tpu.memref_slice %arg10[%multiple_of3A_74, %dma_start3A_128] : memref<10112x128xf32, #tpu.memory_space<vmem_shared>> -> memref<128x128xf32, #tpu.memory_space<vmem_shared>>
      %dma_start3A_130 = arith.constant 0 : i32
      %dma_start3A_131 = tpu.memref_slice %arg10[%multiple_of3A_74, %dma_start3A_130] : memref<10112x128xf32, #tpu.memory_space<vmem_shared>> -> memref<128x128xf32, #tpu.memory_space<vmem_shared>>
      %dma_start3A_132 = arith.constant 0 : i32
      %dma_start3A_133 = arith.constant 0 : i32
      %dma_start3A_134 = tpu.memref_slice %arg9[%dma_start3A_132, %dma_start3A_133] : memref<128x128xf32, #tpu.memory_space<vmem>> -> memref<128x128xf32, #tpu.memory_space<vmem>>
      tpu.enqueue_dma source(%dma_start3A_134 : memref<128x128xf32, #tpu.memory_space<vmem>>) target(%dma_start3A_131 : memref<128x128xf32, #tpu.memory_space<vmem_shared>>) target_semaphore(%run_scoped3A : memref<!tpu.dma_semaphore, #tpu.memory_space<semaphore_mem>>)
      %dma_wait3A = arith.constant 0 : i32
      %dma_wait3A_135 = arith.constant 0 : i32
      %dma_wait3A_136 = tpu.memref_slice %arg9[%dma_wait3A, %dma_wait3A_135] : memref<128x128xf32, #tpu.memory_space<vmem>> -> memref<128x128xf32, #tpu.memory_space<vmem>>
      %dma_wait3A_137 = arith.constant 0 : i32
      %dma_wait3A_138 = tpu.memref_slice %arg10[%multiple_of3A_74, %dma_wait3A_137] : memref<10112x128xf32, #tpu.memory_space<vmem_shared>> -> memref<128x128xf32, #tpu.memory_space<vmem_shared>>
      %dma_wait3A_139 = arith.constant 0 : i32
      %dma_wait3A_140 = tpu.memref_slice %arg10[%multiple_of3A_74, %dma_wait3A_139] : memref<10112x128xf32, #tpu.memory_space<vmem_shared>> -> memref<128x128xf32, #tpu.memory_space<vmem_shared>>
      %dma_wait3A_141 = arith.constant 0 : i32
      %dma_wait3A_142 = arith.constant 0 : i32
      %dma_wait3A_143 = tpu.memref_slice %arg9[%dma_wait3A_141, %dma_wait3A_142] : memref<128x128xf32, #tpu.memory_space<vmem>> -> memref<128x128xf32, #tpu.memory_space<vmem>>
      tpu.wait_dma2 semaphore(%run_scoped3A : memref<!tpu.dma_semaphore, #tpu.memory_space<semaphore_mem>>) src(%dma_wait3A_143 : memref<128x128xf32, #tpu.memory_space<vmem>>) dst(%dma_wait3A_140 : memref<128x128xf32, #tpu.memory_space<vmem_shared>>)
      tpu.yield
    }) : () -> ()
    %add3A_75 = arith.constant 384 : i32
    %add3A_76 = arith.addi %multiple_of3A, %add3A_75 : i32
    %multiple_of3A_77 = tpu.assume_multiple %add3A_76, 8 : i32
    "tpu.region"() ({
      %run_scoped3A = tpu.sem_alloc : memref<!tpu.dma_semaphore, #tpu.memory_space<semaphore_mem>>
      %dma_start3A = arith.constant 0 : i32
      %dma_start3A_126 = arith.constant 0 : i32
      %dma_start3A_127 = tpu.memref_slice %arg9[%dma_start3A, %dma_start3A_126] : memref<128x128xf32, #tpu.memory_space<vmem>> -> memref<128x128xf32, #tpu.memory_space<vmem>>
      %dma_start3A_128 = arith.constant 0 : i32
      %dma_start3A_129 = tpu.memref_slice %arg10[%multiple_of3A_77, %dma_start3A_128] : memref<10112x128xf32, #tpu.memory_space<vmem_shared>> -> memref<128x128xf32, #tpu.memory_space<vmem_shared>>
      %dma_start3A_130 = arith.constant 0 : i32
      %dma_start3A_131 = tpu.memref_slice %arg10[%multiple_of3A_77, %dma_start3A_130] : memref<10112x128xf32, #tpu.memory_space<vmem_shared>> -> memref<128x128xf32, #tpu.memory_space<vmem_shared>>
      %dma_start3A_132 = arith.constant 0 : i32
      %dma_start3A_133 = arith.constant 0 : i32
      %dma_start3A_134 = tpu.memref_slice %arg9[%dma_start3A_132, %dma_start3A_133] : memref<128x128xf32, #tpu.memory_space<vmem>> -> memref<128x128xf32, #tpu.memory_space<vmem>>
      tpu.enqueue_dma source(%dma_start3A_134 : memref<128x128xf32, #tpu.memory_space<vmem>>) target(%dma_start3A_131 : memref<128x128xf32, #tpu.memory_space<vmem_shared>>) target_semaphore(%run_scoped3A : memref<!tpu.dma_semaphore, #tpu.memory_space<semaphore_mem>>)
      %dma_wait3A = arith.constant 0 : i32
      %dma_wait3A_135 = arith.constant 0 : i32
      %dma_wait3A_136 = tpu.memref_slice %arg9[%dma_wait3A, %dma_wait3A_135] : memref<128x128xf32, #tpu.memory_space<vmem>> -> memref<128x128xf32, #tpu.memory_space<vmem>>
      %dma_wait3A_137 = arith.constant 0 : i32
      %dma_wait3A_138 = tpu.memref_slice %arg10[%multiple_of3A_77, %dma_wait3A_137] : memref<10112x128xf32, #tpu.memory_space<vmem_shared>> -> memref<128x128xf32, #tpu.memory_space<vmem_shared>>
      %dma_wait3A_139 = arith.constant 0 : i32
      %dma_wait3A_140 = tpu.memref_slice %arg10[%multiple_of3A_77, %dma_wait3A_139] : memref<10112x128xf32, #tpu.memory_space<vmem_shared>> -> memref<128x128xf32, #tpu.memory_space<vmem_shared>>
      %dma_wait3A_141 = arith.constant 0 : i32
      %dma_wait3A_142 = arith.constant 0 : i32
      %dma_wait3A_143 = tpu.memref_slice %arg9[%dma_wait3A_141, %dma_wait3A_142] : memref<128x128xf32, #tpu.memory_space<vmem>> -> memref<128x128xf32, #tpu.memory_space<vmem>>
      tpu.wait_dma2 semaphore(%run_scoped3A : memref<!tpu.dma_semaphore, #tpu.memory_space<semaphore_mem>>) src(%dma_wait3A_143 : memref<128x128xf32, #tpu.memory_space<vmem>>) dst(%dma_wait3A_140 : memref<128x128xf32, #tpu.memory_space<vmem_shared>>)
      tpu.yield
    }) : () -> ()
    %add3A_78 = arith.constant 512 : i32
    %add3A_79 = arith.addi %multiple_of3A, %add3A_78 : i32
    %multiple_of3A_80 = tpu.assume_multiple %add3A_79, 8 : i32
    "tpu.region"() ({
      %run_scoped3A = tpu.sem_alloc : memref<!tpu.dma_semaphore, #tpu.memory_space<semaphore_mem>>
      %dma_start3A = arith.constant 0 : i32
      %dma_start3A_126 = arith.constant 0 : i32
      %dma_start3A_127 = tpu.memref_slice %arg9[%dma_start3A, %dma_start3A_126] : memref<128x128xf32, #tpu.memory_space<vmem>> -> memref<120x128xf32, #tpu.memory_space<vmem>>
      %dma_start3A_128 = arith.constant 0 : i32
      %dma_start3A_129 = tpu.memref_slice %arg10[%multiple_of3A_80, %dma_start3A_128] : memref<10112x128xf32, #tpu.memory_space<vmem_shared>> -> memref<120x128xf32, #tpu.memory_space<vmem_shared>>
      %dma_start3A_130 = arith.constant 0 : i32
      %dma_start3A_131 = tpu.memref_slice %arg10[%multiple_of3A_80, %dma_start3A_130] : memref<10112x128xf32, #tpu.memory_space<vmem_shared>> -> memref<120x128xf32, #tpu.memory_space<vmem_shared>>
      %dma_start3A_132 = arith.constant 0 : i32
      %dma_start3A_133 = arith.constant 0 : i32
      %dma_start3A_134 = tpu.memref_slice %arg9[%dma_start3A_132, %dma_start3A_133] : memref<128x128xf32, #tpu.memory_space<vmem>> -> memref<120x128xf32, #tpu.memory_space<vmem>>
      tpu.enqueue_dma source(%dma_start3A_134 : memref<120x128xf32, #tpu.memory_space<vmem>>) target(%dma_start3A_131 : memref<120x128xf32, #tpu.memory_space<vmem_shared>>) target_semaphore(%run_scoped3A : memref<!tpu.dma_semaphore, #tpu.memory_space<semaphore_mem>>)
      %dma_wait3A = arith.constant 0 : i32
      %dma_wait3A_135 = arith.constant 0 : i32
      %dma_wait3A_136 = tpu.memref_slice %arg9[%dma_wait3A, %dma_wait3A_135] : memref<128x128xf32, #tpu.memory_space<vmem>> -> memref<120x128xf32, #tpu.memory_space<vmem>>
      %dma_wait3A_137 = arith.constant 0 : i32
      %dma_wait3A_138 = tpu.memref_slice %arg10[%multiple_of3A_80, %dma_wait3A_137] : memref<10112x128xf32, #tpu.memory_space<vmem_shared>> -> memref<120x128xf32, #tpu.memory_space<vmem_shared>>
      %dma_wait3A_139 = arith.constant 0 : i32
      %dma_wait3A_140 = tpu.memref_slice %arg10[%multiple_of3A_80, %dma_wait3A_139] : memref<10112x128xf32, #tpu.memory_space<vmem_shared>> -> memref<120x128xf32, #tpu.memory_space<vmem_shared>>
      %dma_wait3A_141 = arith.constant 0 : i32
      %dma_wait3A_142 = arith.constant 0 : i32
      %dma_wait3A_143 = tpu.memref_slice %arg9[%dma_wait3A_141, %dma_wait3A_142] : memref<128x128xf32, #tpu.memory_space<vmem>> -> memref<120x128xf32, #tpu.memory_space<vmem>>
      tpu.wait_dma2 semaphore(%run_scoped3A : memref<!tpu.dma_semaphore, #tpu.memory_space<semaphore_mem>>) src(%dma_wait3A_143 : memref<120x128xf32, #tpu.memory_space<vmem>>) dst(%dma_wait3A_140 : memref<120x128xf32, #tpu.memory_space<vmem_shared>>)
      tpu.yield
    }) : () -> ()
    %broadcast_in_dim3A_81 = arith.constant 1.000000e+00 : f32
    %broadcast_in_dim3A_82 = vector.broadcast %broadcast_in_dim3A_81 : f32 to vector<16xf32>
    %scan3A_83 = arith.constant 0 : i32
    %scan3A_84 = arith.constant 0 : i32
    %scan3A_85 = arith.constant 128 : i32
    %scan3A_86 = arith.addi %scan3A_84, %scan3A_85 : i32
    %scan3A_87 = arith.constant 1 : i32
    scf.for %scan3A_126 = %scan3A_84 to %scan3A_86 step %scan3A_87  : i32 {
      %swap3A = arith.index_cast %scan3A_126 : i32 to index
      %swap3A_127 = arith.constant 0 : index
      %swap3A_128 = tpu.vector_load %arg9[%swap3A, %swap3A_127] {strides = array<i32>} : memref<128x128xf32, #tpu.memory_space<vmem>>, vector<1x16xf32>,
      %swap3A_129 = vector.shape_cast %swap3A_128 : vector<1x16xf32> to vector<16xf32>
      %swap3A_130 = vector.shape_cast %broadcast_in_dim3A_82 : vector<16xf32> to vector<1x16xf32>
      tpu.vector_store %arg9[%swap3A, %swap3A_127], %swap3A_130 {strides = array<i32>} : memref<128x128xf32, #tpu.memory_space<vmem>>, vector<1x16xf32>,
      %swap3A_131 = arith.index_cast %scan3A_126 : i32 to index
      %swap3A_132 = arith.constant 16 : index
      %swap3A_133 = tpu.vector_load %arg9[%swap3A_131, %swap3A_132] {strides = array<i32>} : memref<128x128xf32, #tpu.memory_space<vmem>>, vector<1x16xf32>,
      %swap3A_134 = vector.shape_cast %swap3A_133 : vector<1x16xf32> to vector<16xf32>
      %swap3A_135 = vector.shape_cast %broadcast_in_dim3A_82 : vector<16xf32> to vector<1x16xf32>
      tpu.vector_store %arg9[%swap3A_131, %swap3A_132], %swap3A_135 {strides = array<i32>} : memref<128x128xf32, #tpu.memory_space<vmem>>, vector<1x16xf32>,
      %swap3A_136 = arith.index_cast %scan3A_126 : i32 to index
      %swap3A_137 = arith.constant 32 : index
      %swap3A_138 = tpu.vector_load %arg9[%swap3A_136, %swap3A_137] {strides = array<i32>} : memref<128x128xf32, #tpu.memory_space<vmem>>, vector<1x16xf32>,
      %swap3A_139 = vector.shape_cast %swap3A_138 : vector<1x16xf32> to vector<16xf32>
      %swap3A_140 = vector.shape_cast %broadcast_in_dim3A_82 : vector<16xf32> to vector<1x16xf32>
      tpu.vector_store %arg9[%swap3A_136, %swap3A_137], %swap3A_140 {strides = array<i32>} : memref<128x128xf32, #tpu.memory_space<vmem>>, vector<1x16xf32>,
      %swap3A_141 = arith.index_cast %scan3A_126 : i32 to index
      %swap3A_142 = arith.constant 48 : index
      %swap3A_143 = tpu.vector_load %arg9[%swap3A_141, %swap3A_142] {strides = array<i32>} : memref<128x128xf32, #tpu.memory_space<vmem>>, vector<1x16xf32>,
      %swap3A_144 = vector.shape_cast %swap3A_143 : vector<1x16xf32> to vector<16xf32>
      %swap3A_145 = vector.shape_cast %broadcast_in_dim3A_82 : vector<16xf32> to vector<1x16xf32>
      tpu.vector_store %arg9[%swap3A_141, %swap3A_142], %swap3A_145 {strides = array<i32>} : memref<128x128xf32, #tpu.memory_space<vmem>>, vector<1x16xf32>,
      %swap3A_146 = arith.index_cast %scan3A_126 : i32 to index
      %swap3A_147 = arith.constant 64 : index
      %swap3A_148 = tpu.vector_load %arg9[%swap3A_146, %swap3A_147] {strides = array<i32>} : memref<128x128xf32, #tpu.memory_space<vmem>>, vector<1x16xf32>,
      %swap3A_149 = vector.shape_cast %swap3A_148 : vector<1x16xf32> to vector<16xf32>
      %swap3A_150 = vector.shape_cast %broadcast_in_dim3A_82 : vector<16xf32> to vector<1x16xf32>
      tpu.vector_store %arg9[%swap3A_146, %swap3A_147], %swap3A_150 {strides = array<i32>} : memref<128x128xf32, #tpu.memory_space<vmem>>, vector<1x16xf32>,
      %swap3A_151 = arith.index_cast %scan3A_126 : i32 to index
      %swap3A_152 = arith.constant 80 : index
      %swap3A_153 = tpu.vector_load %arg9[%swap3A_151, %swap3A_152] {strides = array<i32>} : memref<128x128xf32, #tpu.memory_space<vmem>>, vector<1x16xf32>,
      %swap3A_154 = vector.shape_cast %swap3A_153 : vector<1x16xf32> to vector<16xf32>
      %swap3A_155 = vector.shape_cast %broadcast_in_dim3A_82 : vector<16xf32> to vector<1x16xf32>
      tpu.vector_store %arg9[%swap3A_151, %swap3A_152], %swap3A_155 {strides = array<i32>} : memref<128x128xf32, #tpu.memory_space<vmem>>, vector<1x16xf32>,
      %swap3A_156 = arith.index_cast %scan3A_126 : i32 to index
      %swap3A_157 = arith.constant 96 : index
      %swap3A_158 = tpu.vector_load %arg9[%swap3A_156, %swap3A_157] {strides = array<i32>} : memref<128x128xf32, #tpu.memory_space<vmem>>, vector<1x16xf32>,
      %swap3A_159 = vector.shape_cast %swap3A_158 : vector<1x16xf32> to vector<16xf32>
      %swap3A_160 = vector.shape_cast %broadcast_in_dim3A_82 : vector<16xf32> to vector<1x16xf32>
      tpu.vector_store %arg9[%swap3A_156, %swap3A_157], %swap3A_160 {strides = array<i32>} : memref<128x128xf32, #tpu.memory_space<vmem>>, vector<1x16xf32>,
      %swap3A_161 = arith.index_cast %scan3A_126 : i32 to index
      %swap3A_162 = arith.constant 112 : index
      %swap3A_163 = tpu.vector_load %arg9[%swap3A_161, %swap3A_162] {strides = array<i32>} : memref<128x128xf32, #tpu.memory_space<vmem>>, vector<1x16xf32>,
      %swap3A_164 = vector.shape_cast %swap3A_163 : vector<1x16xf32> to vector<16xf32>
      %swap3A_165 = vector.shape_cast %broadcast_in_dim3A_82 : vector<16xf32> to vector<1x16xf32>
      tpu.vector_store %arg9[%swap3A_161, %swap3A_162], %swap3A_165 {strides = array<i32>} : memref<128x128xf32, #tpu.memory_space<vmem>>, vector<1x16xf32>,
    }
    %scan3A_88 = arith.constant 128 : i32
    %barrier3A_89 = arith.constant 0 : index
    tpu.barrier barrier_id(%barrier3A_89)
    %eq3A_90 = arith.constant 0 : i32
    %eq3A_91 = arith.cmpi eq, %arg1, %eq3A_90 : i32
    %convert_element_type3A_92 = arith.extui %eq3A_91 : i1 to i32
    %cond3A_93 = arith.constant 0 : i32
    %cond3A_94 = arith.cmpi ne, %convert_element_type3A_92, %cond3A_93 : i32
    scf.if %cond3A_94 {
      %scan3A_126 = arith.constant 0 : i32
      %scan3A_127 = arith.constant 0 : i32
      %scan3A_128 = arith.constant 158 : i32
      %scan3A_129 = arith.addi %scan3A_127, %scan3A_128 : i32
      %scan3A_130 = arith.constant 1 : i32
      scf.for %scan3A_132 = %scan3A_127 to %scan3A_129 step %scan3A_130  : i32 {
        %mul3A_133 = arith.constant 79 : i32
        %mul3A_134 = arith.muli %arg0, %mul3A_133 : i32
        %mul3A_135 = arith.constant 16 : i32
        %mul3A_136 = arith.muli %mul3A_134, %mul3A_135 : i32
        %mul3A_137 = arith.constant 8 : i32
        %mul3A_138 = arith.muli %scan3A_132, %mul3A_137 : i32
        %add3A_139 = arith.addi %mul3A_136, %mul3A_138 : i32
        %multiple_of3A_140 = tpu.assume_multiple %add3A_139, 8 : i32
        "tpu.region"() ({
          %run_scoped3A = tpu.sem_alloc : memref<!tpu.dma_semaphore, #tpu.memory_space<semaphore_mem>>
          %dma_start3A = arith.constant 0 : i32
          %dma_start3A_147 = tpu.memref_slice %arg4[%multiple_of3A_140, %dma_start3A] : memref<2528x128xi32, #tpu.memory_space<hbm>> -> memref<8x128xi32, #tpu.memory_space<hbm>>
          %dma_start3A_148 = arith.constant 0 : i32
          %dma_start3A_149 = tpu.memref_slice %arg4[%multiple_of3A_140, %dma_start3A_148] : memref<2528x128xi32, #tpu.memory_space<hbm>> -> memref<8x128xi32, #tpu.memory_space<hbm>>
          tpu.enqueue_dma source(%dma_start3A_149 : memref<8x128xi32, #tpu.memory_space<hbm>>) target(%arg8 : memref<8x128xi32, #tpu.memory_space<vmem>>) target_semaphore(%run_scoped3A : memref<!tpu.dma_semaphore, #tpu.memory_space<semaphore_mem>>)
          %dma_wait3A = arith.constant 0 : i32
          %dma_wait3A_150 = tpu.memref_slice %arg4[%multiple_of3A_140, %dma_wait3A] : memref<2528x128xi32, #tpu.memory_space<hbm>> -> memref<8x128xi32, #tpu.memory_space<hbm>>
          %dma_wait3A_151 = arith.constant 0 : i32
          %dma_wait3A_152 = tpu.memref_slice %arg4[%multiple_of3A_140, %dma_wait3A_151] : memref<2528x128xi32, #tpu.memory_space<hbm>> -> memref<8x128xi32, #tpu.memory_space<hbm>>
          tpu.wait_dma2 semaphore(%run_scoped3A : memref<!tpu.dma_semaphore, #tpu.memory_space<semaphore_mem>>) src(%dma_wait3A_152 : memref<8x128xi32, #tpu.memory_space<hbm>>) dst(%arg8 : memref<8x128xi32, #tpu.memory_space<vmem>>)
          tpu.yield
        }) : () -> ()
        %scan3A_141 = arith.constant 0 : i32
        %scan3A_142 = arith.constant 0 : i32
        %scan3A_143 = arith.constant 8 : i32
        %scan3A_144 = arith.addi %scan3A_142, %scan3A_143 : i32
        %scan3A_145 = arith.constant 1 : i32
        scf.for %scan3A_147 = %scan3A_142 to %scan3A_144 step %scan3A_145  : i32 {
          "tpu.region"() ({
            %run_scoped3A = tpu.sem_alloc : memref<!tpu.dma_semaphore, #tpu.memory_space<semaphore_mem>>
            %dma_start3A = arith.constant 0 : i32
            %dma_start3A_148 = tpu.memref_slice %arg8[%scan3A_147, %dma_start3A] : memref<8x128xi32, #tpu.memory_space<vmem>> -> memref<1x128xi32, #tpu.memory_space<vmem>>
            %dma_start3A_149 = tpu.memref_squeeze %dma_start3A_148 : memref<1x128xi32, #tpu.memory_space<vmem>> -> memref<128xi32, #tpu.memory_space<vmem>>
            %dma_start3A_150 = arith.constant 0 : i32
            %dma_start3A_151 = arith.constant 0 : i32
            %dma_start3A_152 = tpu.memref_slice %arg10[%dma_start3A_150, %dma_start3A_151] : memref<10112x128xf32, #tpu.memory_space<vmem_shared>> -> memref<10112x128xf32, #tpu.memory_space<vmem_shared>>
            tpu.enqueue_indirect_dma source(%arg9 : memref<128x128xf32, #tpu.memory_space<vmem>>) target(%dma_start3A_152 : memref<10112x128xf32, #tpu.memory_space<vmem_shared>>) offsets(%dma_start3A_149 : memref<128xi32, #tpu.memory_space<vmem>>) semaphore(%run_scoped3A : memref<!tpu.dma_semaphore, #tpu.memory_space<semaphore_mem>>) {add = true}
            %dma_wait3A = arith.constant 0 : i32
            %dma_wait3A_153 = tpu.memref_slice %arg8[%scan3A_147, %dma_wait3A] : memref<8x128xi32, #tpu.memory_space<vmem>> -> memref<1x128xi32, #tpu.memory_space<vmem>>
            %dma_wait3A_154 = tpu.memref_squeeze %dma_wait3A_153 : memref<1x128xi32, #tpu.memory_space<vmem>> -> memref<128xi32, #tpu.memory_space<vmem>>
            %dma_wait3A_155 = arith.constant 0 : i32
            %dma_wait3A_156 = arith.constant 0 : i32
            %dma_wait3A_157 = tpu.memref_slice %arg10[%dma_wait3A_155, %dma_wait3A_156] : memref<10112x128xf32, #tpu.memory_space<vmem_shared>> -> memref<10112x128xf32, #tpu.memory_space<vmem_shared>>
            tpu.wait_indirect_dma semaphore(%run_scoped3A : memref<!tpu.dma_semaphore, #tpu.memory_space<semaphore_mem>>) src(%arg9 : memref<128x128xf32, #tpu.memory_space<vmem>>) dst(%dma_wait3A_157 : memref<10112x128xf32, #tpu.memory_space<vmem_shared>>)
            tpu.yield
          }) : () -> ()
        }
        %scan3A_146 = arith.constant 8 : i32
      }
      %scan3A_131 = arith.constant 158 : i32
    } else {
    }
    %barrier3A_95 = arith.constant 0 : index
    tpu.barrier barrier_id(%barrier3A_95)
    %add3A_96 = arith.constant 0 : i32
    %add3A_97 = arith.addi %multiple_of3A, %add3A_96 : i32
    %multiple_of3A_98 = tpu.assume_multiple %add3A_97, 8 : i32
    "tpu.region"() ({
      %run_scoped3A = tpu.sem_alloc : memref<!tpu.dma_semaphore, #tpu.memory_space<semaphore_mem>>
      %dma_start3A = arith.constant 0 : i32
      %dma_start3A_126 = arith.constant 0 : i32
      %dma_start3A_127 = tpu.memref_slice %arg9[%dma_start3A, %dma_start3A_126] : memref<128x128xf32, #tpu.memory_space<vmem>> -> memref<128x128xf32, #tpu.memory_space<vmem>>
      %dma_start3A_128 = arith.constant 0 : i32
      %dma_start3A_129 = tpu.memref_slice %arg10[%multiple_of3A_98, %dma_start3A_128] : memref<10112x128xf32, #tpu.memory_space<vmem_shared>> -> memref<128x128xf32, #tpu.memory_space<vmem_shared>>
      %dma_start3A_130 = arith.constant 0 : i32
      %dma_start3A_131 = arith.constant 0 : i32
      %dma_start3A_132 = tpu.memref_slice %arg9[%dma_start3A_130, %dma_start3A_131] : memref<128x128xf32, #tpu.memory_space<vmem>> -> memref<128x128xf32, #tpu.memory_space<vmem>>
      %dma_start3A_133 = arith.constant 0 : i32
      %dma_start3A_134 = tpu.memref_slice %arg10[%multiple_of3A_98, %dma_start3A_133] : memref<10112x128xf32, #tpu.memory_space<vmem_shared>> -> memref<128x128xf32, #tpu.memory_space<vmem_shared>>
      tpu.enqueue_dma source(%dma_start3A_134 : memref<128x128xf32, #tpu.memory_space<vmem_shared>>) target(%dma_start3A_132 : memref<128x128xf32, #tpu.memory_space<vmem>>) target_semaphore(%run_scoped3A : memref<!tpu.dma_semaphore, #tpu.memory_space<semaphore_mem>>)
      %dma_wait3A = arith.constant 0 : i32
      %dma_wait3A_135 = arith.constant 0 : i32
      %dma_wait3A_136 = tpu.memref_slice %arg9[%dma_wait3A, %dma_wait3A_135] : memref<128x128xf32, #tpu.memory_space<vmem>> -> memref<128x128xf32, #tpu.memory_space<vmem>>
      %dma_wait3A_137 = arith.constant 0 : i32
      %dma_wait3A_138 = tpu.memref_slice %arg10[%multiple_of3A_98, %dma_wait3A_137] : memref<10112x128xf32, #tpu.memory_space<vmem_shared>> -> memref<128x128xf32, #tpu.memory_space<vmem_shared>>
      %dma_wait3A_139 = arith.constant 0 : i32
      %dma_wait3A_140 = arith.constant 0 : i32
      %dma_wait3A_141 = tpu.memref_slice %arg9[%dma_wait3A_139, %dma_wait3A_140] : memref<128x128xf32, #tpu.memory_space<vmem>> -> memref<128x128xf32, #tpu.memory_space<vmem>>
      %dma_wait3A_142 = arith.constant 0 : i32
      %dma_wait3A_143 = tpu.memref_slice %arg10[%multiple_of3A_98, %dma_wait3A_142] : memref<10112x128xf32, #tpu.memory_space<vmem_shared>> -> memref<128x128xf32, #tpu.memory_space<vmem_shared>>
      tpu.wait_dma2 semaphore(%run_scoped3A : memref<!tpu.dma_semaphore, #tpu.memory_space<semaphore_mem>>) src(%dma_wait3A_143 : memref<128x128xf32, #tpu.memory_space<vmem_shared>>) dst(%dma_wait3A_141 : memref<128x128xf32, #tpu.memory_space<vmem>>)
      tpu.yield
    }) : () -> ()
    %add3A_99 = arith.constant 0 : i32
    %add3A_100 = arith.addi %multiple_of3A_3, %add3A_99 : i32
    %multiple_of3A_101 = tpu.assume_multiple %add3A_100, 8 : i32
    "tpu.region"() ({
      %run_scoped3A = tpu.sem_alloc : memref<!tpu.dma_semaphore, #tpu.memory_space<semaphore_mem>>
      %dma_start3A = arith.constant 0 : i32
      %dma_start3A_126 = arith.constant 0 : i32
      %dma_start3A_127 = tpu.memref_slice %arg9[%dma_start3A, %dma_start3A_126] : memref<128x128xf32, #tpu.memory_space<vmem>> -> memref<128x128xf32, #tpu.memory_space<vmem>>
      %dma_start3A_128 = arith.constant 0 : i32
      %dma_start3A_129 = tpu.memref_slice %arg6[%multiple_of3A_101, %dma_start3A_128] : memref<20224x128xf32, #tpu.memory_space<hbm>> -> memref<128x128xf32, #tpu.memory_space<hbm>>
      %dma_start3A_130 = arith.constant 0 : i32
      %dma_start3A_131 = tpu.memref_slice %arg6[%multiple_of3A_101, %dma_start3A_130] : memref<20224x128xf32, #tpu.memory_space<hbm>> -> memref<128x128xf32, #tpu.memory_space<hbm>>
      %dma_start3A_132 = arith.constant 0 : i32
      %dma_start3A_133 = arith.constant 0 : i32
      %dma_start3A_134 = tpu.memref_slice %arg9[%dma_start3A_132, %dma_start3A_133] : memref<128x128xf32, #tpu.memory_space<vmem>> -> memref<128x128xf32, #tpu.memory_space<vmem>>
      tpu.enqueue_dma source(%dma_start3A_134 : memref<128x128xf32, #tpu.memory_space<vmem>>) target(%dma_start3A_131 : memref<128x128xf32, #tpu.memory_space<hbm>>) target_semaphore(%run_scoped3A : memref<!tpu.dma_semaphore, #tpu.memory_space<semaphore_mem>>)
      %dma_wait3A = arith.constant 0 : i32
      %dma_wait3A_135 = arith.constant 0 : i32
      %dma_wait3A_136 = tpu.memref_slice %arg9[%dma_wait3A, %dma_wait3A_135] : memref<128x128xf32, #tpu.memory_space<vmem>> -> memref<128x128xf32, #tpu.memory_space<vmem>>
      %dma_wait3A_137 = arith.constant 0 : i32
      %dma_wait3A_138 = tpu.memref_slice %arg6[%multiple_of3A_101, %dma_wait3A_137] : memref<20224x128xf32, #tpu.memory_space<hbm>> -> memref<128x128xf32, #tpu.memory_space<hbm>>
      %dma_wait3A_139 = arith.constant 0 : i32
      %dma_wait3A_140 = tpu.memref_slice %arg6[%multiple_of3A_101, %dma_wait3A_139] : memref<20224x128xf32, #tpu.memory_space<hbm>> -> memref<128x128xf32, #tpu.memory_space<hbm>>
      %dma_wait3A_141 = arith.constant 0 : i32
      %dma_wait3A_142 = arith.constant 0 : i32
      %dma_wait3A_143 = tpu.memref_slice %arg9[%dma_wait3A_141, %dma_wait3A_142] : memref<128x128xf32, #tpu.memory_space<vmem>> -> memref<128x128xf32, #tpu.memory_space<vmem>>
      tpu.wait_dma2 semaphore(%run_scoped3A : memref<!tpu.dma_semaphore, #tpu.memory_space<semaphore_mem>>) src(%dma_wait3A_143 : memref<128x128xf32, #tpu.memory_space<vmem>>) dst(%dma_wait3A_140 : memref<128x128xf32, #tpu.memory_space<hbm>>)
      tpu.yield
    }) : () -> ()
    %add3A_102 = arith.constant 128 : i32
    %add3A_103 = arith.addi %multiple_of3A, %add3A_102 : i32
    %multiple_of3A_104 = tpu.assume_multiple %add3A_103, 8 : i32
    "tpu.region"() ({
      %run_scoped3A = tpu.sem_alloc : memref<!tpu.dma_semaphore, #tpu.memory_space<semaphore_mem>>
      %dma_start3A = arith.constant 0 : i32
      %dma_start3A_126 = arith.constant 0 : i32
      %dma_start3A_127 = tpu.memref_slice %arg9[%dma_start3A, %dma_start3A_126] : memref<128x128xf32, #tpu.memory_space<vmem>> -> memref<128x128xf32, #tpu.memory_space<vmem>>
      %dma_start3A_128 = arith.constant 0 : i32
      %dma_start3A_129 = tpu.memref_slice %arg10[%multiple_of3A_104, %dma_start3A_128] : memref<10112x128xf32, #tpu.memory_space<vmem_shared>> -> memref<128x128xf32, #tpu.memory_space<vmem_shared>>
      %dma_start3A_130 = arith.constant 0 : i32
      %dma_start3A_131 = arith.constant 0 : i32
      %dma_start3A_132 = tpu.memref_slice %arg9[%dma_start3A_130, %dma_start3A_131] : memref<128x128xf32, #tpu.memory_space<vmem>> -> memref<128x128xf32, #tpu.memory_space<vmem>>
      %dma_start3A_133 = arith.constant 0 : i32
      %dma_start3A_134 = tpu.memref_slice %arg10[%multiple_of3A_104, %dma_start3A_133] : memref<10112x128xf32, #tpu.memory_space<vmem_shared>> -> memref<128x128xf32, #tpu.memory_space<vmem_shared>>
      tpu.enqueue_dma source(%dma_start3A_134 : memref<128x128xf32, #tpu.memory_space<vmem_shared>>) target(%dma_start3A_132 : memref<128x128xf32, #tpu.memory_space<vmem>>) target_semaphore(%run_scoped3A : memref<!tpu.dma_semaphore, #tpu.memory_space<semaphore_mem>>)
      %dma_wait3A = arith.constant 0 : i32
      %dma_wait3A_135 = arith.constant 0 : i32
      %dma_wait3A_136 = tpu.memref_slice %arg9[%dma_wait3A, %dma_wait3A_135] : memref<128x128xf32, #tpu.memory_space<vmem>> -> memref<128x128xf32, #tpu.memory_space<vmem>>
      %dma_wait3A_137 = arith.constant 0 : i32
      %dma_wait3A_138 = tpu.memref_slice %arg10[%multiple_of3A_104, %dma_wait3A_137] : memref<10112x128xf32, #tpu.memory_space<vmem_shared>> -> memref<128x128xf32, #tpu.memory_space<vmem_shared>>
      %dma_wait3A_139 = arith.constant 0 : i32
      %dma_wait3A_140 = arith.constant 0 : i32
      %dma_wait3A_141 = tpu.memref_slice %arg9[%dma_wait3A_139, %dma_wait3A_140] : memref<128x128xf32, #tpu.memory_space<vmem>> -> memref<128x128xf32, #tpu.memory_space<vmem>>
      %dma_wait3A_142 = arith.constant 0 : i32
      %dma_wait3A_143 = tpu.memref_slice %arg10[%multiple_of3A_104, %dma_wait3A_142] : memref<10112x128xf32, #tpu.memory_space<vmem_shared>> -> memref<128x128xf32, #tpu.memory_space<vmem_shared>>
      tpu.wait_dma2 semaphore(%run_scoped3A : memref<!tpu.dma_semaphore, #tpu.memory_space<semaphore_mem>>) src(%dma_wait3A_143 : memref<128x128xf32, #tpu.memory_space<vmem_shared>>) dst(%dma_wait3A_141 : memref<128x128xf32, #tpu.memory_space<vmem>>)
      tpu.yield
    }) : () -> ()
    %add3A_105 = arith.constant 128 : i32
    %add3A_106 = arith.addi %multiple_of3A_3, %add3A_105 : i32
    %multiple_of3A_107 = tpu.assume_multiple %add3A_106, 8 : i32
    "tpu.region"() ({
      %run_scoped3A = tpu.sem_alloc : memref<!tpu.dma_semaphore, #tpu.memory_space<semaphore_mem>>
      %dma_start3A = arith.constant 0 : i32
      %dma_start3A_126 = arith.constant 0 : i32
      %dma_start3A_127 = tpu.memref_slice %arg9[%dma_start3A, %dma_start3A_126] : memref<128x128xf32, #tpu.memory_space<vmem>> -> memref<128x128xf32, #tpu.memory_space<vmem>>
      %dma_start3A_128 = arith.constant 0 : i32
      %dma_start3A_129 = tpu.memref_slice %arg6[%multiple_of3A_107, %dma_start3A_128] : memref<20224x128xf32, #tpu.memory_space<hbm>> -> memref<128x128xf32, #tpu.memory_space<hbm>>
      %dma_start3A_130 = arith.constant 0 : i32
      %dma_start3A_131 = tpu.memref_slice %arg6[%multiple_of3A_107, %dma_start3A_130] : memref<20224x128xf32, #tpu.memory_space<hbm>> -> memref<128x128xf32, #tpu.memory_space<hbm>>
      %dma_start3A_132 = arith.constant 0 : i32
      %dma_start3A_133 = arith.constant 0 : i32
      %dma_start3A_134 = tpu.memref_slice %arg9[%dma_start3A_132, %dma_start3A_133] : memref<128x128xf32, #tpu.memory_space<vmem>> -> memref<128x128xf32, #tpu.memory_space<vmem>>
      tpu.enqueue_dma source(%dma_start3A_134 : memref<128x128xf32, #tpu.memory_space<vmem>>) target(%dma_start3A_131 : memref<128x128xf32, #tpu.memory_space<hbm>>) target_semaphore(%run_scoped3A : memref<!tpu.dma_semaphore, #tpu.memory_space<semaphore_mem>>)
      %dma_wait3A = arith.constant 0 : i32
      %dma_wait3A_135 = arith.constant 0 : i32
      %dma_wait3A_136 = tpu.memref_slice %arg9[%dma_wait3A, %dma_wait3A_135] : memref<128x128xf32, #tpu.memory_space<vmem>> -> memref<128x128xf32, #tpu.memory_space<vmem>>
      %dma_wait3A_137 = arith.constant 0 : i32
      %dma_wait3A_138 = tpu.memref_slice %arg6[%multiple_of3A_107, %dma_wait3A_137] : memref<20224x128xf32, #tpu.memory_space<hbm>> -> memref<128x128xf32, #tpu.memory_space<hbm>>
      %dma_wait3A_139 = arith.constant 0 : i32
      %dma_wait3A_140 = tpu.memref_slice %arg6[%multiple_of3A_107, %dma_wait3A_139] : memref<20224x128xf32, #tpu.memory_space<hbm>> -> memref<128x128xf32, #tpu.memory_space<hbm>>
      %dma_wait3A_141 = arith.constant 0 : i32
      %dma_wait3A_142 = arith.constant 0 : i32
      %dma_wait3A_143 = tpu.memref_slice %arg9[%dma_wait3A_141, %dma_wait3A_142] : memref<128x128xf32, #tpu.memory_space<vmem>> -> memref<128x128xf32, #tpu.memory_space<vmem>>
      tpu.wait_dma2 semaphore(%run_scoped3A : memref<!tpu.dma_semaphore, #tpu.memory_space<semaphore_mem>>) src(%dma_wait3A_143 : memref<128x128xf32, #tpu.memory_space<vmem>>) dst(%dma_wait3A_140 : memref<128x128xf32, #tpu.memory_space<hbm>>)
      tpu.yield
    }) : () -> ()
    %add3A_108 = arith.constant 256 : i32
    %add3A_109 = arith.addi %multiple_of3A, %add3A_108 : i32
    %multiple_of3A_110 = tpu.assume_multiple %add3A_109, 8 : i32
    "tpu.region"() ({
      %run_scoped3A = tpu.sem_alloc : memref<!tpu.dma_semaphore, #tpu.memory_space<semaphore_mem>>
      %dma_start3A = arith.constant 0 : i32
      %dma_start3A_126 = arith.constant 0 : i32
      %dma_start3A_127 = tpu.memref_slice %arg9[%dma_start3A, %dma_start3A_126] : memref<128x128xf32, #tpu.memory_space<vmem>> -> memref<128x128xf32, #tpu.memory_space<vmem>>
      %dma_start3A_128 = arith.constant 0 : i32
      %dma_start3A_129 = tpu.memref_slice %arg10[%multiple_of3A_110, %dma_start3A_128] : memref<10112x128xf32, #tpu.memory_space<vmem_shared>> -> memref<128x128xf32, #tpu.memory_space<vmem_shared>>
      %dma_start3A_130 = arith.constant 0 : i32
      %dma_start3A_131 = arith.constant 0 : i32
      %dma_start3A_132 = tpu.memref_slice %arg9[%dma_start3A_130, %dma_start3A_131] : memref<128x128xf32, #tpu.memory_space<vmem>> -> memref<128x128xf32, #tpu.memory_space<vmem>>
      %dma_start3A_133 = arith.constant 0 : i32
      %dma_start3A_134 = tpu.memref_slice %arg10[%multiple_of3A_110, %dma_start3A_133] : memref<10112x128xf32, #tpu.memory_space<vmem_shared>> -> memref<128x128xf32, #tpu.memory_space<vmem_shared>>
      tpu.enqueue_dma source(%dma_start3A_134 : memref<128x128xf32, #tpu.memory_space<vmem_shared>>) target(%dma_start3A_132 : memref<128x128xf32, #tpu.memory_space<vmem>>) target_semaphore(%run_scoped3A : memref<!tpu.dma_semaphore, #tpu.memory_space<semaphore_mem>>)
      %dma_wait3A = arith.constant 0 : i32
      %dma_wait3A_135 = arith.constant 0 : i32
      %dma_wait3A_136 = tpu.memref_slice %arg9[%dma_wait3A, %dma_wait3A_135] : memref<128x128xf32, #tpu.memory_space<vmem>> -> memref<128x128xf32, #tpu.memory_space<vmem>>
      %dma_wait3A_137 = arith.constant 0 : i32
      %dma_wait3A_138 = tpu.memref_slice %arg10[%multiple_of3A_110, %dma_wait3A_137] : memref<10112x128xf32, #tpu.memory_space<vmem_shared>> -> memref<128x128xf32, #tpu.memory_space<vmem_shared>>
      %dma_wait3A_139 = arith.constant 0 : i32
      %dma_wait3A_140 = arith.constant 0 : i32
      %dma_wait3A_141 = tpu.memref_slice %arg9[%dma_wait3A_139, %dma_wait3A_140] : memref<128x128xf32, #tpu.memory_space<vmem>> -> memref<128x128xf32, #tpu.memory_space<vmem>>
      %dma_wait3A_142 = arith.constant 0 : i32
      %dma_wait3A_143 = tpu.memref_slice %arg10[%multiple_of3A_110, %dma_wait3A_142] : memref<10112x128xf32, #tpu.memory_space<vmem_shared>> -> memref<128x128xf32, #tpu.memory_space<vmem_shared>>
      tpu.wait_dma2 semaphore(%run_scoped3A : memref<!tpu.dma_semaphore, #tpu.memory_space<semaphore_mem>>) src(%dma_wait3A_143 : memref<128x128xf32, #tpu.memory_space<vmem_shared>>) dst(%dma_wait3A_141 : memref<128x128xf32, #tpu.memory_space<vmem>>)
      tpu.yield
    }) : () -> ()
    %add3A_111 = arith.constant 256 : i32
    %add3A_112 = arith.addi %multiple_of3A_3, %add3A_111 : i32
    %multiple_of3A_113 = tpu.assume_multiple %add3A_112, 8 : i32
    "tpu.region"() ({
      %run_scoped3A = tpu.sem_alloc : memref<!tpu.dma_semaphore, #tpu.memory_space<semaphore_mem>>
      %dma_start3A = arith.constant 0 : i32
      %dma_start3A_126 = arith.constant 0 : i32
      %dma_start3A_127 = tpu.memref_slice %arg9[%dma_start3A, %dma_start3A_126] : memref<128x128xf32, #tpu.memory_space<vmem>> -> memref<128x128xf32, #tpu.memory_space<vmem>>
      %dma_start3A_128 = arith.constant 0 : i32
      %dma_start3A_129 = tpu.memref_slice %arg6[%multiple_of3A_113, %dma_start3A_128] : memref<20224x128xf32, #tpu.memory_space<hbm>> -> memref<128x128xf32, #tpu.memory_space<hbm>>
      %dma_start3A_130 = arith.constant 0 : i32
      %dma_start3A_131 = tpu.memref_slice %arg6[%multiple_of3A_113, %dma_start3A_130] : memref<20224x128xf32, #tpu.memory_space<hbm>> -> memref<128x128xf32, #tpu.memory_space<hbm>>
      %dma_start3A_132 = arith.constant 0 : i32
      %dma_start3A_133 = arith.constant 0 : i32
      %dma_start3A_134 = tpu.memref_slice %arg9[%dma_start3A_132, %dma_start3A_133] : memref<128x128xf32, #tpu.memory_space<vmem>> -> memref<128x128xf32, #tpu.memory_space<vmem>>
      tpu.enqueue_dma source(%dma_start3A_134 : memref<128x128xf32, #tpu.memory_space<vmem>>) target(%dma_start3A_131 : memref<128x128xf32, #tpu.memory_space<hbm>>) target_semaphore(%run_scoped3A : memref<!tpu.dma_semaphore, #tpu.memory_space<semaphore_mem>>)
      %dma_wait3A = arith.constant 0 : i32
      %dma_wait3A_135 = arith.constant 0 : i32
      %dma_wait3A_136 = tpu.memref_slice %arg9[%dma_wait3A, %dma_wait3A_135] : memref<128x128xf32, #tpu.memory_space<vmem>> -> memref<128x128xf32, #tpu.memory_space<vmem>>
      %dma_wait3A_137 = arith.constant 0 : i32
      %dma_wait3A_138 = tpu.memref_slice %arg6[%multiple_of3A_113, %dma_wait3A_137] : memref<20224x128xf32, #tpu.memory_space<hbm>> -> memref<128x128xf32, #tpu.memory_space<hbm>>
      %dma_wait3A_139 = arith.constant 0 : i32
      %dma_wait3A_140 = tpu.memref_slice %arg6[%multiple_of3A_113, %dma_wait3A_139] : memref<20224x128xf32, #tpu.memory_space<hbm>> -> memref<128x128xf32, #tpu.memory_space<hbm>>
      %dma_wait3A_141 = arith.constant 0 : i32
      %dma_wait3A_142 = arith.constant 0 : i32
      %dma_wait3A_143 = tpu.memref_slice %arg9[%dma_wait3A_141, %dma_wait3A_142] : memref<128x128xf32, #tpu.memory_space<vmem>> -> memref<128x128xf32, #tpu.memory_space<vmem>>
      tpu.wait_dma2 semaphore(%run_scoped3A : memref<!tpu.dma_semaphore, #tpu.memory_space<semaphore_mem>>) src(%dma_wait3A_143 : memref<128x128xf32, #tpu.memory_space<vmem>>) dst(%dma_wait3A_140 : memref<128x128xf32, #tpu.memory_space<hbm>>)
      tpu.yield
    }) : () -> ()
    %add3A_114 = arith.constant 384 : i32
    %add3A_115 = arith.addi %multiple_of3A, %add3A_114 : i32
    %multiple_of3A_116 = tpu.assume_multiple %add3A_115, 8 : i32
    "tpu.region"() ({
      %run_scoped3A = tpu.sem_alloc : memref<!tpu.dma_semaphore, #tpu.memory_space<semaphore_mem>>
      %dma_start3A = arith.constant 0 : i32
      %dma_start3A_126 = arith.constant 0 : i32
      %dma_start3A_127 = tpu.memref_slice %arg9[%dma_start3A, %dma_start3A_126] : memref<128x128xf32, #tpu.memory_space<vmem>> -> memref<128x128xf32, #tpu.memory_space<vmem>>
      %dma_start3A_128 = arith.constant 0 : i32
      %dma_start3A_129 = tpu.memref_slice %arg10[%multiple_of3A_116, %dma_start3A_128] : memref<10112x128xf32, #tpu.memory_space<vmem_shared>> -> memref<128x128xf32, #tpu.memory_space<vmem_shared>>
      %dma_start3A_130 = arith.constant 0 : i32
      %dma_start3A_131 = arith.constant 0 : i32
      %dma_start3A_132 = tpu.memref_slice %arg9[%dma_start3A_130, %dma_start3A_131] : memref<128x128xf32, #tpu.memory_space<vmem>> -> memref<128x128xf32, #tpu.memory_space<vmem>>
      %dma_start3A_133 = arith.constant 0 : i32
      %dma_start3A_134 = tpu.memref_slice %arg10[%multiple_of3A_116, %dma_start3A_133] : memref<10112x128xf32, #tpu.memory_space<vmem_shared>> -> memref<128x128xf32, #tpu.memory_space<vmem_shared>>
      tpu.enqueue_dma source(%dma_start3A_134 : memref<128x128xf32, #tpu.memory_space<vmem_shared>>) target(%dma_start3A_132 : memref<128x128xf32, #tpu.memory_space<vmem>>) target_semaphore(%run_scoped3A : memref<!tpu.dma_semaphore, #tpu.memory_space<semaphore_mem>>)
      %dma_wait3A = arith.constant 0 : i32
      %dma_wait3A_135 = arith.constant 0 : i32
      %dma_wait3A_136 = tpu.memref_slice %arg9[%dma_wait3A, %dma_wait3A_135] : memref<128x128xf32, #tpu.memory_space<vmem>> -> memref<128x128xf32, #tpu.memory_space<vmem>>
      %dma_wait3A_137 = arith.constant 0 : i32
      %dma_wait3A_138 = tpu.memref_slice %arg10[%multiple_of3A_116, %dma_wait3A_137] : memref<10112x128xf32, #tpu.memory_space<vmem_shared>> -> memref<128x128xf32, #tpu.memory_space<vmem_shared>>
      %dma_wait3A_139 = arith.constant 0 : i32
      %dma_wait3A_140 = arith.constant 0 : i32
      %dma_wait3A_141 = tpu.memref_slice %arg9[%dma_wait3A_139, %dma_wait3A_140] : memref<128x128xf32, #tpu.memory_space<vmem>> -> memref<128x128xf32, #tpu.memory_space<vmem>>
      %dma_wait3A_142 = arith.constant 0 : i32
      %dma_wait3A_143 = tpu.memref_slice %arg10[%multiple_of3A_116, %dma_wait3A_142] : memref<10112x128xf32, #tpu.memory_space<vmem_shared>> -> memref<128x128xf32, #tpu.memory_space<vmem_shared>>
      tpu.wait_dma2 semaphore(%run_scoped3A : memref<!tpu.dma_semaphore, #tpu.memory_space<semaphore_mem>>) src(%dma_wait3A_143 : memref<128x128xf32, #tpu.memory_space<vmem_shared>>) dst(%dma_wait3A_141 : memref<128x128xf32, #tpu.memory_space<vmem>>)
      tpu.yield
    }) : () -> ()
    %add3A_117 = arith.constant 384 : i32
    %add3A_118 = arith.addi %multiple_of3A_3, %add3A_117 : i32
    %multiple_of3A_119 = tpu.assume_multiple %add3A_118, 8 : i32
    "tpu.region"() ({
      %run_scoped3A = tpu.sem_alloc : memref<!tpu.dma_semaphore, #tpu.memory_space<semaphore_mem>>
      %dma_start3A = arith.constant 0 : i32
      %dma_start3A_126 = arith.constant 0 : i32
      %dma_start3A_127 = tpu.memref_slice %arg9[%dma_start3A, %dma_start3A_126] : memref<128x128xf32, #tpu.memory_space<vmem>> -> memref<128x128xf32, #tpu.memory_space<vmem>>
      %dma_start3A_128 = arith.constant 0 : i32
      %dma_start3A_129 = tpu.memref_slice %arg6[%multiple_of3A_119, %dma_start3A_128] : memref<20224x128xf32, #tpu.memory_space<hbm>> -> memref<128x128xf32, #tpu.memory_space<hbm>>
      %dma_start3A_130 = arith.constant 0 : i32
      %dma_start3A_131 = tpu.memref_slice %arg6[%multiple_of3A_119, %dma_start3A_130] : memref<20224x128xf32, #tpu.memory_space<hbm>> -> memref<128x128xf32, #tpu.memory_space<hbm>>
      %dma_start3A_132 = arith.constant 0 : i32
      %dma_start3A_133 = arith.constant 0 : i32
      %dma_start3A_134 = tpu.memref_slice %arg9[%dma_start3A_132, %dma_start3A_133] : memref<128x128xf32, #tpu.memory_space<vmem>> -> memref<128x128xf32, #tpu.memory_space<vmem>>
      tpu.enqueue_dma source(%dma_start3A_134 : memref<128x128xf32, #tpu.memory_space<vmem>>) target(%dma_start3A_131 : memref<128x128xf32, #tpu.memory_space<hbm>>) target_semaphore(%run_scoped3A : memref<!tpu.dma_semaphore, #tpu.memory_space<semaphore_mem>>)
      %dma_wait3A = arith.constant 0 : i32
      %dma_wait3A_135 = arith.constant 0 : i32
      %dma_wait3A_136 = tpu.memref_slice %arg9[%dma_wait3A, %dma_wait3A_135] : memref<128x128xf32, #tpu.memory_space<vmem>> -> memref<128x128xf32, #tpu.memory_space<vmem>>
      %dma_wait3A_137 = arith.constant 0 : i32
      %dma_wait3A_138 = tpu.memref_slice %arg6[%multiple_of3A_119, %dma_wait3A_137] : memref<20224x128xf32, #tpu.memory_space<hbm>> -> memref<128x128xf32, #tpu.memory_space<hbm>>
      %dma_wait3A_139 = arith.constant 0 : i32
      %dma_wait3A_140 = tpu.memref_slice %arg6[%multiple_of3A_119, %dma_wait3A_139] : memref<20224x128xf32, #tpu.memory_space<hbm>> -> memref<128x128xf32, #tpu.memory_space<hbm>>
      %dma_wait3A_141 = arith.constant 0 : i32
      %dma_wait3A_142 = arith.constant 0 : i32
      %dma_wait3A_143 = tpu.memref_slice %arg9[%dma_wait3A_141, %dma_wait3A_142] : memref<128x128xf32, #tpu.memory_space<vmem>> -> memref<128x128xf32, #tpu.memory_space<vmem>>
      tpu.wait_dma2 semaphore(%run_scoped3A : memref<!tpu.dma_semaphore, #tpu.memory_space<semaphore_mem>>) src(%dma_wait3A_143 : memref<128x128xf32, #tpu.memory_space<vmem>>) dst(%dma_wait3A_140 : memref<128x128xf32, #tpu.memory_space<hbm>>)
      tpu.yield
    }) : () -> ()
    %add3A_120 = arith.constant 512 : i32
    %add3A_121 = arith.addi %multiple_of3A, %add3A_120 : i32
    %multiple_of3A_122 = tpu.assume_multiple %add3A_121, 8 : i32
    "tpu.region"() ({
      %run_scoped3A = tpu.sem_alloc : memref<!tpu.dma_semaphore, #tpu.memory_space<semaphore_mem>>
      %dma_start3A = arith.constant 0 : i32
      %dma_start3A_126 = arith.constant 0 : i32
      %dma_start3A_127 = tpu.memref_slice %arg9[%dma_start3A, %dma_start3A_126] : memref<128x128xf32, #tpu.memory_space<vmem>> -> memref<120x128xf32, #tpu.memory_space<vmem>>
      %dma_start3A_128 = arith.constant 0 : i32
      %dma_start3A_129 = tpu.memref_slice %arg10[%multiple_of3A_122, %dma_start3A_128] : memref<10112x128xf32, #tpu.memory_space<vmem_shared>> -> memref<120x128xf32, #tpu.memory_space<vmem_shared>>
      %dma_start3A_130 = arith.constant 0 : i32
      %dma_start3A_131 = arith.constant 0 : i32
      %dma_start3A_132 = tpu.memref_slice %arg9[%dma_start3A_130, %dma_start3A_131] : memref<128x128xf32, #tpu.memory_space<vmem>> -> memref<120x128xf32, #tpu.memory_space<vmem>>
      %dma_start3A_133 = arith.constant 0 : i32
      %dma_start3A_134 = tpu.memref_slice %arg10[%multiple_of3A_122, %dma_start3A_133] : memref<10112x128xf32, #tpu.memory_space<vmem_shared>> -> memref<120x128xf32, #tpu.memory_space<vmem_shared>>
      tpu.enqueue_dma source(%dma_start3A_134 : memref<120x128xf32, #tpu.memory_space<vmem_shared>>) target(%dma_start3A_132 : memref<120x128xf32, #tpu.memory_space<vmem>>) target_semaphore(%run_scoped3A : memref<!tpu.dma_semaphore, #tpu.memory_space<semaphore_mem>>)
      %dma_wait3A = arith.constant 0 : i32
      %dma_wait3A_135 = arith.constant 0 : i32
      %dma_wait3A_136 = tpu.memref_slice %arg9[%dma_wait3A, %dma_wait3A_135] : memref<128x128xf32, #tpu.memory_space<vmem>> -> memref<120x128xf32, #tpu.memory_space<vmem>>
      %dma_wait3A_137 = arith.constant 0 : i32
      %dma_wait3A_138 = tpu.memref_slice %arg10[%multiple_of3A_122, %dma_wait3A_137] : memref<10112x128xf32, #tpu.memory_space<vmem_shared>> -> memref<120x128xf32, #tpu.memory_space<vmem_shared>>
      %dma_wait3A_139 = arith.constant 0 : i32
      %dma_wait3A_140 = arith.constant 0 : i32
      %dma_wait3A_141 = tpu.memref_slice %arg9[%dma_wait3A_139, %dma_wait3A_140] : memref<128x128xf32, #tpu.memory_space<vmem>> -> memref<120x128xf32, #tpu.memory_space<vmem>>
      %dma_wait3A_142 = arith.constant 0 : i32
      %dma_wait3A_143 = tpu.memref_slice %arg10[%multiple_of3A_122, %dma_wait3A_142] : memref<10112x128xf32, #tpu.memory_space<vmem_shared>> -> memref<120x128xf32, #tpu.memory_space<vmem_shared>>
      tpu.wait_dma2 semaphore(%run_scoped3A : memref<!tpu.dma_semaphore, #tpu.memory_space<semaphore_mem>>) src(%dma_wait3A_143 : memref<120x128xf32, #tpu.memory_space<vmem_shared>>) dst(%dma_wait3A_141 : memref<120x128xf32, #tpu.memory_space<vmem>>)
      tpu.yield
    }) : () -> ()
    %add3A_123 = arith.constant 512 : i32
    %add3A_124 = arith.addi %multiple_of3A_3, %add3A_123 : i32
    %multiple_of3A_125 = tpu.assume_multiple %add3A_124, 8 : i32
    "tpu.region"() ({
      %run_scoped3A = tpu.sem_alloc : memref<!tpu.dma_semaphore, #tpu.memory_space<semaphore_mem>>
      %dma_start3A = arith.constant 0 : i32
      %dma_start3A_126 = arith.constant 0 : i32
      %dma_start3A_127 = tpu.memref_slice %arg9[%dma_start3A, %dma_start3A_126] : memref<128x128xf32, #tpu.memory_space<vmem>> -> memref<120x128xf32, #tpu.memory_space<vmem>>
      %dma_start3A_128 = arith.constant 0 : i32
      %dma_start3A_129 = tpu.memref_slice %arg6[%multiple_of3A_125, %dma_start3A_128] : memref<20224x128xf32, #tpu.memory_space<hbm>> -> memref<120x128xf32, #tpu.memory_space<hbm>>
      %dma_start3A_130 = arith.constant 0 : i32
      %dma_start3A_131 = tpu.memref_slice %arg6[%multiple_of3A_125, %dma_start3A_130] : memref<20224x128xf32, #tpu.memory_space<hbm>> -> memref<120x128xf32, #tpu.memory_space<hbm>>
      %dma_start3A_132 = arith.constant 0 : i32
      %dma_start3A_133 = arith.constant 0 : i32
      %dma_start3A_134 = tpu.memref_slice %arg9[%dma_start3A_132, %dma_start3A_133] : memref<128x128xf32, #tpu.memory_space<vmem>> -> memref<120x128xf32, #tpu.memory_space<vmem>>
      tpu.enqueue_dma source(%dma_start3A_134 : memref<120x128xf32, #tpu.memory_space<vmem>>) target(%dma_start3A_131 : memref<120x128xf32, #tpu.memory_space<hbm>>) target_semaphore(%run_scoped3A : memref<!tpu.dma_semaphore, #tpu.memory_space<semaphore_mem>>)
      %dma_wait3A = arith.constant 0 : i32
      %dma_wait3A_135 = arith.constant 0 : i32
      %dma_wait3A_136 = tpu.memref_slice %arg9[%dma_wait3A, %dma_wait3A_135] : memref<128x128xf32, #tpu.memory_space<vmem>> -> memref<120x128xf32, #tpu.memory_space<vmem>>
      %dma_wait3A_137 = arith.constant 0 : i32
      %dma_wait3A_138 = tpu.memref_slice %arg6[%multiple_of3A_125, %dma_wait3A_137] : memref<20224x128xf32, #tpu.memory_space<hbm>> -> memref<120x128xf32, #tpu.memory_space<hbm>>
      %dma_wait3A_139 = arith.constant 0 : i32
      %dma_wait3A_140 = tpu.memref_slice %arg6[%multiple_of3A_125, %dma_wait3A_139] : memref<20224x128xf32, #tpu.memory_space<hbm>> -> memref<120x128xf32, #tpu.memory_space<hbm>>
      %dma_wait3A_141 = arith.constant 0 : i32
      %dma_wait3A_142 = arith.constant 0 : i32
      %dma_wait3A_143 = tpu.memref_slice %arg9[%dma_wait3A_141, %dma_wait3A_142] : memref<128x128xf32, #tpu.memory_space<vmem>> -> memref<120x128xf32, #tpu.memory_space<vmem>>
      tpu.wait_dma2 semaphore(%run_scoped3A : memref<!tpu.dma_semaphore, #tpu.memory_space<semaphore_mem>>) src(%dma_wait3A_143 : memref<120x128xf32, #tpu.memory_space<vmem>>) dst(%dma_wait3A_140 : memref<120x128xf32, #tpu.memory_space<hbm>>)
      tpu.yield
    }) : () -> ()
    return
  }
}

#map = affine_map<(d0, d1) -> (0, 0)>
module attributes {stable_mosaic.version = 14 : i64} {
  func.func @_sc_agg_body(%arg0: i32, %arg1: i32, %arg2: memref<10000x128xf32, #tpu.memory_space<hbm>>, %arg3: memref<2528x128xi32, #tpu.memory_space<hbm>>, %arg4: memref<2528x128xi32, #tpu.memory_space<hbm>>, %arg5: memref<20224x128xf32, #tpu.memory_space<hbm>>, %arg6: memref<8x128xi32, #tpu.memory_space<vmem>>, %arg7: memref<8x128xi32, #tpu.memory_space<vmem>>, %arg8: memref<128x128xf32, #tpu.memory_space<vmem>>, %arg9: memref<10112x128xf32, #tpu.memory_space<vmem_shared>>, %arg10: memref<!tpu.dma_semaphore, #tpu.memory_space<semaphore_mem>>) attributes {dimension_semantics = [#tpu.dimension_semantics<core_parallel>, #tpu.dimension_semantics<subcore_parallel>], iteration_bounds = array<i64: 2, 16>, scalar_prefetch = 0 : i64, scratch_operands = 5 : i64, tpu.core_type = #tpu.core_type<sc_vector_subcore>, window_params = [{transform_indices = #map}, {transform_indices = #map}, {transform_indices = #map}, {transform_indices = #map}]} {
    %mul3A = arith.constant 632 : i32
    %mul3A_0 = arith.muli %arg1, %mul3A : i32
    %multiple_of3A = tpu.assume_multiple %mul3A_0, 8 : i32
    %mul3A_1 = arith.constant 10112 : i32
    %mul3A_2 = arith.muli %arg0, %mul3A_1 : i32
    %add3A = arith.addi %mul3A_2, %multiple_of3A : i32
    %multiple_of3A_3 = tpu.assume_multiple %add3A, 8 : i32
    %broadcast_in_dim3A = arith.constant 0.000000e+00 : f32
    %broadcast_in_dim3A_4 = vector.broadcast %broadcast_in_dim3A : f32 to vector<16xf32>
    %scan3A = arith.constant 0 : i32
    %scan3A_5 = arith.constant 0 : i32
    %scan3A_6 = arith.constant 128 : i32
    %scan3A_7 = arith.addi %scan3A_5, %scan3A_6 : i32
    %scan3A_8 = arith.constant 1 : i32
    scf.for %scan3A_58 = %scan3A_5 to %scan3A_7 step %scan3A_8  : i32 {
      %swap3A = arith.index_cast %scan3A_58 : i32 to index
      %swap3A_59 = arith.constant 0 : index
      %swap3A_60 = tpu.vector_load %arg8[%swap3A, %swap3A_59] {strides = array<i32>} : memref<128x128xf32, #tpu.memory_space<vmem>>, vector<1x16xf32>,
      %swap3A_61 = vector.shape_cast %swap3A_60 : vector<1x16xf32> to vector<16xf32>
      %swap3A_62 = vector.shape_cast %broadcast_in_dim3A_4 : vector<16xf32> to vector<1x16xf32>
      tpu.vector_store %arg8[%swap3A, %swap3A_59], %swap3A_62 {strides = array<i32>} : memref<128x128xf32, #tpu.memory_space<vmem>>, vector<1x16xf32>,
      %swap3A_63 = arith.index_cast %scan3A_58 : i32 to index
      %swap3A_64 = arith.constant 16 : index
      %swap3A_65 = tpu.vector_load %arg8[%swap3A_63, %swap3A_64] {strides = array<i32>} : memref<128x128xf32, #tpu.memory_space<vmem>>, vector<1x16xf32>,
      %swap3A_66 = vector.shape_cast %swap3A_65 : vector<1x16xf32> to vector<16xf32>
      %swap3A_67 = vector.shape_cast %broadcast_in_dim3A_4 : vector<16xf32> to vector<1x16xf32>
      tpu.vector_store %arg8[%swap3A_63, %swap3A_64], %swap3A_67 {strides = array<i32>} : memref<128x128xf32, #tpu.memory_space<vmem>>, vector<1x16xf32>,
      %swap3A_68 = arith.index_cast %scan3A_58 : i32 to index
      %swap3A_69 = arith.constant 32 : index
      %swap3A_70 = tpu.vector_load %arg8[%swap3A_68, %swap3A_69] {strides = array<i32>} : memref<128x128xf32, #tpu.memory_space<vmem>>, vector<1x16xf32>,
      %swap3A_71 = vector.shape_cast %swap3A_70 : vector<1x16xf32> to vector<16xf32>
      %swap3A_72 = vector.shape_cast %broadcast_in_dim3A_4 : vector<16xf32> to vector<1x16xf32>
      tpu.vector_store %arg8[%swap3A_68, %swap3A_69], %swap3A_72 {strides = array<i32>} : memref<128x128xf32, #tpu.memory_space<vmem>>, vector<1x16xf32>,
      %swap3A_73 = arith.index_cast %scan3A_58 : i32 to index
      %swap3A_74 = arith.constant 48 : index
      %swap3A_75 = tpu.vector_load %arg8[%swap3A_73, %swap3A_74] {strides = array<i32>} : memref<128x128xf32, #tpu.memory_space<vmem>>, vector<1x16xf32>,
      %swap3A_76 = vector.shape_cast %swap3A_75 : vector<1x16xf32> to vector<16xf32>
      %swap3A_77 = vector.shape_cast %broadcast_in_dim3A_4 : vector<16xf32> to vector<1x16xf32>
      tpu.vector_store %arg8[%swap3A_73, %swap3A_74], %swap3A_77 {strides = array<i32>} : memref<128x128xf32, #tpu.memory_space<vmem>>, vector<1x16xf32>,
      %swap3A_78 = arith.index_cast %scan3A_58 : i32 to index
      %swap3A_79 = arith.constant 64 : index
      %swap3A_80 = tpu.vector_load %arg8[%swap3A_78, %swap3A_79] {strides = array<i32>} : memref<128x128xf32, #tpu.memory_space<vmem>>, vector<1x16xf32>,
      %swap3A_81 = vector.shape_cast %swap3A_80 : vector<1x16xf32> to vector<16xf32>
      %swap3A_82 = vector.shape_cast %broadcast_in_dim3A_4 : vector<16xf32> to vector<1x16xf32>
      tpu.vector_store %arg8[%swap3A_78, %swap3A_79], %swap3A_82 {strides = array<i32>} : memref<128x128xf32, #tpu.memory_space<vmem>>, vector<1x16xf32>,
      %swap3A_83 = arith.index_cast %scan3A_58 : i32 to index
      %swap3A_84 = arith.constant 80 : index
      %swap3A_85 = tpu.vector_load %arg8[%swap3A_83, %swap3A_84] {strides = array<i32>} : memref<128x128xf32, #tpu.memory_space<vmem>>, vector<1x16xf32>,
      %swap3A_86 = vector.shape_cast %swap3A_85 : vector<1x16xf32> to vector<16xf32>
      %swap3A_87 = vector.shape_cast %broadcast_in_dim3A_4 : vector<16xf32> to vector<1x16xf32>
      tpu.vector_store %arg8[%swap3A_83, %swap3A_84], %swap3A_87 {strides = array<i32>} : memref<128x128xf32, #tpu.memory_space<vmem>>, vector<1x16xf32>,
      %swap3A_88 = arith.index_cast %scan3A_58 : i32 to index
      %swap3A_89 = arith.constant 96 : index
      %swap3A_90 = tpu.vector_load %arg8[%swap3A_88, %swap3A_89] {strides = array<i32>} : memref<128x128xf32, #tpu.memory_space<vmem>>, vector<1x16xf32>,
      %swap3A_91 = vector.shape_cast %swap3A_90 : vector<1x16xf32> to vector<16xf32>
      %swap3A_92 = vector.shape_cast %broadcast_in_dim3A_4 : vector<16xf32> to vector<1x16xf32>
      tpu.vector_store %arg8[%swap3A_88, %swap3A_89], %swap3A_92 {strides = array<i32>} : memref<128x128xf32, #tpu.memory_space<vmem>>, vector<1x16xf32>,
      %swap3A_93 = arith.index_cast %scan3A_58 : i32 to index
      %swap3A_94 = arith.constant 112 : index
      %swap3A_95 = tpu.vector_load %arg8[%swap3A_93, %swap3A_94] {strides = array<i32>} : memref<128x128xf32, #tpu.memory_space<vmem>>, vector<1x16xf32>,
      %swap3A_96 = vector.shape_cast %swap3A_95 : vector<1x16xf32> to vector<16xf32>
      %swap3A_97 = vector.shape_cast %broadcast_in_dim3A_4 : vector<16xf32> to vector<1x16xf32>
      tpu.vector_store %arg8[%swap3A_93, %swap3A_94], %swap3A_97 {strides = array<i32>} : memref<128x128xf32, #tpu.memory_space<vmem>>, vector<1x16xf32>,
    }
    %scan3A_9 = arith.constant 128 : i32
    %add3A_10 = arith.constant 0 : i32
    %add3A_11 = arith.addi %multiple_of3A, %add3A_10 : i32
    %multiple_of3A_12 = tpu.assume_multiple %add3A_11, 8 : i32
    "tpu.region"() ({
      %run_scoped3A = tpu.sem_alloc : memref<!tpu.dma_semaphore, #tpu.memory_space<semaphore_mem>>
      %dma_start3A = arith.constant 0 : i32
      %dma_start3A_58 = arith.constant 0 : i32
      %dma_start3A_59 = tpu.memref_slice %arg8[%dma_start3A, %dma_start3A_58] : memref<128x128xf32, #tpu.memory_space<vmem>> -> memref<128x128xf32, #tpu.memory_space<vmem>>
      %dma_start3A_60 = arith.constant 0 : i32
      %dma_start3A_61 = tpu.memref_slice %arg9[%multiple_of3A_12, %dma_start3A_60] : memref<10112x128xf32, #tpu.memory_space<vmem_shared>> -> memref<128x128xf32, #tpu.memory_space<vmem_shared>>
      %dma_start3A_62 = arith.constant 0 : i32
      %dma_start3A_63 = tpu.memref_slice %arg9[%multiple_of3A_12, %dma_start3A_62] : memref<10112x128xf32, #tpu.memory_space<vmem_shared>> -> memref<128x128xf32, #tpu.memory_space<vmem_shared>>
      %dma_start3A_64 = arith.constant 0 : i32
      %dma_start3A_65 = arith.constant 0 : i32
      %dma_start3A_66 = tpu.memref_slice %arg8[%dma_start3A_64, %dma_start3A_65] : memref<128x128xf32, #tpu.memory_space<vmem>> -> memref<128x128xf32, #tpu.memory_space<vmem>>
      tpu.enqueue_dma source(%dma_start3A_66 : memref<128x128xf32, #tpu.memory_space<vmem>>) target(%dma_start3A_63 : memref<128x128xf32, #tpu.memory_space<vmem_shared>>) target_semaphore(%run_scoped3A : memref<!tpu.dma_semaphore, #tpu.memory_space<semaphore_mem>>)
      %dma_wait3A = arith.constant 0 : i32
      %dma_wait3A_67 = arith.constant 0 : i32
      %dma_wait3A_68 = tpu.memref_slice %arg8[%dma_wait3A, %dma_wait3A_67] : memref<128x128xf32, #tpu.memory_space<vmem>> -> memref<128x128xf32, #tpu.memory_space<vmem>>
      %dma_wait3A_69 = arith.constant 0 : i32
      %dma_wait3A_70 = tpu.memref_slice %arg9[%multiple_of3A_12, %dma_wait3A_69] : memref<10112x128xf32, #tpu.memory_space<vmem_shared>> -> memref<128x128xf32, #tpu.memory_space<vmem_shared>>
      %dma_wait3A_71 = arith.constant 0 : i32
      %dma_wait3A_72 = tpu.memref_slice %arg9[%multiple_of3A_12, %dma_wait3A_71] : memref<10112x128xf32, #tpu.memory_space<vmem_shared>> -> memref<128x128xf32, #tpu.memory_space<vmem_shared>>
      %dma_wait3A_73 = arith.constant 0 : i32
      %dma_wait3A_74 = arith.constant 0 : i32
      %dma_wait3A_75 = tpu.memref_slice %arg8[%dma_wait3A_73, %dma_wait3A_74] : memref<128x128xf32, #tpu.memory_space<vmem>> -> memref<128x128xf32, #tpu.memory_space<vmem>>
      tpu.wait_dma2 semaphore(%run_scoped3A : memref<!tpu.dma_semaphore, #tpu.memory_space<semaphore_mem>>) src(%dma_wait3A_75 : memref<128x128xf32, #tpu.memory_space<vmem>>) dst(%dma_wait3A_72 : memref<128x128xf32, #tpu.memory_space<vmem_shared>>)
      tpu.yield
    }) : () -> ()
    %add3A_13 = arith.constant 128 : i32
    %add3A_14 = arith.addi %multiple_of3A, %add3A_13 : i32
    %multiple_of3A_15 = tpu.assume_multiple %add3A_14, 8 : i32
    "tpu.region"() ({
      %run_scoped3A = tpu.sem_alloc : memref<!tpu.dma_semaphore, #tpu.memory_space<semaphore_mem>>
      %dma_start3A = arith.constant 0 : i32
      %dma_start3A_58 = arith.constant 0 : i32
      %dma_start3A_59 = tpu.memref_slice %arg8[%dma_start3A, %dma_start3A_58] : memref<128x128xf32, #tpu.memory_space<vmem>> -> memref<128x128xf32, #tpu.memory_space<vmem>>
      %dma_start3A_60 = arith.constant 0 : i32
      %dma_start3A_61 = tpu.memref_slice %arg9[%multiple_of3A_15, %dma_start3A_60] : memref<10112x128xf32, #tpu.memory_space<vmem_shared>> -> memref<128x128xf32, #tpu.memory_space<vmem_shared>>
      %dma_start3A_62 = arith.constant 0 : i32
      %dma_start3A_63 = tpu.memref_slice %arg9[%multiple_of3A_15, %dma_start3A_62] : memref<10112x128xf32, #tpu.memory_space<vmem_shared>> -> memref<128x128xf32, #tpu.memory_space<vmem_shared>>
      %dma_start3A_64 = arith.constant 0 : i32
      %dma_start3A_65 = arith.constant 0 : i32
      %dma_start3A_66 = tpu.memref_slice %arg8[%dma_start3A_64, %dma_start3A_65] : memref<128x128xf32, #tpu.memory_space<vmem>> -> memref<128x128xf32, #tpu.memory_space<vmem>>
      tpu.enqueue_dma source(%dma_start3A_66 : memref<128x128xf32, #tpu.memory_space<vmem>>) target(%dma_start3A_63 : memref<128x128xf32, #tpu.memory_space<vmem_shared>>) target_semaphore(%run_scoped3A : memref<!tpu.dma_semaphore, #tpu.memory_space<semaphore_mem>>)
      %dma_wait3A = arith.constant 0 : i32
      %dma_wait3A_67 = arith.constant 0 : i32
      %dma_wait3A_68 = tpu.memref_slice %arg8[%dma_wait3A, %dma_wait3A_67] : memref<128x128xf32, #tpu.memory_space<vmem>> -> memref<128x128xf32, #tpu.memory_space<vmem>>
      %dma_wait3A_69 = arith.constant 0 : i32
      %dma_wait3A_70 = tpu.memref_slice %arg9[%multiple_of3A_15, %dma_wait3A_69] : memref<10112x128xf32, #tpu.memory_space<vmem_shared>> -> memref<128x128xf32, #tpu.memory_space<vmem_shared>>
      %dma_wait3A_71 = arith.constant 0 : i32
      %dma_wait3A_72 = tpu.memref_slice %arg9[%multiple_of3A_15, %dma_wait3A_71] : memref<10112x128xf32, #tpu.memory_space<vmem_shared>> -> memref<128x128xf32, #tpu.memory_space<vmem_shared>>
      %dma_wait3A_73 = arith.constant 0 : i32
      %dma_wait3A_74 = arith.constant 0 : i32
      %dma_wait3A_75 = tpu.memref_slice %arg8[%dma_wait3A_73, %dma_wait3A_74] : memref<128x128xf32, #tpu.memory_space<vmem>> -> memref<128x128xf32, #tpu.memory_space<vmem>>
      tpu.wait_dma2 semaphore(%run_scoped3A : memref<!tpu.dma_semaphore, #tpu.memory_space<semaphore_mem>>) src(%dma_wait3A_75 : memref<128x128xf32, #tpu.memory_space<vmem>>) dst(%dma_wait3A_72 : memref<128x128xf32, #tpu.memory_space<vmem_shared>>)
      tpu.yield
    }) : () -> ()
    %add3A_16 = arith.constant 256 : i32
    %add3A_17 = arith.addi %multiple_of3A, %add3A_16 : i32
    %multiple_of3A_18 = tpu.assume_multiple %add3A_17, 8 : i32
    "tpu.region"() ({
      %run_scoped3A = tpu.sem_alloc : memref<!tpu.dma_semaphore, #tpu.memory_space<semaphore_mem>>
      %dma_start3A = arith.constant 0 : i32
      %dma_start3A_58 = arith.constant 0 : i32
      %dma_start3A_59 = tpu.memref_slice %arg8[%dma_start3A, %dma_start3A_58] : memref<128x128xf32, #tpu.memory_space<vmem>> -> memref<128x128xf32, #tpu.memory_space<vmem>>
      %dma_start3A_60 = arith.constant 0 : i32
      %dma_start3A_61 = tpu.memref_slice %arg9[%multiple_of3A_18, %dma_start3A_60] : memref<10112x128xf32, #tpu.memory_space<vmem_shared>> -> memref<128x128xf32, #tpu.memory_space<vmem_shared>>
      %dma_start3A_62 = arith.constant 0 : i32
      %dma_start3A_63 = tpu.memref_slice %arg9[%multiple_of3A_18, %dma_start3A_62] : memref<10112x128xf32, #tpu.memory_space<vmem_shared>> -> memref<128x128xf32, #tpu.memory_space<vmem_shared>>
      %dma_start3A_64 = arith.constant 0 : i32
      %dma_start3A_65 = arith.constant 0 : i32
      %dma_start3A_66 = tpu.memref_slice %arg8[%dma_start3A_64, %dma_start3A_65] : memref<128x128xf32, #tpu.memory_space<vmem>> -> memref<128x128xf32, #tpu.memory_space<vmem>>
      tpu.enqueue_dma source(%dma_start3A_66 : memref<128x128xf32, #tpu.memory_space<vmem>>) target(%dma_start3A_63 : memref<128x128xf32, #tpu.memory_space<vmem_shared>>) target_semaphore(%run_scoped3A : memref<!tpu.dma_semaphore, #tpu.memory_space<semaphore_mem>>)
      %dma_wait3A = arith.constant 0 : i32
      %dma_wait3A_67 = arith.constant 0 : i32
      %dma_wait3A_68 = tpu.memref_slice %arg8[%dma_wait3A, %dma_wait3A_67] : memref<128x128xf32, #tpu.memory_space<vmem>> -> memref<128x128xf32, #tpu.memory_space<vmem>>
      %dma_wait3A_69 = arith.constant 0 : i32
      %dma_wait3A_70 = tpu.memref_slice %arg9[%multiple_of3A_18, %dma_wait3A_69] : memref<10112x128xf32, #tpu.memory_space<vmem_shared>> -> memref<128x128xf32, #tpu.memory_space<vmem_shared>>
      %dma_wait3A_71 = arith.constant 0 : i32
      %dma_wait3A_72 = tpu.memref_slice %arg9[%multiple_of3A_18, %dma_wait3A_71] : memref<10112x128xf32, #tpu.memory_space<vmem_shared>> -> memref<128x128xf32, #tpu.memory_space<vmem_shared>>
      %dma_wait3A_73 = arith.constant 0 : i32
      %dma_wait3A_74 = arith.constant 0 : i32
      %dma_wait3A_75 = tpu.memref_slice %arg8[%dma_wait3A_73, %dma_wait3A_74] : memref<128x128xf32, #tpu.memory_space<vmem>> -> memref<128x128xf32, #tpu.memory_space<vmem>>
      tpu.wait_dma2 semaphore(%run_scoped3A : memref<!tpu.dma_semaphore, #tpu.memory_space<semaphore_mem>>) src(%dma_wait3A_75 : memref<128x128xf32, #tpu.memory_space<vmem>>) dst(%dma_wait3A_72 : memref<128x128xf32, #tpu.memory_space<vmem_shared>>)
      tpu.yield
    }) : () -> ()
    %add3A_19 = arith.constant 384 : i32
    %add3A_20 = arith.addi %multiple_of3A, %add3A_19 : i32
    %multiple_of3A_21 = tpu.assume_multiple %add3A_20, 8 : i32
    "tpu.region"() ({
      %run_scoped3A = tpu.sem_alloc : memref<!tpu.dma_semaphore, #tpu.memory_space<semaphore_mem>>
      %dma_start3A = arith.constant 0 : i32
      %dma_start3A_58 = arith.constant 0 : i32
      %dma_start3A_59 = tpu.memref_slice %arg8[%dma_start3A, %dma_start3A_58] : memref<128x128xf32, #tpu.memory_space<vmem>> -> memref<128x128xf32, #tpu.memory_space<vmem>>
      %dma_start3A_60 = arith.constant 0 : i32
      %dma_start3A_61 = tpu.memref_slice %arg9[%multiple_of3A_21, %dma_start3A_60] : memref<10112x128xf32, #tpu.memory_space<vmem_shared>> -> memref<128x128xf32, #tpu.memory_space<vmem_shared>>
      %dma_start3A_62 = arith.constant 0 : i32
      %dma_start3A_63 = tpu.memref_slice %arg9[%multiple_of3A_21, %dma_start3A_62] : memref<10112x128xf32, #tpu.memory_space<vmem_shared>> -> memref<128x128xf32, #tpu.memory_space<vmem_shared>>
      %dma_start3A_64 = arith.constant 0 : i32
      %dma_start3A_65 = arith.constant 0 : i32
      %dma_start3A_66 = tpu.memref_slice %arg8[%dma_start3A_64, %dma_start3A_65] : memref<128x128xf32, #tpu.memory_space<vmem>> -> memref<128x128xf32, #tpu.memory_space<vmem>>
      tpu.enqueue_dma source(%dma_start3A_66 : memref<128x128xf32, #tpu.memory_space<vmem>>) target(%dma_start3A_63 : memref<128x128xf32, #tpu.memory_space<vmem_shared>>) target_semaphore(%run_scoped3A : memref<!tpu.dma_semaphore, #tpu.memory_space<semaphore_mem>>)
      %dma_wait3A = arith.constant 0 : i32
      %dma_wait3A_67 = arith.constant 0 : i32
      %dma_wait3A_68 = tpu.memref_slice %arg8[%dma_wait3A, %dma_wait3A_67] : memref<128x128xf32, #tpu.memory_space<vmem>> -> memref<128x128xf32, #tpu.memory_space<vmem>>
      %dma_wait3A_69 = arith.constant 0 : i32
      %dma_wait3A_70 = tpu.memref_slice %arg9[%multiple_of3A_21, %dma_wait3A_69] : memref<10112x128xf32, #tpu.memory_space<vmem_shared>> -> memref<128x128xf32, #tpu.memory_space<vmem_shared>>
      %dma_wait3A_71 = arith.constant 0 : i32
      %dma_wait3A_72 = tpu.memref_slice %arg9[%multiple_of3A_21, %dma_wait3A_71] : memref<10112x128xf32, #tpu.memory_space<vmem_shared>> -> memref<128x128xf32, #tpu.memory_space<vmem_shared>>
      %dma_wait3A_73 = arith.constant 0 : i32
      %dma_wait3A_74 = arith.constant 0 : i32
      %dma_wait3A_75 = tpu.memref_slice %arg8[%dma_wait3A_73, %dma_wait3A_74] : memref<128x128xf32, #tpu.memory_space<vmem>> -> memref<128x128xf32, #tpu.memory_space<vmem>>
      tpu.wait_dma2 semaphore(%run_scoped3A : memref<!tpu.dma_semaphore, #tpu.memory_space<semaphore_mem>>) src(%dma_wait3A_75 : memref<128x128xf32, #tpu.memory_space<vmem>>) dst(%dma_wait3A_72 : memref<128x128xf32, #tpu.memory_space<vmem_shared>>)
      tpu.yield
    }) : () -> ()
    %add3A_22 = arith.constant 512 : i32
    %add3A_23 = arith.addi %multiple_of3A, %add3A_22 : i32
    %multiple_of3A_24 = tpu.assume_multiple %add3A_23, 8 : i32
    "tpu.region"() ({
      %run_scoped3A = tpu.sem_alloc : memref<!tpu.dma_semaphore, #tpu.memory_space<semaphore_mem>>
      %dma_start3A = arith.constant 0 : i32
      %dma_start3A_58 = arith.constant 0 : i32
      %dma_start3A_59 = tpu.memref_slice %arg8[%dma_start3A, %dma_start3A_58] : memref<128x128xf32, #tpu.memory_space<vmem>> -> memref<120x128xf32, #tpu.memory_space<vmem>>
      %dma_start3A_60 = arith.constant 0 : i32
      %dma_start3A_61 = tpu.memref_slice %arg9[%multiple_of3A_24, %dma_start3A_60] : memref<10112x128xf32, #tpu.memory_space<vmem_shared>> -> memref<120x128xf32, #tpu.memory_space<vmem_shared>>
      %dma_start3A_62 = arith.constant 0 : i32
      %dma_start3A_63 = tpu.memref_slice %arg9[%multiple_of3A_24, %dma_start3A_62] : memref<10112x128xf32, #tpu.memory_space<vmem_shared>> -> memref<120x128xf32, #tpu.memory_space<vmem_shared>>
      %dma_start3A_64 = arith.constant 0 : i32
      %dma_start3A_65 = arith.constant 0 : i32
      %dma_start3A_66 = tpu.memref_slice %arg8[%dma_start3A_64, %dma_start3A_65] : memref<128x128xf32, #tpu.memory_space<vmem>> -> memref<120x128xf32, #tpu.memory_space<vmem>>
      tpu.enqueue_dma source(%dma_start3A_66 : memref<120x128xf32, #tpu.memory_space<vmem>>) target(%dma_start3A_63 : memref<120x128xf32, #tpu.memory_space<vmem_shared>>) target_semaphore(%run_scoped3A : memref<!tpu.dma_semaphore, #tpu.memory_space<semaphore_mem>>)
      %dma_wait3A = arith.constant 0 : i32
      %dma_wait3A_67 = arith.constant 0 : i32
      %dma_wait3A_68 = tpu.memref_slice %arg8[%dma_wait3A, %dma_wait3A_67] : memref<128x128xf32, #tpu.memory_space<vmem>> -> memref<120x128xf32, #tpu.memory_space<vmem>>
      %dma_wait3A_69 = arith.constant 0 : i32
      %dma_wait3A_70 = tpu.memref_slice %arg9[%multiple_of3A_24, %dma_wait3A_69] : memref<10112x128xf32, #tpu.memory_space<vmem_shared>> -> memref<120x128xf32, #tpu.memory_space<vmem_shared>>
      %dma_wait3A_71 = arith.constant 0 : i32
      %dma_wait3A_72 = tpu.memref_slice %arg9[%multiple_of3A_24, %dma_wait3A_71] : memref<10112x128xf32, #tpu.memory_space<vmem_shared>> -> memref<120x128xf32, #tpu.memory_space<vmem_shared>>
      %dma_wait3A_73 = arith.constant 0 : i32
      %dma_wait3A_74 = arith.constant 0 : i32
      %dma_wait3A_75 = tpu.memref_slice %arg8[%dma_wait3A_73, %dma_wait3A_74] : memref<128x128xf32, #tpu.memory_space<vmem>> -> memref<120x128xf32, #tpu.memory_space<vmem>>
      tpu.wait_dma2 semaphore(%run_scoped3A : memref<!tpu.dma_semaphore, #tpu.memory_space<semaphore_mem>>) src(%dma_wait3A_75 : memref<120x128xf32, #tpu.memory_space<vmem>>) dst(%dma_wait3A_72 : memref<120x128xf32, #tpu.memory_space<vmem_shared>>)
      tpu.yield
    }) : () -> ()
    %barrier3A = arith.constant 0 : index
    tpu.barrier barrier_id(%barrier3A)
    %eq3A = arith.constant 0 : i32
    %eq3A_25 = arith.cmpi eq, %arg1, %eq3A : i32
    %convert_element_type3A = arith.extui %eq3A_25 : i1 to i32
    %cond3A = arith.constant 0 : i32
    %cond3A_26 = arith.cmpi ne, %convert_element_type3A, %cond3A : i32
    scf.if %cond3A_26 {
      %scan3A_58 = arith.constant 0 : i32
      %scan3A_59 = arith.constant 0 : i32
      %scan3A_60 = arith.constant 158 : i32
      %scan3A_61 = arith.addi %scan3A_59, %scan3A_60 : i32
      %scan3A_62 = arith.constant 1 : i32
      scf.for %scan3A_64 = %scan3A_59 to %scan3A_61 step %scan3A_62  : i32 {
        %mul3A_65 = arith.constant 79 : i32
        %mul3A_66 = arith.muli %arg0, %mul3A_65 : i32
        %mul3A_67 = arith.constant 16 : i32
        %mul3A_68 = arith.muli %mul3A_66, %mul3A_67 : i32
        %mul3A_69 = arith.constant 8 : i32
        %mul3A_70 = arith.muli %scan3A_64, %mul3A_69 : i32
        %add3A_71 = arith.addi %mul3A_68, %mul3A_70 : i32
        %multiple_of3A_72 = tpu.assume_multiple %add3A_71, 8 : i32
        "tpu.region"() ({
          %run_scoped3A = tpu.sem_alloc : memref<!tpu.dma_semaphore, #tpu.memory_space<semaphore_mem>>
          %dma_start3A = arith.constant 0 : i32
          %dma_start3A_79 = tpu.memref_slice %arg3[%multiple_of3A_72, %dma_start3A] : memref<2528x128xi32, #tpu.memory_space<hbm>> -> memref<8x128xi32, #tpu.memory_space<hbm>>
          %dma_start3A_80 = arith.constant 0 : i32
          %dma_start3A_81 = tpu.memref_slice %arg3[%multiple_of3A_72, %dma_start3A_80] : memref<2528x128xi32, #tpu.memory_space<hbm>> -> memref<8x128xi32, #tpu.memory_space<hbm>>
          tpu.enqueue_dma source(%dma_start3A_81 : memref<8x128xi32, #tpu.memory_space<hbm>>) target(%arg6 : memref<8x128xi32, #tpu.memory_space<vmem>>) target_semaphore(%run_scoped3A : memref<!tpu.dma_semaphore, #tpu.memory_space<semaphore_mem>>)
          %dma_wait3A = arith.constant 0 : i32
          %dma_wait3A_82 = tpu.memref_slice %arg3[%multiple_of3A_72, %dma_wait3A] : memref<2528x128xi32, #tpu.memory_space<hbm>> -> memref<8x128xi32, #tpu.memory_space<hbm>>
          %dma_wait3A_83 = arith.constant 0 : i32
          %dma_wait3A_84 = tpu.memref_slice %arg3[%multiple_of3A_72, %dma_wait3A_83] : memref<2528x128xi32, #tpu.memory_space<hbm>> -> memref<8x128xi32, #tpu.memory_space<hbm>>
          tpu.wait_dma2 semaphore(%run_scoped3A : memref<!tpu.dma_semaphore, #tpu.memory_space<semaphore_mem>>) src(%dma_wait3A_84 : memref<8x128xi32, #tpu.memory_space<hbm>>) dst(%arg6 : memref<8x128xi32, #tpu.memory_space<vmem>>)
          tpu.yield
        }) : () -> ()
        "tpu.region"() ({
          %run_scoped3A = tpu.sem_alloc : memref<!tpu.dma_semaphore, #tpu.memory_space<semaphore_mem>>
          %dma_start3A = arith.constant 0 : i32
          %dma_start3A_79 = tpu.memref_slice %arg4[%multiple_of3A_72, %dma_start3A] : memref<2528x128xi32, #tpu.memory_space<hbm>> -> memref<8x128xi32, #tpu.memory_space<hbm>>
          %dma_start3A_80 = arith.constant 0 : i32
          %dma_start3A_81 = tpu.memref_slice %arg4[%multiple_of3A_72, %dma_start3A_80] : memref<2528x128xi32, #tpu.memory_space<hbm>> -> memref<8x128xi32, #tpu.memory_space<hbm>>
          tpu.enqueue_dma source(%dma_start3A_81 : memref<8x128xi32, #tpu.memory_space<hbm>>) target(%arg7 : memref<8x128xi32, #tpu.memory_space<vmem>>) target_semaphore(%run_scoped3A : memref<!tpu.dma_semaphore, #tpu.memory_space<semaphore_mem>>)
          %dma_wait3A = arith.constant 0 : i32
          %dma_wait3A_82 = tpu.memref_slice %arg4[%multiple_of3A_72, %dma_wait3A] : memref<2528x128xi32, #tpu.memory_space<hbm>> -> memref<8x128xi32, #tpu.memory_space<hbm>>
          %dma_wait3A_83 = arith.constant 0 : i32
          %dma_wait3A_84 = tpu.memref_slice %arg4[%multiple_of3A_72, %dma_wait3A_83] : memref<2528x128xi32, #tpu.memory_space<hbm>> -> memref<8x128xi32, #tpu.memory_space<hbm>>
          tpu.wait_dma2 semaphore(%run_scoped3A : memref<!tpu.dma_semaphore, #tpu.memory_space<semaphore_mem>>) src(%dma_wait3A_84 : memref<8x128xi32, #tpu.memory_space<hbm>>) dst(%arg7 : memref<8x128xi32, #tpu.memory_space<vmem>>)
          tpu.yield
        }) : () -> ()
        %scan3A_73 = arith.constant 0 : i32
        %scan3A_74 = arith.constant 0 : i32
        %scan3A_75 = arith.constant 8 : i32
        %scan3A_76 = arith.addi %scan3A_74, %scan3A_75 : i32
        %scan3A_77 = arith.constant 1 : i32
        scf.for %scan3A_79 = %scan3A_74 to %scan3A_76 step %scan3A_77  : i32 {
          %dma_start3A = arith.constant 0 : i32
          %dma_start3A_80 = tpu.memref_slice %arg6[%scan3A_79, %dma_start3A] : memref<8x128xi32, #tpu.memory_space<vmem>> -> memref<1x128xi32, #tpu.memory_space<vmem>>
          %dma_start3A_81 = tpu.memref_squeeze %dma_start3A_80 : memref<1x128xi32, #tpu.memory_space<vmem>> -> memref<128xi32, #tpu.memory_space<vmem>>
          %dma_start3A_82 = arith.constant 0 : i32
          %dma_start3A_83 = arith.constant 0 : i32
          %dma_start3A_84 = tpu.memref_slice %arg2[%dma_start3A_82, %dma_start3A_83] : memref<10000x128xf32, #tpu.memory_space<hbm>> -> memref<10000x128xf32, #tpu.memory_space<hbm>>
          tpu.enqueue_indirect_dma source(%dma_start3A_84 : memref<10000x128xf32, #tpu.memory_space<hbm>>) target(%arg8 : memref<128x128xf32, #tpu.memory_space<vmem>>) offsets(%dma_start3A_81 : memref<128xi32, #tpu.memory_space<vmem>>) semaphore(%arg10 : memref<!tpu.dma_semaphore, #tpu.memory_space<semaphore_mem>>)
          %dma_wait3A = arith.constant 0 : i32
          %dma_wait3A_85 = tpu.memref_slice %arg6[%scan3A_79, %dma_wait3A] : memref<8x128xi32, #tpu.memory_space<vmem>> -> memref<1x128xi32, #tpu.memory_space<vmem>>
          %dma_wait3A_86 = tpu.memref_squeeze %dma_wait3A_85 : memref<1x128xi32, #tpu.memory_space<vmem>> -> memref<128xi32, #tpu.memory_space<vmem>>
          %dma_wait3A_87 = arith.constant 0 : i32
          %dma_wait3A_88 = arith.constant 0 : i32
          %dma_wait3A_89 = tpu.memref_slice %arg2[%dma_wait3A_87, %dma_wait3A_88] : memref<10000x128xf32, #tpu.memory_space<hbm>> -> memref<10000x128xf32, #tpu.memory_space<hbm>>
          tpu.wait_indirect_dma semaphore(%arg10 : memref<!tpu.dma_semaphore, #tpu.memory_space<semaphore_mem>>) src(%dma_wait3A_89 : memref<10000x128xf32, #tpu.memory_space<hbm>>) dst(%arg8 : memref<128x128xf32, #tpu.memory_space<vmem>>)
          "tpu.region"() ({
            %run_scoped3A = tpu.sem_alloc : memref<!tpu.dma_semaphore, #tpu.memory_space<semaphore_mem>>
            %dma_start3A_90 = arith.constant 0 : i32
            %dma_start3A_91 = tpu.memref_slice %arg7[%scan3A_79, %dma_start3A_90] : memref<8x128xi32, #tpu.memory_space<vmem>> -> memref<1x128xi32, #tpu.memory_space<vmem>>
            %dma_start3A_92 = tpu.memref_squeeze %dma_start3A_91 : memref<1x128xi32, #tpu.memory_space<vmem>> -> memref<128xi32, #tpu.memory_space<vmem>>
            %dma_start3A_93 = arith.constant 0 : i32
            %dma_start3A_94 = arith.constant 0 : i32
            %dma_start3A_95 = tpu.memref_slice %arg9[%dma_start3A_93, %dma_start3A_94] : memref<10112x128xf32, #tpu.memory_space<vmem_shared>> -> memref<10112x128xf32, #tpu.memory_space<vmem_shared>>
            tpu.enqueue_indirect_dma source(%arg8 : memref<128x128xf32, #tpu.memory_space<vmem>>) target(%dma_start3A_95 : memref<10112x128xf32, #tpu.memory_space<vmem_shared>>) offsets(%dma_start3A_92 : memref<128xi32, #tpu.memory_space<vmem>>) semaphore(%run_scoped3A : memref<!tpu.dma_semaphore, #tpu.memory_space<semaphore_mem>>) {add = true}
            %dma_wait3A_96 = arith.constant 0 : i32
            %dma_wait3A_97 = tpu.memref_slice %arg7[%scan3A_79, %dma_wait3A_96] : memref<8x128xi32, #tpu.memory_space<vmem>> -> memref<1x128xi32, #tpu.memory_space<vmem>>
            %dma_wait3A_98 = tpu.memref_squeeze %dma_wait3A_97 : memref<1x128xi32, #tpu.memory_space<vmem>> -> memref<128xi32, #tpu.memory_space<vmem>>
            %dma_wait3A_99 = arith.constant 0 : i32
            %dma_wait3A_100 = arith.constant 0 : i32
            %dma_wait3A_101 = tpu.memref_slice %arg9[%dma_wait3A_99, %dma_wait3A_100] : memref<10112x128xf32, #tpu.memory_space<vmem_shared>> -> memref<10112x128xf32, #tpu.memory_space<vmem_shared>>
            tpu.wait_indirect_dma semaphore(%run_scoped3A : memref<!tpu.dma_semaphore, #tpu.memory_space<semaphore_mem>>) src(%arg8 : memref<128x128xf32, #tpu.memory_space<vmem>>) dst(%dma_wait3A_101 : memref<10112x128xf32, #tpu.memory_space<vmem_shared>>)
            tpu.yield
          }) : () -> ()
        }
        %scan3A_78 = arith.constant 8 : i32
      }
      %scan3A_63 = arith.constant 158 : i32
    } else {
    }
    %barrier3A_27 = arith.constant 0 : index
    tpu.barrier barrier_id(%barrier3A_27)
    %add3A_28 = arith.constant 0 : i32
    %add3A_29 = arith.addi %multiple_of3A, %add3A_28 : i32
    %multiple_of3A_30 = tpu.assume_multiple %add3A_29, 8 : i32
    "tpu.region"() ({
      %run_scoped3A = tpu.sem_alloc : memref<!tpu.dma_semaphore, #tpu.memory_space<semaphore_mem>>
      %dma_start3A = arith.constant 0 : i32
      %dma_start3A_58 = arith.constant 0 : i32
      %dma_start3A_59 = tpu.memref_slice %arg8[%dma_start3A, %dma_start3A_58] : memref<128x128xf32, #tpu.memory_space<vmem>> -> memref<128x128xf32, #tpu.memory_space<vmem>>
      %dma_start3A_60 = arith.constant 0 : i32
      %dma_start3A_61 = tpu.memref_slice %arg9[%multiple_of3A_30, %dma_start3A_60] : memref<10112x128xf32, #tpu.memory_space<vmem_shared>> -> memref<128x128xf32, #tpu.memory_space<vmem_shared>>
      %dma_start3A_62 = arith.constant 0 : i32
      %dma_start3A_63 = arith.constant 0 : i32
      %dma_start3A_64 = tpu.memref_slice %arg8[%dma_start3A_62, %dma_start3A_63] : memref<128x128xf32, #tpu.memory_space<vmem>> -> memref<128x128xf32, #tpu.memory_space<vmem>>
      %dma_start3A_65 = arith.constant 0 : i32
      %dma_start3A_66 = tpu.memref_slice %arg9[%multiple_of3A_30, %dma_start3A_65] : memref<10112x128xf32, #tpu.memory_space<vmem_shared>> -> memref<128x128xf32, #tpu.memory_space<vmem_shared>>
      tpu.enqueue_dma source(%dma_start3A_66 : memref<128x128xf32, #tpu.memory_space<vmem_shared>>) target(%dma_start3A_64 : memref<128x128xf32, #tpu.memory_space<vmem>>) target_semaphore(%run_scoped3A : memref<!tpu.dma_semaphore, #tpu.memory_space<semaphore_mem>>)
      %dma_wait3A = arith.constant 0 : i32
      %dma_wait3A_67 = arith.constant 0 : i32
      %dma_wait3A_68 = tpu.memref_slice %arg8[%dma_wait3A, %dma_wait3A_67] : memref<128x128xf32, #tpu.memory_space<vmem>> -> memref<128x128xf32, #tpu.memory_space<vmem>>
      %dma_wait3A_69 = arith.constant 0 : i32
      %dma_wait3A_70 = tpu.memref_slice %arg9[%multiple_of3A_30, %dma_wait3A_69] : memref<10112x128xf32, #tpu.memory_space<vmem_shared>> -> memref<128x128xf32, #tpu.memory_space<vmem_shared>>
      %dma_wait3A_71 = arith.constant 0 : i32
      %dma_wait3A_72 = arith.constant 0 : i32
      %dma_wait3A_73 = tpu.memref_slice %arg8[%dma_wait3A_71, %dma_wait3A_72] : memref<128x128xf32, #tpu.memory_space<vmem>> -> memref<128x128xf32, #tpu.memory_space<vmem>>
      %dma_wait3A_74 = arith.constant 0 : i32
      %dma_wait3A_75 = tpu.memref_slice %arg9[%multiple_of3A_30, %dma_wait3A_74] : memref<10112x128xf32, #tpu.memory_space<vmem_shared>> -> memref<128x128xf32, #tpu.memory_space<vmem_shared>>
      tpu.wait_dma2 semaphore(%run_scoped3A : memref<!tpu.dma_semaphore, #tpu.memory_space<semaphore_mem>>) src(%dma_wait3A_75 : memref<128x128xf32, #tpu.memory_space<vmem_shared>>) dst(%dma_wait3A_73 : memref<128x128xf32, #tpu.memory_space<vmem>>)
      tpu.yield
    }) : () -> ()
    %add3A_31 = arith.constant 0 : i32
    %add3A_32 = arith.addi %multiple_of3A_3, %add3A_31 : i32
    %multiple_of3A_33 = tpu.assume_multiple %add3A_32, 8 : i32
    "tpu.region"() ({
      %run_scoped3A = tpu.sem_alloc : memref<!tpu.dma_semaphore, #tpu.memory_space<semaphore_mem>>
      %dma_start3A = arith.constant 0 : i32
      %dma_start3A_58 = arith.constant 0 : i32
      %dma_start3A_59 = tpu.memref_slice %arg8[%dma_start3A, %dma_start3A_58] : memref<128x128xf32, #tpu.memory_space<vmem>> -> memref<128x128xf32, #tpu.memory_space<vmem>>
      %dma_start3A_60 = arith.constant 0 : i32
      %dma_start3A_61 = tpu.memref_slice %arg5[%multiple_of3A_33, %dma_start3A_60] : memref<20224x128xf32, #tpu.memory_space<hbm>> -> memref<128x128xf32, #tpu.memory_space<hbm>>
      %dma_start3A_62 = arith.constant 0 : i32
      %dma_start3A_63 = tpu.memref_slice %arg5[%multiple_of3A_33, %dma_start3A_62] : memref<20224x128xf32, #tpu.memory_space<hbm>> -> memref<128x128xf32, #tpu.memory_space<hbm>>
      %dma_start3A_64 = arith.constant 0 : i32
      %dma_start3A_65 = arith.constant 0 : i32
      %dma_start3A_66 = tpu.memref_slice %arg8[%dma_start3A_64, %dma_start3A_65] : memref<128x128xf32, #tpu.memory_space<vmem>> -> memref<128x128xf32, #tpu.memory_space<vmem>>
      tpu.enqueue_dma source(%dma_start3A_66 : memref<128x128xf32, #tpu.memory_space<vmem>>) target(%dma_start3A_63 : memref<128x128xf32, #tpu.memory_space<hbm>>) target_semaphore(%run_scoped3A : memref<!tpu.dma_semaphore, #tpu.memory_space<semaphore_mem>>)
      %dma_wait3A = arith.constant 0 : i32
      %dma_wait3A_67 = arith.constant 0 : i32
      %dma_wait3A_68 = tpu.memref_slice %arg8[%dma_wait3A, %dma_wait3A_67] : memref<128x128xf32, #tpu.memory_space<vmem>> -> memref<128x128xf32, #tpu.memory_space<vmem>>
      %dma_wait3A_69 = arith.constant 0 : i32
      %dma_wait3A_70 = tpu.memref_slice %arg5[%multiple_of3A_33, %dma_wait3A_69] : memref<20224x128xf32, #tpu.memory_space<hbm>> -> memref<128x128xf32, #tpu.memory_space<hbm>>
      %dma_wait3A_71 = arith.constant 0 : i32
      %dma_wait3A_72 = tpu.memref_slice %arg5[%multiple_of3A_33, %dma_wait3A_71] : memref<20224x128xf32, #tpu.memory_space<hbm>> -> memref<128x128xf32, #tpu.memory_space<hbm>>
      %dma_wait3A_73 = arith.constant 0 : i32
      %dma_wait3A_74 = arith.constant 0 : i32
      %dma_wait3A_75 = tpu.memref_slice %arg8[%dma_wait3A_73, %dma_wait3A_74] : memref<128x128xf32, #tpu.memory_space<vmem>> -> memref<128x128xf32, #tpu.memory_space<vmem>>
      tpu.wait_dma2 semaphore(%run_scoped3A : memref<!tpu.dma_semaphore, #tpu.memory_space<semaphore_mem>>) src(%dma_wait3A_75 : memref<128x128xf32, #tpu.memory_space<vmem>>) dst(%dma_wait3A_72 : memref<128x128xf32, #tpu.memory_space<hbm>>)
      tpu.yield
    }) : () -> ()
    %add3A_34 = arith.constant 128 : i32
    %add3A_35 = arith.addi %multiple_of3A, %add3A_34 : i32
    %multiple_of3A_36 = tpu.assume_multiple %add3A_35, 8 : i32
    "tpu.region"() ({
      %run_scoped3A = tpu.sem_alloc : memref<!tpu.dma_semaphore, #tpu.memory_space<semaphore_mem>>
      %dma_start3A = arith.constant 0 : i32
      %dma_start3A_58 = arith.constant 0 : i32
      %dma_start3A_59 = tpu.memref_slice %arg8[%dma_start3A, %dma_start3A_58] : memref<128x128xf32, #tpu.memory_space<vmem>> -> memref<128x128xf32, #tpu.memory_space<vmem>>
      %dma_start3A_60 = arith.constant 0 : i32
      %dma_start3A_61 = tpu.memref_slice %arg9[%multiple_of3A_36, %dma_start3A_60] : memref<10112x128xf32, #tpu.memory_space<vmem_shared>> -> memref<128x128xf32, #tpu.memory_space<vmem_shared>>
      %dma_start3A_62 = arith.constant 0 : i32
      %dma_start3A_63 = arith.constant 0 : i32
      %dma_start3A_64 = tpu.memref_slice %arg8[%dma_start3A_62, %dma_start3A_63] : memref<128x128xf32, #tpu.memory_space<vmem>> -> memref<128x128xf32, #tpu.memory_space<vmem>>
      %dma_start3A_65 = arith.constant 0 : i32
      %dma_start3A_66 = tpu.memref_slice %arg9[%multiple_of3A_36, %dma_start3A_65] : memref<10112x128xf32, #tpu.memory_space<vmem_shared>> -> memref<128x128xf32, #tpu.memory_space<vmem_shared>>
      tpu.enqueue_dma source(%dma_start3A_66 : memref<128x128xf32, #tpu.memory_space<vmem_shared>>) target(%dma_start3A_64 : memref<128x128xf32, #tpu.memory_space<vmem>>) target_semaphore(%run_scoped3A : memref<!tpu.dma_semaphore, #tpu.memory_space<semaphore_mem>>)
      %dma_wait3A = arith.constant 0 : i32
      %dma_wait3A_67 = arith.constant 0 : i32
      %dma_wait3A_68 = tpu.memref_slice %arg8[%dma_wait3A, %dma_wait3A_67] : memref<128x128xf32, #tpu.memory_space<vmem>> -> memref<128x128xf32, #tpu.memory_space<vmem>>
      %dma_wait3A_69 = arith.constant 0 : i32
      %dma_wait3A_70 = tpu.memref_slice %arg9[%multiple_of3A_36, %dma_wait3A_69] : memref<10112x128xf32, #tpu.memory_space<vmem_shared>> -> memref<128x128xf32, #tpu.memory_space<vmem_shared>>
      %dma_wait3A_71 = arith.constant 0 : i32
      %dma_wait3A_72 = arith.constant 0 : i32
      %dma_wait3A_73 = tpu.memref_slice %arg8[%dma_wait3A_71, %dma_wait3A_72] : memref<128x128xf32, #tpu.memory_space<vmem>> -> memref<128x128xf32, #tpu.memory_space<vmem>>
      %dma_wait3A_74 = arith.constant 0 : i32
      %dma_wait3A_75 = tpu.memref_slice %arg9[%multiple_of3A_36, %dma_wait3A_74] : memref<10112x128xf32, #tpu.memory_space<vmem_shared>> -> memref<128x128xf32, #tpu.memory_space<vmem_shared>>
      tpu.wait_dma2 semaphore(%run_scoped3A : memref<!tpu.dma_semaphore, #tpu.memory_space<semaphore_mem>>) src(%dma_wait3A_75 : memref<128x128xf32, #tpu.memory_space<vmem_shared>>) dst(%dma_wait3A_73 : memref<128x128xf32, #tpu.memory_space<vmem>>)
      tpu.yield
    }) : () -> ()
    %add3A_37 = arith.constant 128 : i32
    %add3A_38 = arith.addi %multiple_of3A_3, %add3A_37 : i32
    %multiple_of3A_39 = tpu.assume_multiple %add3A_38, 8 : i32
    "tpu.region"() ({
      %run_scoped3A = tpu.sem_alloc : memref<!tpu.dma_semaphore, #tpu.memory_space<semaphore_mem>>
      %dma_start3A = arith.constant 0 : i32
      %dma_start3A_58 = arith.constant 0 : i32
      %dma_start3A_59 = tpu.memref_slice %arg8[%dma_start3A, %dma_start3A_58] : memref<128x128xf32, #tpu.memory_space<vmem>> -> memref<128x128xf32, #tpu.memory_space<vmem>>
      %dma_start3A_60 = arith.constant 0 : i32
      %dma_start3A_61 = tpu.memref_slice %arg5[%multiple_of3A_39, %dma_start3A_60] : memref<20224x128xf32, #tpu.memory_space<hbm>> -> memref<128x128xf32, #tpu.memory_space<hbm>>
      %dma_start3A_62 = arith.constant 0 : i32
      %dma_start3A_63 = tpu.memref_slice %arg5[%multiple_of3A_39, %dma_start3A_62] : memref<20224x128xf32, #tpu.memory_space<hbm>> -> memref<128x128xf32, #tpu.memory_space<hbm>>
      %dma_start3A_64 = arith.constant 0 : i32
      %dma_start3A_65 = arith.constant 0 : i32
      %dma_start3A_66 = tpu.memref_slice %arg8[%dma_start3A_64, %dma_start3A_65] : memref<128x128xf32, #tpu.memory_space<vmem>> -> memref<128x128xf32, #tpu.memory_space<vmem>>
      tpu.enqueue_dma source(%dma_start3A_66 : memref<128x128xf32, #tpu.memory_space<vmem>>) target(%dma_start3A_63 : memref<128x128xf32, #tpu.memory_space<hbm>>) target_semaphore(%run_scoped3A : memref<!tpu.dma_semaphore, #tpu.memory_space<semaphore_mem>>)
      %dma_wait3A = arith.constant 0 : i32
      %dma_wait3A_67 = arith.constant 0 : i32
      %dma_wait3A_68 = tpu.memref_slice %arg8[%dma_wait3A, %dma_wait3A_67] : memref<128x128xf32, #tpu.memory_space<vmem>> -> memref<128x128xf32, #tpu.memory_space<vmem>>
      %dma_wait3A_69 = arith.constant 0 : i32
      %dma_wait3A_70 = tpu.memref_slice %arg5[%multiple_of3A_39, %dma_wait3A_69] : memref<20224x128xf32, #tpu.memory_space<hbm>> -> memref<128x128xf32, #tpu.memory_space<hbm>>
      %dma_wait3A_71 = arith.constant 0 : i32
      %dma_wait3A_72 = tpu.memref_slice %arg5[%multiple_of3A_39, %dma_wait3A_71] : memref<20224x128xf32, #tpu.memory_space<hbm>> -> memref<128x128xf32, #tpu.memory_space<hbm>>
      %dma_wait3A_73 = arith.constant 0 : i32
      %dma_wait3A_74 = arith.constant 0 : i32
      %dma_wait3A_75 = tpu.memref_slice %arg8[%dma_wait3A_73, %dma_wait3A_74] : memref<128x128xf32, #tpu.memory_space<vmem>> -> memref<128x128xf32, #tpu.memory_space<vmem>>
      tpu.wait_dma2 semaphore(%run_scoped3A : memref<!tpu.dma_semaphore, #tpu.memory_space<semaphore_mem>>) src(%dma_wait3A_75 : memref<128x128xf32, #tpu.memory_space<vmem>>) dst(%dma_wait3A_72 : memref<128x128xf32, #tpu.memory_space<hbm>>)
      tpu.yield
    }) : () -> ()
    %add3A_40 = arith.constant 256 : i32
    %add3A_41 = arith.addi %multiple_of3A, %add3A_40 : i32
    %multiple_of3A_42 = tpu.assume_multiple %add3A_41, 8 : i32
    "tpu.region"() ({
      %run_scoped3A = tpu.sem_alloc : memref<!tpu.dma_semaphore, #tpu.memory_space<semaphore_mem>>
      %dma_start3A = arith.constant 0 : i32
      %dma_start3A_58 = arith.constant 0 : i32
      %dma_start3A_59 = tpu.memref_slice %arg8[%dma_start3A, %dma_start3A_58] : memref<128x128xf32, #tpu.memory_space<vmem>> -> memref<128x128xf32, #tpu.memory_space<vmem>>
      %dma_start3A_60 = arith.constant 0 : i32
      %dma_start3A_61 = tpu.memref_slice %arg9[%multiple_of3A_42, %dma_start3A_60] : memref<10112x128xf32, #tpu.memory_space<vmem_shared>> -> memref<128x128xf32, #tpu.memory_space<vmem_shared>>
      %dma_start3A_62 = arith.constant 0 : i32
      %dma_start3A_63 = arith.constant 0 : i32
      %dma_start3A_64 = tpu.memref_slice %arg8[%dma_start3A_62, %dma_start3A_63] : memref<128x128xf32, #tpu.memory_space<vmem>> -> memref<128x128xf32, #tpu.memory_space<vmem>>
      %dma_start3A_65 = arith.constant 0 : i32
      %dma_start3A_66 = tpu.memref_slice %arg9[%multiple_of3A_42, %dma_start3A_65] : memref<10112x128xf32, #tpu.memory_space<vmem_shared>> -> memref<128x128xf32, #tpu.memory_space<vmem_shared>>
      tpu.enqueue_dma source(%dma_start3A_66 : memref<128x128xf32, #tpu.memory_space<vmem_shared>>) target(%dma_start3A_64 : memref<128x128xf32, #tpu.memory_space<vmem>>) target_semaphore(%run_scoped3A : memref<!tpu.dma_semaphore, #tpu.memory_space<semaphore_mem>>)
      %dma_wait3A = arith.constant 0 : i32
      %dma_wait3A_67 = arith.constant 0 : i32
      %dma_wait3A_68 = tpu.memref_slice %arg8[%dma_wait3A, %dma_wait3A_67] : memref<128x128xf32, #tpu.memory_space<vmem>> -> memref<128x128xf32, #tpu.memory_space<vmem>>
      %dma_wait3A_69 = arith.constant 0 : i32
      %dma_wait3A_70 = tpu.memref_slice %arg9[%multiple_of3A_42, %dma_wait3A_69] : memref<10112x128xf32, #tpu.memory_space<vmem_shared>> -> memref<128x128xf32, #tpu.memory_space<vmem_shared>>
      %dma_wait3A_71 = arith.constant 0 : i32
      %dma_wait3A_72 = arith.constant 0 : i32
      %dma_wait3A_73 = tpu.memref_slice %arg8[%dma_wait3A_71, %dma_wait3A_72] : memref<128x128xf32, #tpu.memory_space<vmem>> -> memref<128x128xf32, #tpu.memory_space<vmem>>
      %dma_wait3A_74 = arith.constant 0 : i32
      %dma_wait3A_75 = tpu.memref_slice %arg9[%multiple_of3A_42, %dma_wait3A_74] : memref<10112x128xf32, #tpu.memory_space<vmem_shared>> -> memref<128x128xf32, #tpu.memory_space<vmem_shared>>
      tpu.wait_dma2 semaphore(%run_scoped3A : memref<!tpu.dma_semaphore, #tpu.memory_space<semaphore_mem>>) src(%dma_wait3A_75 : memref<128x128xf32, #tpu.memory_space<vmem_shared>>) dst(%dma_wait3A_73 : memref<128x128xf32, #tpu.memory_space<vmem>>)
      tpu.yield
    }) : () -> ()
    %add3A_43 = arith.constant 256 : i32
    %add3A_44 = arith.addi %multiple_of3A_3, %add3A_43 : i32
    %multiple_of3A_45 = tpu.assume_multiple %add3A_44, 8 : i32
    "tpu.region"() ({
      %run_scoped3A = tpu.sem_alloc : memref<!tpu.dma_semaphore, #tpu.memory_space<semaphore_mem>>
      %dma_start3A = arith.constant 0 : i32
      %dma_start3A_58 = arith.constant 0 : i32
      %dma_start3A_59 = tpu.memref_slice %arg8[%dma_start3A, %dma_start3A_58] : memref<128x128xf32, #tpu.memory_space<vmem>> -> memref<128x128xf32, #tpu.memory_space<vmem>>
      %dma_start3A_60 = arith.constant 0 : i32
      %dma_start3A_61 = tpu.memref_slice %arg5[%multiple_of3A_45, %dma_start3A_60] : memref<20224x128xf32, #tpu.memory_space<hbm>> -> memref<128x128xf32, #tpu.memory_space<hbm>>
      %dma_start3A_62 = arith.constant 0 : i32
      %dma_start3A_63 = tpu.memref_slice %arg5[%multiple_of3A_45, %dma_start3A_62] : memref<20224x128xf32, #tpu.memory_space<hbm>> -> memref<128x128xf32, #tpu.memory_space<hbm>>
      %dma_start3A_64 = arith.constant 0 : i32
      %dma_start3A_65 = arith.constant 0 : i32
      %dma_start3A_66 = tpu.memref_slice %arg8[%dma_start3A_64, %dma_start3A_65] : memref<128x128xf32, #tpu.memory_space<vmem>> -> memref<128x128xf32, #tpu.memory_space<vmem>>
      tpu.enqueue_dma source(%dma_start3A_66 : memref<128x128xf32, #tpu.memory_space<vmem>>) target(%dma_start3A_63 : memref<128x128xf32, #tpu.memory_space<hbm>>) target_semaphore(%run_scoped3A : memref<!tpu.dma_semaphore, #tpu.memory_space<semaphore_mem>>)
      %dma_wait3A = arith.constant 0 : i32
      %dma_wait3A_67 = arith.constant 0 : i32
      %dma_wait3A_68 = tpu.memref_slice %arg8[%dma_wait3A, %dma_wait3A_67] : memref<128x128xf32, #tpu.memory_space<vmem>> -> memref<128x128xf32, #tpu.memory_space<vmem>>
      %dma_wait3A_69 = arith.constant 0 : i32
      %dma_wait3A_70 = tpu.memref_slice %arg5[%multiple_of3A_45, %dma_wait3A_69] : memref<20224x128xf32, #tpu.memory_space<hbm>> -> memref<128x128xf32, #tpu.memory_space<hbm>>
      %dma_wait3A_71 = arith.constant 0 : i32
      %dma_wait3A_72 = tpu.memref_slice %arg5[%multiple_of3A_45, %dma_wait3A_71] : memref<20224x128xf32, #tpu.memory_space<hbm>> -> memref<128x128xf32, #tpu.memory_space<hbm>>
      %dma_wait3A_73 = arith.constant 0 : i32
      %dma_wait3A_74 = arith.constant 0 : i32
      %dma_wait3A_75 = tpu.memref_slice %arg8[%dma_wait3A_73, %dma_wait3A_74] : memref<128x128xf32, #tpu.memory_space<vmem>> -> memref<128x128xf32, #tpu.memory_space<vmem>>
      tpu.wait_dma2 semaphore(%run_scoped3A : memref<!tpu.dma_semaphore, #tpu.memory_space<semaphore_mem>>) src(%dma_wait3A_75 : memref<128x128xf32, #tpu.memory_space<vmem>>) dst(%dma_wait3A_72 : memref<128x128xf32, #tpu.memory_space<hbm>>)
      tpu.yield
    }) : () -> ()
    %add3A_46 = arith.constant 384 : i32
    %add3A_47 = arith.addi %multiple_of3A, %add3A_46 : i32
    %multiple_of3A_48 = tpu.assume_multiple %add3A_47, 8 : i32
    "tpu.region"() ({
      %run_scoped3A = tpu.sem_alloc : memref<!tpu.dma_semaphore, #tpu.memory_space<semaphore_mem>>
      %dma_start3A = arith.constant 0 : i32
      %dma_start3A_58 = arith.constant 0 : i32
      %dma_start3A_59 = tpu.memref_slice %arg8[%dma_start3A, %dma_start3A_58] : memref<128x128xf32, #tpu.memory_space<vmem>> -> memref<128x128xf32, #tpu.memory_space<vmem>>
      %dma_start3A_60 = arith.constant 0 : i32
      %dma_start3A_61 = tpu.memref_slice %arg9[%multiple_of3A_48, %dma_start3A_60] : memref<10112x128xf32, #tpu.memory_space<vmem_shared>> -> memref<128x128xf32, #tpu.memory_space<vmem_shared>>
      %dma_start3A_62 = arith.constant 0 : i32
      %dma_start3A_63 = arith.constant 0 : i32
      %dma_start3A_64 = tpu.memref_slice %arg8[%dma_start3A_62, %dma_start3A_63] : memref<128x128xf32, #tpu.memory_space<vmem>> -> memref<128x128xf32, #tpu.memory_space<vmem>>
      %dma_start3A_65 = arith.constant 0 : i32
      %dma_start3A_66 = tpu.memref_slice %arg9[%multiple_of3A_48, %dma_start3A_65] : memref<10112x128xf32, #tpu.memory_space<vmem_shared>> -> memref<128x128xf32, #tpu.memory_space<vmem_shared>>
      tpu.enqueue_dma source(%dma_start3A_66 : memref<128x128xf32, #tpu.memory_space<vmem_shared>>) target(%dma_start3A_64 : memref<128x128xf32, #tpu.memory_space<vmem>>) target_semaphore(%run_scoped3A : memref<!tpu.dma_semaphore, #tpu.memory_space<semaphore_mem>>)
      %dma_wait3A = arith.constant 0 : i32
      %dma_wait3A_67 = arith.constant 0 : i32
      %dma_wait3A_68 = tpu.memref_slice %arg8[%dma_wait3A, %dma_wait3A_67] : memref<128x128xf32, #tpu.memory_space<vmem>> -> memref<128x128xf32, #tpu.memory_space<vmem>>
      %dma_wait3A_69 = arith.constant 0 : i32
      %dma_wait3A_70 = tpu.memref_slice %arg9[%multiple_of3A_48, %dma_wait3A_69] : memref<10112x128xf32, #tpu.memory_space<vmem_shared>> -> memref<128x128xf32, #tpu.memory_space<vmem_shared>>
      %dma_wait3A_71 = arith.constant 0 : i32
      %dma_wait3A_72 = arith.constant 0 : i32
      %dma_wait3A_73 = tpu.memref_slice %arg8[%dma_wait3A_71, %dma_wait3A_72] : memref<128x128xf32, #tpu.memory_space<vmem>> -> memref<128x128xf32, #tpu.memory_space<vmem>>
      %dma_wait3A_74 = arith.constant 0 : i32
      %dma_wait3A_75 = tpu.memref_slice %arg9[%multiple_of3A_48, %dma_wait3A_74] : memref<10112x128xf32, #tpu.memory_space<vmem_shared>> -> memref<128x128xf32, #tpu.memory_space<vmem_shared>>
      tpu.wait_dma2 semaphore(%run_scoped3A : memref<!tpu.dma_semaphore, #tpu.memory_space<semaphore_mem>>) src(%dma_wait3A_75 : memref<128x128xf32, #tpu.memory_space<vmem_shared>>) dst(%dma_wait3A_73 : memref<128x128xf32, #tpu.memory_space<vmem>>)
      tpu.yield
    }) : () -> ()
    %add3A_49 = arith.constant 384 : i32
    %add3A_50 = arith.addi %multiple_of3A_3, %add3A_49 : i32
    %multiple_of3A_51 = tpu.assume_multiple %add3A_50, 8 : i32
    "tpu.region"() ({
      %run_scoped3A = tpu.sem_alloc : memref<!tpu.dma_semaphore, #tpu.memory_space<semaphore_mem>>
      %dma_start3A = arith.constant 0 : i32
      %dma_start3A_58 = arith.constant 0 : i32
      %dma_start3A_59 = tpu.memref_slice %arg8[%dma_start3A, %dma_start3A_58] : memref<128x128xf32, #tpu.memory_space<vmem>> -> memref<128x128xf32, #tpu.memory_space<vmem>>
      %dma_start3A_60 = arith.constant 0 : i32
      %dma_start3A_61 = tpu.memref_slice %arg5[%multiple_of3A_51, %dma_start3A_60] : memref<20224x128xf32, #tpu.memory_space<hbm>> -> memref<128x128xf32, #tpu.memory_space<hbm>>
      %dma_start3A_62 = arith.constant 0 : i32
      %dma_start3A_63 = tpu.memref_slice %arg5[%multiple_of3A_51, %dma_start3A_62] : memref<20224x128xf32, #tpu.memory_space<hbm>> -> memref<128x128xf32, #tpu.memory_space<hbm>>
      %dma_start3A_64 = arith.constant 0 : i32
      %dma_start3A_65 = arith.constant 0 : i32
      %dma_start3A_66 = tpu.memref_slice %arg8[%dma_start3A_64, %dma_start3A_65] : memref<128x128xf32, #tpu.memory_space<vmem>> -> memref<128x128xf32, #tpu.memory_space<vmem>>
      tpu.enqueue_dma source(%dma_start3A_66 : memref<128x128xf32, #tpu.memory_space<vmem>>) target(%dma_start3A_63 : memref<128x128xf32, #tpu.memory_space<hbm>>) target_semaphore(%run_scoped3A : memref<!tpu.dma_semaphore, #tpu.memory_space<semaphore_mem>>)
      %dma_wait3A = arith.constant 0 : i32
      %dma_wait3A_67 = arith.constant 0 : i32
      %dma_wait3A_68 = tpu.memref_slice %arg8[%dma_wait3A, %dma_wait3A_67] : memref<128x128xf32, #tpu.memory_space<vmem>> -> memref<128x128xf32, #tpu.memory_space<vmem>>
      %dma_wait3A_69 = arith.constant 0 : i32
      %dma_wait3A_70 = tpu.memref_slice %arg5[%multiple_of3A_51, %dma_wait3A_69] : memref<20224x128xf32, #tpu.memory_space<hbm>> -> memref<128x128xf32, #tpu.memory_space<hbm>>
      %dma_wait3A_71 = arith.constant 0 : i32
      %dma_wait3A_72 = tpu.memref_slice %arg5[%multiple_of3A_51, %dma_wait3A_71] : memref<20224x128xf32, #tpu.memory_space<hbm>> -> memref<128x128xf32, #tpu.memory_space<hbm>>
      %dma_wait3A_73 = arith.constant 0 : i32
      %dma_wait3A_74 = arith.constant 0 : i32
      %dma_wait3A_75 = tpu.memref_slice %arg8[%dma_wait3A_73, %dma_wait3A_74] : memref<128x128xf32, #tpu.memory_space<vmem>> -> memref<128x128xf32, #tpu.memory_space<vmem>>
      tpu.wait_dma2 semaphore(%run_scoped3A : memref<!tpu.dma_semaphore, #tpu.memory_space<semaphore_mem>>) src(%dma_wait3A_75 : memref<128x128xf32, #tpu.memory_space<vmem>>) dst(%dma_wait3A_72 : memref<128x128xf32, #tpu.memory_space<hbm>>)
      tpu.yield
    }) : () -> ()
    %add3A_52 = arith.constant 512 : i32
    %add3A_53 = arith.addi %multiple_of3A, %add3A_52 : i32
    %multiple_of3A_54 = tpu.assume_multiple %add3A_53, 8 : i32
    "tpu.region"() ({
      %run_scoped3A = tpu.sem_alloc : memref<!tpu.dma_semaphore, #tpu.memory_space<semaphore_mem>>
      %dma_start3A = arith.constant 0 : i32
      %dma_start3A_58 = arith.constant 0 : i32
      %dma_start3A_59 = tpu.memref_slice %arg8[%dma_start3A, %dma_start3A_58] : memref<128x128xf32, #tpu.memory_space<vmem>> -> memref<120x128xf32, #tpu.memory_space<vmem>>
      %dma_start3A_60 = arith.constant 0 : i32
      %dma_start3A_61 = tpu.memref_slice %arg9[%multiple_of3A_54, %dma_start3A_60] : memref<10112x128xf32, #tpu.memory_space<vmem_shared>> -> memref<120x128xf32, #tpu.memory_space<vmem_shared>>
      %dma_start3A_62 = arith.constant 0 : i32
      %dma_start3A_63 = arith.constant 0 : i32
      %dma_start3A_64 = tpu.memref_slice %arg8[%dma_start3A_62, %dma_start3A_63] : memref<128x128xf32, #tpu.memory_space<vmem>> -> memref<120x128xf32, #tpu.memory_space<vmem>>
      %dma_start3A_65 = arith.constant 0 : i32
      %dma_start3A_66 = tpu.memref_slice %arg9[%multiple_of3A_54, %dma_start3A_65] : memref<10112x128xf32, #tpu.memory_space<vmem_shared>> -> memref<120x128xf32, #tpu.memory_space<vmem_shared>>
      tpu.enqueue_dma source(%dma_start3A_66 : memref<120x128xf32, #tpu.memory_space<vmem_shared>>) target(%dma_start3A_64 : memref<120x128xf32, #tpu.memory_space<vmem>>) target_semaphore(%run_scoped3A : memref<!tpu.dma_semaphore, #tpu.memory_space<semaphore_mem>>)
      %dma_wait3A = arith.constant 0 : i32
      %dma_wait3A_67 = arith.constant 0 : i32
      %dma_wait3A_68 = tpu.memref_slice %arg8[%dma_wait3A, %dma_wait3A_67] : memref<128x128xf32, #tpu.memory_space<vmem>> -> memref<120x128xf32, #tpu.memory_space<vmem>>
      %dma_wait3A_69 = arith.constant 0 : i32
      %dma_wait3A_70 = tpu.memref_slice %arg9[%multiple_of3A_54, %dma_wait3A_69] : memref<10112x128xf32, #tpu.memory_space<vmem_shared>> -> memref<120x128xf32, #tpu.memory_space<vmem_shared>>
      %dma_wait3A_71 = arith.constant 0 : i32
      %dma_wait3A_72 = arith.constant 0 : i32
      %dma_wait3A_73 = tpu.memref_slice %arg8[%dma_wait3A_71, %dma_wait3A_72] : memref<128x128xf32, #tpu.memory_space<vmem>> -> memref<120x128xf32, #tpu.memory_space<vmem>>
      %dma_wait3A_74 = arith.constant 0 : i32
      %dma_wait3A_75 = tpu.memref_slice %arg9[%multiple_of3A_54, %dma_wait3A_74] : memref<10112x128xf32, #tpu.memory_space<vmem_shared>> -> memref<120x128xf32, #tpu.memory_space<vmem_shared>>
      tpu.wait_dma2 semaphore(%run_scoped3A : memref<!tpu.dma_semaphore, #tpu.memory_space<semaphore_mem>>) src(%dma_wait3A_75 : memref<120x128xf32, #tpu.memory_space<vmem_shared>>) dst(%dma_wait3A_73 : memref<120x128xf32, #tpu.memory_space<vmem>>)
      tpu.yield
    }) : () -> ()
    %add3A_55 = arith.constant 512 : i32
    %add3A_56 = arith.addi %multiple_of3A_3, %add3A_55 : i32
    %multiple_of3A_57 = tpu.assume_multiple %add3A_56, 8 : i32
    "tpu.region"() ({
      %run_scoped3A = tpu.sem_alloc : memref<!tpu.dma_semaphore, #tpu.memory_space<semaphore_mem>>
      %dma_start3A = arith.constant 0 : i32
      %dma_start3A_58 = arith.constant 0 : i32
      %dma_start3A_59 = tpu.memref_slice %arg8[%dma_start3A, %dma_start3A_58] : memref<128x128xf32, #tpu.memory_space<vmem>> -> memref<120x128xf32, #tpu.memory_space<vmem>>
      %dma_start3A_60 = arith.constant 0 : i32
      %dma_start3A_61 = tpu.memref_slice %arg5[%multiple_of3A_57, %dma_start3A_60] : memref<20224x128xf32, #tpu.memory_space<hbm>> -> memref<120x128xf32, #tpu.memory_space<hbm>>
      %dma_start3A_62 = arith.constant 0 : i32
      %dma_start3A_63 = tpu.memref_slice %arg5[%multiple_of3A_57, %dma_start3A_62] : memref<20224x128xf32, #tpu.memory_space<hbm>> -> memref<120x128xf32, #tpu.memory_space<hbm>>
      %dma_start3A_64 = arith.constant 0 : i32
      %dma_start3A_65 = arith.constant 0 : i32
      %dma_start3A_66 = tpu.memref_slice %arg8[%dma_start3A_64, %dma_start3A_65] : memref<128x128xf32, #tpu.memory_space<vmem>> -> memref<120x128xf32, #tpu.memory_space<vmem>>
      tpu.enqueue_dma source(%dma_start3A_66 : memref<120x128xf32, #tpu.memory_space<vmem>>) target(%dma_start3A_63 : memref<120x128xf32, #tpu.memory_space<hbm>>) target_semaphore(%run_scoped3A : memref<!tpu.dma_semaphore, #tpu.memory_space<semaphore_mem>>)
      %dma_wait3A = arith.constant 0 : i32
      %dma_wait3A_67 = arith.constant 0 : i32
      %dma_wait3A_68 = tpu.memref_slice %arg8[%dma_wait3A, %dma_wait3A_67] : memref<128x128xf32, #tpu.memory_space<vmem>> -> memref<120x128xf32, #tpu.memory_space<vmem>>
      %dma_wait3A_69 = arith.constant 0 : i32
      %dma_wait3A_70 = tpu.memref_slice %arg5[%multiple_of3A_57, %dma_wait3A_69] : memref<20224x128xf32, #tpu.memory_space<hbm>> -> memref<120x128xf32, #tpu.memory_space<hbm>>
      %dma_wait3A_71 = arith.constant 0 : i32
      %dma_wait3A_72 = tpu.memref_slice %arg5[%multiple_of3A_57, %dma_wait3A_71] : memref<20224x128xf32, #tpu.memory_space<hbm>> -> memref<120x128xf32, #tpu.memory_space<hbm>>
      %dma_wait3A_73 = arith.constant 0 : i32
      %dma_wait3A_74 = arith.constant 0 : i32
      %dma_wait3A_75 = tpu.memref_slice %arg8[%dma_wait3A_73, %dma_wait3A_74] : memref<128x128xf32, #tpu.memory_space<vmem>> -> memref<120x128xf32, #tpu.memory_space<vmem>>
      tpu.wait_dma2 semaphore(%run_scoped3A : memref<!tpu.dma_semaphore, #tpu.memory_space<semaphore_mem>>) src(%dma_wait3A_75 : memref<120x128xf32, #tpu.memory_space<vmem>>) dst(%dma_wait3A_72 : memref<120x128xf32, #tpu.memory_space<hbm>>)
      tpu.yield
    }) : () -> ()
    return
  }
}

module attributes {stable_mosaic.version = 14 : i64} {
  func.func @_tc_layer_body(%arg0: i32, %arg1: memref<2x1000x128xf32, #tpu.memory_space<vmem>>, %arg2: memref<2x1000x128xf32, #tpu.memory_space<vmem>>, %arg3: memref<1000x128xf32, #tpu.memory_space<vmem>>, %arg4: memref<128x128xf32, #tpu.memory_space<vmem>>, %arg5: memref<128x128xf32, #tpu.memory_space<vmem>>, %arg6: memref<1x128xf32, #tpu.memory_space<vmem>>, %arg7: memref<1000x128xf32, #tpu.memory_space<vmem>>) attributes {dimension_semantics = [#tpu.dimension_semantics<arbitrary>], iteration_bounds = array<i64: 10>, scalar_prefetch = 0 : i64, scratch_operands = 0 : i64, tpu.core_type = #tpu.core_type<tc>, window_params = [{transform_indices = @transform_0, window_bounds = array<i64: 2, 1000, 128>}, {transform_indices = @transform_1, window_bounds = array<i64: 2, 1000, 128>}, {transform_indices = @transform_2, window_bounds = array<i64: 1000, 128>}, {pipeline_mode = #tpu.pipeline_mode<synchronous>, transform_indices = @transform_3, window_bounds = array<i64: 128, 128>}, {pipeline_mode = #tpu.pipeline_mode<synchronous>, transform_indices = @transform_4, window_bounds = array<i64: 128, 128>}, {pipeline_mode = #tpu.pipeline_mode<synchronous>, transform_indices = @transform_5, window_bounds = array<i64: 1, 128>}, {transform_indices = @transform_6, window_bounds = array<i64: 1000, 128>}]} {
    %get3A = arith.constant 0 : index
    %get3A_0 = arith.constant 0 : index
    %get3A_1 = arith.constant 0 : index
    %get3A_2 = vector.load %arg1[%get3A, %get3A_0, %get3A_1] : memref<2x1000x128xf32, #tpu.memory_space<vmem>>, vector<1x1000x128xf32>
    %get3A_3 = vector.shape_cast %get3A_2 : vector<1x1000x128xf32> to vector<1000x128xf32>
    %get3A_4 = arith.constant 1 : index
    %get3A_5 = arith.constant 0 : index
    %get3A_6 = arith.constant 0 : index
    %get3A_7 = vector.load %arg1[%get3A_4, %get3A_5, %get3A_6] : memref<2x1000x128xf32, #tpu.memory_space<vmem>>, vector<1x1000x128xf32>
    %get3A_8 = vector.shape_cast %get3A_7 : vector<1x1000x128xf32> to vector<1000x128xf32>
    %add3A = arith.addf %get3A_3, %get3A_8 : vector<1000x128xf32>
    %get3A_9 = arith.constant 0 : index
    %get3A_10 = arith.constant 0 : index
    %get3A_11 = arith.constant 0 : index
    %get3A_12 = vector.load %arg2[%get3A_9, %get3A_10, %get3A_11] : memref<2x1000x128xf32, #tpu.memory_space<vmem>>, vector<1x1000x128xf32>
    %get3A_13 = vector.shape_cast %get3A_12 : vector<1x1000x128xf32> to vector<1000x128xf32>
    %slice3A = vector.extract_strided_slice %get3A_13 {offsets = [0, 0], sizes = [1000, 1], strides = [1, 1]} : vector<1000x128xf32> to vector<1000x1xf32>
    %get3A_14 = arith.constant 1 : index
    %get3A_15 = arith.constant 0 : index
    %get3A_16 = arith.constant 0 : index
    %get3A_17 = vector.load %arg2[%get3A_14, %get3A_15, %get3A_16] : memref<2x1000x128xf32, #tpu.memory_space<vmem>>, vector<1x1000x128xf32>
    %get3A_18 = vector.shape_cast %get3A_17 : vector<1x1000x128xf32> to vector<1000x128xf32>
    %slice3A_19 = vector.extract_strided_slice %get3A_18 {offsets = [0, 0], sizes = [1000, 1], strides = [1, 1]} : vector<1000x128xf32> to vector<1000x1xf32>
    %add3A_20 = arith.addf %slice3A, %slice3A_19 : vector<1000x1xf32>
    %max3A = arith.constant 1.000000e+00 : f32
    %max3A_21 = vector.broadcast %max3A : f32 to vector<1000x1xf32>
    %max3A_22 = arith.maximumf %add3A_20, %max3A_21 : vector<1000x1xf32>
    %div3A = vector.broadcast %max3A_22 : vector<1000x1xf32> to vector<1000x128xf32>
    %div3A_23 = arith.divf %add3A, %div3A : vector<1000x128xf32>
    %get3A_24 = arith.constant 0 : index
    %get3A_25 = arith.constant 0 : index
    %get3A_26 = vector.load %arg4[%get3A_24, %get3A_25] : memref<128x128xf32, #tpu.memory_space<vmem>>, vector<128x128xf32>
    %dot_general3A = arith.constant dense<0.000000e+00> : vector<1000x128xf32>
    %dot_general3A_27 = tpu.matmul %div3A_23, %get3A_26, %dot_general3A {dimension_numbers = #tpu.dot_dimension_numbers<[1], [0], [0], [1], [0, 0, 1, 1], [], []>, precision = #tpu.contract_precision<fp32>, transpose_lhs_hint = false} : vector<1000x128xf32>, vector<128x128xf32>, vector<1000x128xf32> -> vector<1000x128xf32>
    %get3A_28 = arith.constant 0 : index
    %get3A_29 = arith.constant 0 : index
    %get3A_30 = vector.load %arg3[%get3A_28, %get3A_29] : memref<1000x128xf32, #tpu.memory_space<vmem>>, vector<1000x128xf32>
    %get3A_31 = arith.constant 0 : index
    %get3A_32 = arith.constant 0 : index
    %get3A_33 = vector.load %arg5[%get3A_31, %get3A_32] : memref<128x128xf32, #tpu.memory_space<vmem>>, vector<128x128xf32>
    %dot_general3A_34 = arith.constant dense<0.000000e+00> : vector<1000x128xf32>
    %dot_general3A_35 = tpu.matmul %get3A_30, %get3A_33, %dot_general3A_34 {dimension_numbers = #tpu.dot_dimension_numbers<[1], [0], [0], [1], [0, 0, 1, 1], [], []>, precision = #tpu.contract_precision<fp32>, transpose_lhs_hint = false} : vector<1000x128xf32>, vector<128x128xf32>, vector<1000x128xf32> -> vector<1000x128xf32>
    %add3A_36 = arith.addf %dot_general3A_27, %dot_general3A_35 : vector<1000x128xf32>
    %get3A_37 = arith.constant 0 : index
    %get3A_38 = arith.constant 0 : index
    %get3A_39 = vector.load %arg6[%get3A_37, %get3A_38] : memref<1x128xf32, #tpu.memory_space<vmem>>, vector<1x128xf32>
    %add3A_40 = vector.broadcast %get3A_39 : vector<1x128xf32> to vector<1000x128xf32>
    %add3A_41 = arith.addf %add3A_36, %add3A_40 : vector<1000x128xf32>
    %swap3A = arith.constant 0 : index
    %swap3A_42 = arith.constant 0 : index
    %swap3A_43 = vector.load %arg7[%swap3A, %swap3A_42] : memref<1000x128xf32, #tpu.memory_space<vmem>>, vector<1000x128xf32>
    tpu.vector_store %arg7[%swap3A, %swap3A_42], %add3A_41 {strides = array<i32>} : memref<1000x128xf32, #tpu.memory_space<vmem>>, vector<1000x128xf32>,
    return
  }
  func.func @transform_0(%arg0: i32) -> (i32, i32, i32) {
    %c0_i32 = arith.constant 0 : i32
    %c0_i32_0 = arith.constant 0 : i32
    %c0_i32_1 = arith.constant 0 : i32
    return %c0_i32, %arg0, %c0_i32_0 : i32, i32, i32
  }
  func.func @transform_1(%arg0: i32) -> (i32, i32, i32) {
    %c0_i32 = arith.constant 0 : i32
    %c0_i32_0 = arith.constant 0 : i32
    %c0_i32_1 = arith.constant 0 : i32
    return %c0_i32, %arg0, %c0_i32_0 : i32, i32, i32
  }
  func.func @transform_2(%arg0: i32) -> (i32, i32) {
    %c0_i32 = arith.constant 0 : i32
    %c0_i32_0 = arith.constant 0 : i32
    return %arg0, %c0_i32 : i32, i32
  }
  func.func @transform_3(%arg0: i32) -> (i32, i32) {
    %c0_i32 = arith.constant 0 : i32
    %c0_i32_0 = arith.constant 0 : i32
    %c0_i32_1 = arith.constant 0 : i32
    return %c0_i32, %c0_i32_0 : i32, i32
  }
  func.func @transform_4(%arg0: i32) -> (i32, i32) {
    %c0_i32 = arith.constant 0 : i32
    %c0_i32_0 = arith.constant 0 : i32
    %c0_i32_1 = arith.constant 0 : i32
    return %c0_i32, %c0_i32_0 : i32, i32
  }
  func.func @transform_5(%arg0: i32) -> (i32, i32) {
    %c0_i32 = arith.constant 0 : i32
    %c0_i32_0 = arith.constant 0 : i32
    %c0_i32_1 = arith.constant 0 : i32
    return %c0_i32, %c0_i32_0 : i32, i32
  }
  func.func @transform_6(%arg0: i32) -> (i32, i32) {
    %c0_i32 = arith.constant 0 : i32
    %c0_i32_0 = arith.constant 0 : i32
    return %arg0, %c0_i32 : i32, i32
  }
}

module attributes {stable_mosaic.version = 14 : i64} {
  func.func @_tc_layer_body(%arg0: i32, %arg1: memref<2x1000x128xf32, #tpu.memory_space<vmem>>, %arg2: memref<2x1000x128xf32, #tpu.memory_space<vmem>>, %arg3: memref<1000x128xf32, #tpu.memory_space<vmem>>, %arg4: memref<128x128xf32, #tpu.memory_space<vmem>>, %arg5: memref<128x128xf32, #tpu.memory_space<vmem>>, %arg6: memref<1x128xf32, #tpu.memory_space<vmem>>, %arg7: memref<1000x128xf32, #tpu.memory_space<vmem>>) attributes {dimension_semantics = [#tpu.dimension_semantics<arbitrary>], iteration_bounds = array<i64: 10>, scalar_prefetch = 0 : i64, scratch_operands = 0 : i64, tpu.core_type = #tpu.core_type<tc>, window_params = [{transform_indices = @transform_0, window_bounds = array<i64: 2, 1000, 128>}, {transform_indices = @transform_1, window_bounds = array<i64: 2, 1000, 128>}, {transform_indices = @transform_2, window_bounds = array<i64: 1000, 128>}, {pipeline_mode = #tpu.pipeline_mode<synchronous>, transform_indices = @transform_3, window_bounds = array<i64: 128, 128>}, {pipeline_mode = #tpu.pipeline_mode<synchronous>, transform_indices = @transform_4, window_bounds = array<i64: 128, 128>}, {pipeline_mode = #tpu.pipeline_mode<synchronous>, transform_indices = @transform_5, window_bounds = array<i64: 1, 128>}, {transform_indices = @transform_6, window_bounds = array<i64: 1000, 128>}]} {
    %get3A = arith.constant 0 : index
    %get3A_0 = arith.constant 0 : index
    %get3A_1 = arith.constant 0 : index
    %get3A_2 = vector.load %arg1[%get3A, %get3A_0, %get3A_1] : memref<2x1000x128xf32, #tpu.memory_space<vmem>>, vector<1x1000x128xf32>
    %get3A_3 = vector.shape_cast %get3A_2 : vector<1x1000x128xf32> to vector<1000x128xf32>
    %get3A_4 = arith.constant 1 : index
    %get3A_5 = arith.constant 0 : index
    %get3A_6 = arith.constant 0 : index
    %get3A_7 = vector.load %arg1[%get3A_4, %get3A_5, %get3A_6] : memref<2x1000x128xf32, #tpu.memory_space<vmem>>, vector<1x1000x128xf32>
    %get3A_8 = vector.shape_cast %get3A_7 : vector<1x1000x128xf32> to vector<1000x128xf32>
    %add3A = arith.addf %get3A_3, %get3A_8 : vector<1000x128xf32>
    %get3A_9 = arith.constant 0 : index
    %get3A_10 = arith.constant 0 : index
    %get3A_11 = arith.constant 0 : index
    %get3A_12 = vector.load %arg2[%get3A_9, %get3A_10, %get3A_11] : memref<2x1000x128xf32, #tpu.memory_space<vmem>>, vector<1x1000x128xf32>
    %get3A_13 = vector.shape_cast %get3A_12 : vector<1x1000x128xf32> to vector<1000x128xf32>
    %slice3A = vector.extract_strided_slice %get3A_13 {offsets = [0, 0], sizes = [1000, 1], strides = [1, 1]} : vector<1000x128xf32> to vector<1000x1xf32>
    %get3A_14 = arith.constant 1 : index
    %get3A_15 = arith.constant 0 : index
    %get3A_16 = arith.constant 0 : index
    %get3A_17 = vector.load %arg2[%get3A_14, %get3A_15, %get3A_16] : memref<2x1000x128xf32, #tpu.memory_space<vmem>>, vector<1x1000x128xf32>
    %get3A_18 = vector.shape_cast %get3A_17 : vector<1x1000x128xf32> to vector<1000x128xf32>
    %slice3A_19 = vector.extract_strided_slice %get3A_18 {offsets = [0, 0], sizes = [1000, 1], strides = [1, 1]} : vector<1000x128xf32> to vector<1000x1xf32>
    %add3A_20 = arith.addf %slice3A, %slice3A_19 : vector<1000x1xf32>
    %max3A = arith.constant 1.000000e+00 : f32
    %max3A_21 = vector.broadcast %max3A : f32 to vector<1000x1xf32>
    %max3A_22 = arith.maximumf %add3A_20, %max3A_21 : vector<1000x1xf32>
    %div3A = vector.broadcast %max3A_22 : vector<1000x1xf32> to vector<1000x128xf32>
    %div3A_23 = arith.divf %add3A, %div3A : vector<1000x128xf32>
    %get3A_24 = arith.constant 0 : index
    %get3A_25 = arith.constant 0 : index
    %get3A_26 = vector.load %arg4[%get3A_24, %get3A_25] : memref<128x128xf32, #tpu.memory_space<vmem>>, vector<128x128xf32>
    %dot_general3A = arith.constant dense<0.000000e+00> : vector<1000x128xf32>
    %dot_general3A_27 = tpu.matmul %div3A_23, %get3A_26, %dot_general3A {dimension_numbers = #tpu.dot_dimension_numbers<[1], [0], [0], [1], [0, 0, 1, 1], [], []>, precision = #tpu.contract_precision<fp32>, transpose_lhs_hint = false} : vector<1000x128xf32>, vector<128x128xf32>, vector<1000x128xf32> -> vector<1000x128xf32>
    %get3A_28 = arith.constant 0 : index
    %get3A_29 = arith.constant 0 : index
    %get3A_30 = vector.load %arg3[%get3A_28, %get3A_29] : memref<1000x128xf32, #tpu.memory_space<vmem>>, vector<1000x128xf32>
    %get3A_31 = arith.constant 0 : index
    %get3A_32 = arith.constant 0 : index
    %get3A_33 = vector.load %arg5[%get3A_31, %get3A_32] : memref<128x128xf32, #tpu.memory_space<vmem>>, vector<128x128xf32>
    %dot_general3A_34 = arith.constant dense<0.000000e+00> : vector<1000x128xf32>
    %dot_general3A_35 = tpu.matmul %get3A_30, %get3A_33, %dot_general3A_34 {dimension_numbers = #tpu.dot_dimension_numbers<[1], [0], [0], [1], [0, 0, 1, 1], [], []>, precision = #tpu.contract_precision<fp32>, transpose_lhs_hint = false} : vector<1000x128xf32>, vector<128x128xf32>, vector<1000x128xf32> -> vector<1000x128xf32>
    %add3A_36 = arith.addf %dot_general3A_27, %dot_general3A_35 : vector<1000x128xf32>
    %get3A_37 = arith.constant 0 : index
    %get3A_38 = arith.constant 0 : index
    %get3A_39 = vector.load %arg6[%get3A_37, %get3A_38] : memref<1x128xf32, #tpu.memory_space<vmem>>, vector<1x128xf32>
    %add3A_40 = vector.broadcast %get3A_39 : vector<1x128xf32> to vector<1000x128xf32>
    %add3A_41 = arith.addf %add3A_36, %add3A_40 : vector<1000x128xf32>
    %max3A_42 = arith.constant 0.000000e+00 : f32
    %max3A_43 = vector.broadcast %max3A_42 : f32 to vector<1000x128xf32>
    %max3A_44 = arith.maximumf %add3A_41, %max3A_43 : vector<1000x128xf32>
    %swap3A = arith.constant 0 : index
    %swap3A_45 = arith.constant 0 : index
    %swap3A_46 = vector.load %arg7[%swap3A, %swap3A_45] : memref<1000x128xf32, #tpu.memory_space<vmem>>, vector<1000x128xf32>
    tpu.vector_store %arg7[%swap3A, %swap3A_45], %max3A_44 {strides = array<i32>} : memref<1000x128xf32, #tpu.memory_space<vmem>>, vector<1000x128xf32>,
    return
  }
  func.func @transform_0(%arg0: i32) -> (i32, i32, i32) {
    %c0_i32 = arith.constant 0 : i32
    %c0_i32_0 = arith.constant 0 : i32
    %c0_i32_1 = arith.constant 0 : i32
    return %c0_i32, %arg0, %c0_i32_0 : i32, i32, i32
  }
  func.func @transform_1(%arg0: i32) -> (i32, i32, i32) {
    %c0_i32 = arith.constant 0 : i32
    %c0_i32_0 = arith.constant 0 : i32
    %c0_i32_1 = arith.constant 0 : i32
    return %c0_i32, %arg0, %c0_i32_0 : i32, i32, i32
  }
  func.func @transform_2(%arg0: i32) -> (i32, i32) {
    %c0_i32 = arith.constant 0 : i32
    %c0_i32_0 = arith.constant 0 : i32
    return %arg0, %c0_i32 : i32, i32
  }
  func.func @transform_3(%arg0: i32) -> (i32, i32) {
    %c0_i32 = arith.constant 0 : i32
    %c0_i32_0 = arith.constant 0 : i32
    %c0_i32_1 = arith.constant 0 : i32
    return %c0_i32, %c0_i32_0 : i32, i32
  }
  func.func @transform_4(%arg0: i32) -> (i32, i32) {
    %c0_i32 = arith.constant 0 : i32
    %c0_i32_0 = arith.constant 0 : i32
    %c0_i32_1 = arith.constant 0 : i32
    return %c0_i32, %c0_i32_0 : i32, i32
  }
  func.func @transform_5(%arg0: i32) -> (i32, i32) {
    %c0_i32 = arith.constant 0 : i32
    %c0_i32_0 = arith.constant 0 : i32
    %c0_i32_1 = arith.constant 0 : i32
    return %c0_i32, %c0_i32_0 : i32, i32
  }
  func.func @transform_6(%arg0: i32) -> (i32, i32) {
    %c0_i32 = arith.constant 0 : i32
    %c0_i32_0 = arith.constant 0 : i32
    return %arg0, %c0_i32 : i32, i32
  }
}

</mosaic_0001>

<sc_bundles>
// kernel: kernel.6.cloned.1.call-start
scs
__scs_entry_jumppad:
0x0: {  	(pc) =	sbr.rel $0x88, $3  }
0x1: {  	(tag) =	ssettag $0x0;
	lr =	simm.s32 $0x1  }
0x2: {  	[smem:$0x3F99] =	sst lr;
	_ =	strace $0xD0000000  }
0x3: {  	_ = 	snop  }
0x4: {  	_ = 	snop  }
0x5: {  	_ = 	snop  }
0x6: {  	_ = 	snop  }
0x7: {  	_ = 	snop  }
__scs_overlays_trampoline_lowered:
0x8: {  	[smem:$0x3FA8] =	sst s0  }
0x9: {  	[smem:$0x3FA9] =	sst s1  }
0xa: {  	[smem:$0x3FAA] =	sst s2  }
0xb: {  	[smem:$0x3FAB] =	sst s3  }
0xc: {  	[smem:$0x3FAC] =	sst s4  }
0xd: {  	[smem:$0x3FAD] =	sst s5  }
0xe: {  	[smem:$0x3FAE] =	sst s6  }
0xf: {  	[smem:$0x3FAF] =	sst s7  }
0x10: {  	[smem:$0x3FB0] =	sst s8  }
0x11: {  	[smem:$0x3FB1] =	sst s9;
	s0 =	simm.s32 @!p0 $0x0  }
0x12: {  	s1 =	sld [smem:$0x3F97];
	s0 =	simm.s32 @p0 $0x1  }
0x13: {  	[smem:$0x3FB2] =	sst s0;
	s0 =	simm.s32 @!p1 $0x0  }
0x14: {  	s2 =	sld [smem:$0x3F96];
	s0 =	simm.s32 @p1 $0x1  }
0x15: {  	[smem:$0x3FB3] =	sst s0;
	s0 =	simm.s32 @!p2 $0x0  }
0x16: {  	s3 =	sld [smem:$0x3FDB];
	s0 =	simm.s32 @p2 $0x1  }
0x17: {  	s4 =	simm.s32 $0x1BF5;
	[smem:$0x3FB5] =	sst s0  }
0x18: {  	s0 =	sld [smem:$0x3F98];
	_ =	swait.ge [sflag:s4], $0x0  }
0x19: {  	s7 =	sld [smem:$0x3F99]  }
0x1a: {  	s8 =	sadd.s32 $0xFFFFE003, lr  }
0x1b: {  	s9 =	sadd.s32 $0xFFFFFEF7, lr;
	s5 =	simm.s32 $0xFFFFFFFF;
	p2 =	slt.u32 s8, $0xFFFFF086  }
0x1c: {  	p1 =	slt.u32 s9, $0xF7A;
	s5 =	simm.s32 @!p2 $0x0  }
0x1d: {  	s5 =	simm.s32 @p1 $0x1;
	p0 =	seq.s32 s7, s2  }
0x1e: {  	s7 =	smul.u32 @!p0 $0xF7A, s2;
	p2 =	seq.s32 @!p0 s5, $0x0  }
0x1f: {  	s9 =	smul.u32 $0xF7A, s1;
	s8 =	simm.s32 @!p0 $0x1BF5;
	p2 =	por !p2, p0  }
0x20: {  	[sflag:s8] =	ssyncset.s32 @!p0 $0xFFFFF086;
	s6 =	sadd.s32 @!p0 s3, s7;
	s7 =	simm.s32 @!p0 $0x108  }
0x21: {  	s3 =	sadd.s32 s3, s9;
	s6 =	sadd.s32 @!p0 $0x88, s6;
	s7 =	simm.s32 @p2 $0x1082  }
0x22: {  	[simem:s7], [sflag:s8] =	dma.local @!p0 [hbm:s6], $0xF7A  }
0x23: {  	s9 =	sor.u32 $0xD0000000, s2;
	s6 =	simm.s32 $0x108;
	_ =	swait.ge @!p0 [sflag:s8], $0x0  }
0x24: {  	s3 =	sadd.s32 $0x88, s3;
	s6 =	simm.s32 @!p1 $0x1082;
	[sflag:s4] =	ssyncset.s32 $0xFFFFF086  }
0x25: {  	[simem:s6], [sflag:s4] =	dma.local [hbm:s3], $0xF7A  }
0x26: {  	[smem:$0x3F99] =	sst s1;
	(tag) =	ssettag s2;
	_ =	strace s9  }
0x27: {  	s1 =	sld [smem:$0x3FA9]  }
0x28: {  	s2 =	sld [smem:$0x3FAA]  }
0x29: {  	s4 =	sld [smem:$0x3FAC]  }
0x2a: {  	p0 =	seq.s32 s5, $0x0;
	s5 =	sld [smem:$0x3FAD]  }
0x2b: {  	s6 =	sld [smem:$0x3FAE]  }
0x2c: {  	s7 =	sld [smem:$0x3FAF]  }
0x2d: {  	s3 =	simm.s32 $0x108;
	s8 =	sld [smem:$0x3FB0]  }
0x2e: {  	s3 =	simm.s32 @!p0 $0x1082;
	s9 =	sld [smem:$0x3FB1]  }
0x2f: {  	lr =	sadd.s32 s0, s3;
	s0 =	sld [smem:$0x3FA8]  }
0x30: {  	s3 =	sld [smem:$0x3FAB]  }
0x31: {  	[smem:$0x3FB4] =	sst s10  }
0x32: {  	s10 =	sld [smem:$0x3FB2];
	_ =	sdelay $0x3  }
0x33: {  	p0 =	seq.s32 s10, $0x1;
	s10 =	sld [smem:$0x3FB4];
	_ =	sdelay $0x3  }
0x34: {  	[smem:$0x3FB4] =	sst s10  }
0x35: {  	s10 =	sld [smem:$0x3FB3];
	_ =	sdelay $0x3  }
0x36: {  	p1 =	seq.s32 s10, $0x1;
	s10 =	sld [smem:$0x3FB4];
	_ =	sdelay $0x3  }
0x37: {  	[smem:$0x3FB4] =	sst s10  }
0x38: {  	s10 =	sld [smem:$0x3FB5]  }
0x39: {  	_ = 	snop;
	(pc) =	sbr.ind lr, $3  }
0x3a: {  	_ = 	snop  }
0x3b: {  	_ = 	snop  }
0x3c: {  	p2 =	seq.s32 s10, $0x1;
	s10 =	sld [smem:$0x3FB4]  }
0x3d: {  	_ =	shalt  }
0x3e: {  	_ =	shalt  }
0x3f: {  	_ =	shalt  }
0x40: {  	_ =	shalt  }
0x41: {  	_ =	shalt  }
0x42: {  	_ =	shalt  }
0x43: {  	_ =	shalt  }
0x44: {  	_ =	shalt  }
0x45: {  	_ =	shalt  }
0x46: {  	_ =	shalt  }
0x47: {  	_ =	shalt  }
0x48: {  	_ =	shalt  }
0x49: {  	_ =	shalt  }
0x4a: {  	_ =	shalt  }
0x4b: {  	_ =	shalt  }
0x4c: {  	_ =	shalt  }
0x4d: {  	_ =	shalt  }
0x4e: {  	_ =	shalt  }
0x4f: {  	_ =	shalt  }
0x50: {  	_ =	shalt  }
0x51: {  	_ =	shalt  }
0x52: {  	_ =	shalt  }
0x53: {  	_ =	shalt  }
0x54: {  	_ =	shalt  }
0x55: {  	_ =	shalt  }
0x56: {  	_ =	shalt  }
0x57: {  	_ =	shalt  }
0x58: {  	_ =	shalt  }
0x59: {  	_ =	shalt  }
0x5a: {  	_ =	shalt  }
0x5b: {  	_ =	shalt  }
0x5c: {  	_ =	shalt  }
0x5d: {  	_ =	shalt  }
0x5e: {  	_ =	shalt  }
0x5f: {  	_ =	shalt  }
0x60: {  	_ =	shalt  }
0x61: {  	_ =	shalt  }
0x62: {  	_ =	shalt  }
0x63: {  	_ =	shalt  }
0x64: {  	_ =	shalt  }
0x65: {  	_ =	shalt  }
0x66: {  	_ =	shalt  }
0x67: {  	_ =	shalt  }
0x68: {  	_ =	shalt  }
0x69: {  	_ =	shalt  }
0x6a: {  	_ =	shalt  }
0x6b: {  	_ =	shalt  }
0x6c: {  	_ =	shalt  }
0x6d: {  	_ =	shalt  }
0x6e: {  	_ =	shalt  }
0x6f: {  	_ =	shalt  }
0x70: {  	_ =	shalt  }
0x71: {  	_ =	shalt  }
0x72: {  	_ =	shalt  }
0x73: {  	_ =	shalt  }
0x74: {  	_ =	shalt  }
0x75: {  	_ =	shalt  }
0x76: {  	_ =	shalt  }
0x77: {  	_ =	shalt  }
0x78: {  	_ =	shalt  }
0x79: {  	_ =	shalt  }
0x7a: {  	_ =	shalt  }
0x7b: {  	_ =	shalt  }
0x7c: {  	_ =	shalt  }
0x7d: {  	_ =	shalt  }
0x7e: {  	_ =	shalt  }
0x7f: {  	_ =	shalt  }
0x80: {  	_ =	shalt  }
0x81: {  	_ =	shalt  }
0x82: {  	_ =	shalt  }
0x83: {  	_ =	shalt  }
0x84: {  	_ =	shalt  }
0x85: {  	_ =	shalt  }
0x86: {  	_ =	shalt  }
0x87: {  	_ =	shalt  }
.Lfunc_end0:
.L_simem_size_0:
called_computation_lowered:
.L_overlay_start_0:
0x88: {  	s2 =	sld [smem:$0x3FD9]  }
0x89: {  	s3 =	sld [smem:$0x3FFE];
	_ =	sdelay $0x1  }
0x8a: {  	s1 =	srdreg.scid  }
0x8b: {  	s0 =	sand.u32 $0x1, s1  }
0x8c: {  	s17 =	sshll.u32 s0, $0xA;
	s2 =	sadd.s32 s3, s2  }
0x8d: {  	s2 =	sadd.s32 s2, s17  }
0x8e: {  	[smem:$0x3FC0] =	sst s2  }
0x8f: {  	_ = 	snop  }
0x90: {  	s2 =	sld [smem:$0x3FC9];
	(tm) =	ssettm $0x1  }
0x91: {  	s18 =	sld [smem:$0x3FFB];
	_ =	sdelay $0x3  }
0x92: {  	_ =	strace s18  }
0x93: {  	s3 =	sld [smem:$0x3FFC];
	_ =	sdelay $0x3  }
0x94: {  	_ =	strace s3  }
0x95: {  	s3 =	sld [smem:$0x3FFD];
	_ =	sdelay $0x3  }
0x96: {  	_ =	strace s3  }
0x97: {  	_ =	strace $0x8FFFFFFF  }
0x98: {  	s19 =	sld [smem:$0x3FDB];
	_ =	sdelay $0x1  }
0x99: {  	s4 =	simm.s32 $_scs_section_size  }
0x9a: {  	s5 =	simm.s32 $_size__tile_overlayer_lowered;
	s6 =	simm.s32 $_tile_overlayer_lowered  }
0x9b: {  	s22 =	simm.s32 $0x1BFF;
	s21 =	sshll.u32 s6, $0x1;
	s3 =	sadd.s32 s4, s19  }
0x9c: {  	s7 =	simm.s32 $0x0;
	s20 =	sshll.u32 s5, $0x1;
	s5 =	sadd.s32 s21, s3  }
0x9d: {  	[timem:s7], [sflag:s22] =	dma.local [hbm:s5], s20  }
0x9e: {  	_ =	swait.ge [sflag:s22], s20  }
0x9f: {  	s4 =	ssub.s32 $0x0, s20;
	[sflag:s22] =	ssyncset.done $0x0  }
0xa0: {  	[sflag:s22] =	ssyncadd.s32 s4;
	_ =	sdelay $0x1  }
0xa1: {  	s23 =	simm.s32 $0x1B8B  }
0xa2: {  	_ =	swait.ge [sflag:s23], $0x1  }
0xa3: {  	[sflag:s23] =	ssyncset.done $0x0  }
0xa4: {  	s25 =	simm.s32 $0x1B8E;
	s24 =	sld [smem:$0x3FFE];
	[sflag:s23] =	ssyncadd.s32 $0xFFFFFFFF  }
0xa5: {  	s26 =	simm.s32 $execute0_lowered;
	[smem:$0x3FD2] =	sst s25  }
0xa6: {  	s5 =	sshll.u32 s26, $0x1;
	_ =	strace $0x80000046;
	[dreg:$0x1] =	wrdreg $0xFFFFFFFF  }
0xa7: {  	s28 =	simm.s32 $_size_execute0_lowered;
	s3 =	sadd.s32 s3, s5;
	[dreg:$0x0] =	wrdreg $0x0  }
0xa8: {  	s5 =	sshll.u32 s28, $0x1;
	[dreg:$0x2] =	wrdreg s3  }
0xa9: {  	[dreg:$0x3] =	wrdreg s5  }
0xaa: {  	[dreg:$0x4] =	wrdreg $0xC0  }
0xab: {  	_ =	task [dreg:s7], $0x5FFFF  }
0xac: {  	[dreg:$0x1] =	wrdreg $0xFFFFFFFF  }
0xad: {  	[dreg:$0x0] =	wrdreg $0x60  }
0xae: {  	[dreg:$0x2] =	wrdreg s2  }
0xaf: {  	[dreg:$0x3] =	wrdreg s24  }
0xb0: {  	[dreg:$0x4] =	wrdreg $0x48000  }
0xb1: {  	[dreg:$0x5] =	wrdreg $0x9  }
0xb2: {  	_ =	task.clear_ibuf [dreg:s7], $0x6FFFF;
	_ =	strace $0x90000046  }
0xb3: {  	s29 =	simm.s32 $0x9;
	_ =	strace $0x80000048  }
0xb4: {  	_ =	swait.ge [sflag:s29], $0x1  }
0xb5: {  	[sflag:s29] =	ssyncadd.s32 $0xFFFFFFFF  }
0xb6: {  	_ =	strace $0x90000048  }
0xb7: {  	_ =	sfence  }
0xb8: {  	s30 =	sld [smem:$0x0];
	_ =	sdelay $0x2  }
0xb9: {  	s31 =	sshll.u32 s1, $0xD;
	s1 =	sshrl.u32 s1, $0x2  }
0xba: {  	s3 =	sand.u32 $0x4000, s31;
	s1 =	sadd.s32 s1, s30  }
0xbb: {  	s0 =	sor.u32 s3, s0;
	s1 =	sshll.u32 s1, $0x11  }
0xbc: {  	s0 =	sor.u32 s1, s0  }
0xbd: {  	s0 =	sadd.s32 $0x8F2B, s0  }
0xbe: {  	[sflag:s0] =	ssyncadd.remote.s32 $0x1  }
0xbf: {  	_ =	sfence.sel $0xFFFF  }
0xc0: {  	[dreg:$0x0] =	wrdreg $0xFFFFFFFF;
	(pc) =	sbr.abs _section_cstart, $3  }
0xc1: {  	[dreg:$0x1] =	wrdreg $0xFFFFFFFF  }
0xc2: {  	_ =	task.clear_ibuf [dreg:s7], $0x2FFFF;
	_ =	strace $0x9FFFFFFF  }
0xc3: {  	(tm) =	ssettm $0x7FFFFFFF  }
tec
execute0_lowered:
.L_overlay_start_1:
0x0: {  	(tag) =	ssettag $0x1  }
0x1: {  	s1 =	rddreg [dreg:$0x0]  }
0x2: {  	s0 =	rddreg [dreg:$0x1]  }
0x3: {  	s2 =	rddreg [dreg:$0x2]  }
0x4: {  	s3 =	srdreg.scid;
	s9 =	stileid.u32  }
0x5: {  	s28 =	simm.s32 $0x480;
	s29 =	simm.s32 $0x100;
	s30 =	simm.s32 $0x500  }
0x6: {  	s31 =	simm.s32 $0x180;
	s4 =	sand.u32 $0x1, s3;
	s6 =	smul.u32 $0x278, s9  }
0x7: {  	s3 =	simm.s32 $0x0;
	s7 =	smul.u32 $0x4F000, s9;
	s10 =	sadd.s32 $0x15C00, s0  }
0x8: {  	p0 =	sne.s32 s9, $0x0;
	s9 =	simm.s32 $0x200;
	s5 =	smul.u32 $0x4F00, s4  }
0x9: {  	[smem:$0x7FF] =	sst s3;
	s8 =	ssub.s32 $0x2, s4;
	s4 =	smul.u32 $0x2780, s4  }
0xa: {  	_ =	strace $0x80000047;
	s11 =	sshrl.u32 s8, $0x1;
	s7 =	sshrl.u32 s7, $0x2  }
0xb: {  	s5 =	sadd.s32 s5, s0;
	s18 =	sadd.s32 s6, s4;
	s4 =	sadd.s32 s7, s2  }
0xc: {  	s0 =	sadd.s32 $0x64C00, s0;
	s11 =	ssub.s32 s8, s11;
	s7 =	sadd.s32 $0x4000, s4  }
0xd: {  	s6 =	sadd.s32 $0x8000, s4;
	s12 =	sshll.u32 s18, $0x4;
	s17 =	sadd.s32 $0xC000, s4  }
0xe: {  	s8 =	sadd.s32 $0x10000, s4;
	s26 =	smax.u32 s11, $0x1;
	s11 =	simm.s32 $0x280  }
0xf: {  	s13 =	sadd.s32 $0x800, s12;
	s14 =	sadd.s32 s10, s12;
	[dreg:$0x11] =	wrdreg s26  }
0x10: {  	s20 =	sadd.s32 $0x1000, s12;
	s21 =	sadd.s32 $0x1800, s12;
	[dreg:$0x5] =	wrdreg s6  }
0x11: {  	s16 =	sadd.s32 $0x2000, s12;
	s22 =	sadd.s32 s0, s12;
	[dreg:$0x4] =	wrdreg s7  }
0x12: {  	s26 =	simm.s32 $0x1;
	s12 =	simm.s32 $0x680;
	[dreg:$0x7] =	wrdreg s14  }
0x13: {  	s19 =	sadd.s32 s10, s13;
	s15 =	sadd.s32 s10, s20;
	[dreg:$0xc] =	wrdreg s22  }
0x14: {  	s18 =	sadd.s32 s10, s21;
	s10 =	sadd.s32 s10, s16;
	[dreg:$0x8] =	wrdreg s19  }
0x15: {  	s23 =	sadd.s32 s0, s13;
	s24 =	sadd.s32 s0, s20;
	[dreg:$0x9] =	wrdreg s15  }
0x16: {  	s25 =	sadd.s32 s0, s21;
	s0 =	sadd.s32 s0, s16;
	[dreg:$0xa] =	wrdreg s18  }
0x17: {  	s20 =	sadd.s32 $0x2000, s5;
	s21 =	sadd.s32 $0xBE00, s5;
	[dreg:$0xb] =	wrdreg s10  }
0x18: {  	s5 =	smov.u32 s17;
	s22 =	simm.s32 $0x800;
	[dreg:$0xd] =	wrdreg s23  }
.Ltmp0:
0x19: {  	s13 =	simm.s32 $0x300;
	[dreg:$0xe] =	wrdreg s24;
	(pc) =	sbr.rel .LBB2_1-.Ltmp0, $4  }
0x1a: {  	s14 =	simm.s32 $0x700;
	s16 =	simm.s32 $0x780;
	[dreg:$0xf] =	wrdreg s25  }
0x1b: {  	s17 =	simm.s32 $0x0;
	[dreg:$0x10] =	wrdreg s0;
	s23 =	simm.s32 $0x2  }
0x1c: {  	s24 =	simm.s32 $0x400;
	s25 =	simm.s32 $0x80;
	s0 =	simm.s32 $0x580  }
0x1d: {  	v0 =	vimm.f32 $0.0e+00;
	v1 =	vimm.f32 $1.000000000e+00;
	s10 =	simm.s32 $0x600;
	s15 =	simm.s32 $0x380;
	[dreg:$0x6] =	wrdreg s5  }
.LBB2_14:
0x1e: {  	s5 =	sadd.s32 s18, s20;
	[sflag:s23] =	ssyncadd.s32 $0xFFFFC000  }
0x1f: {  	[tilespmem:s24], [sflag:$0x2] =	stream.linear.gather [hbm4b:s5+s3], $0x400, $0x38;
	[tilespmem:$0x18400] =	vst v63  }
0x20: {  	_ =	swait.ge [sflag:s23], $0x400  }
0x21: {  	[sflag:s23] =	ssyncset.done $0x0  }
0x22: {  	[sflag:s23] =	ssyncadd.s32 $0xFFFFFC00  }
0x23: {  	[spmem:s2] =	stream.indirect.scatter.add.f32 [tilespmem:s22], [sflag:$0x2], $0x80, s24, s25, $0xb8;
	[tilespmem:$0x18400] =	vst v63  }
0x24: {  	_ =	swait.ge [sflag:s23], $0x4000  }
0x25: {  	[sflag:s23] =	ssyncset.done $0x0  }
0x26: {  	[sflag:s23] =	ssyncadd.s32 $0xFFFFC000  }
0x27: {  	[spmem:s2] =	stream.indirect.scatter.add.f32 [tilespmem:s22], [sflag:$0x2], $0x80, s28, s25, $0xb8;
	[tilespmem:$0x18400] =	vst v63  }
0x28: {  	_ =	swait.ge [sflag:s23], $0x4000  }
0x29: {  	[sflag:s23] =	ssyncset.done $0x0  }
0x2a: {  	[sflag:s23] =	ssyncadd.s32 $0xFFFFC000  }
0x2b: {  	[spmem:s2] =	stream.indirect.scatter.add.f32 [tilespmem:s22], [sflag:$0x2], $0x80, s30, s25, $0xb8;
	[tilespmem:$0x18400] =	vst v63  }
0x2c: {  	_ =	swait.ge [sflag:s23], $0x4000  }
0x2d: {  	[sflag:s23] =	ssyncset.done $0x0  }
0x2e: {  	[sflag:s23] =	ssyncadd.s32 $0xFFFFC000  }
0x2f: {  	[spmem:s2] =	stream.indirect.scatter.add.f32 [tilespmem:s22], [sflag:$0x2], $0x80, s0, s25, $0xb8;
	[tilespmem:$0x18400] =	vst v63  }
0x30: {  	_ =	swait.ge [sflag:s23], $0x4000  }
0x31: {  	[sflag:s23] =	ssyncset.done $0x0  }
0x32: {  	[sflag:s23] =	ssyncadd.s32 $0xFFFFC000  }
0x33: {  	[spmem:s2] =	stream.indirect.scatter.add.f32 [tilespmem:s22], [sflag:$0x2], $0x80, s10, s25, $0xb8;
	[tilespmem:$0x18400] =	vst v63  }
0x34: {  	_ =	swait.ge [sflag:s23], $0x4000  }
0x35: {  	[sflag:s23] =	ssyncset.done $0x0  }
0x36: {  	[sflag:s23] =	ssyncadd.s32 $0xFFFFC000  }
0x37: {  	[spmem:s2] =	stream.indirect.scatter.add.f32 [tilespmem:s22], [sflag:$0x2], $0x80, s12, s25, $0xb8;
	[tilespmem:$0x18400] =	vst v63  }
0x38: {  	_ =	swait.ge [sflag:s23], $0x4000  }
0x39: {  	[sflag:s23] =	ssyncset.done $0x0  }
0x3a: {  	[sflag:s23] =	ssyncadd.s32 $0xFFFFC000  }
0x3b: {  	[spmem:s2] =	stream.indirect.scatter.add.f32 [tilespmem:s22], [sflag:$0x2], $0x80, s14, s25, $0xb8;
	[tilespmem:$0x18400] =	vst v63  }
0x3c: {  	_ =	swait.ge [sflag:s23], $0x4000  }
0x3d: {  	[sflag:s23] =	ssyncset.done $0x0  }
0x3e: {  	[sflag:s23] =	ssyncadd.s32 $0xFFFFC000  }
0x3f: {  	[spmem:s2] =	stream.indirect.scatter.add.f32 [tilespmem:s22], [sflag:$0x2], $0x80, s16, s25, $0xb8;
	[tilespmem:$0x18400] =	vst v63  }
0x40: {  	_ =	swait.ge [sflag:s23], $0x4000  }
0x41: {  	[sflag:s23] =	ssyncset.done $0x0;
	s6 =	rddreg [dreg:$0x5]  }
0x42: {  	s5 =	rddreg [dreg:$0x6];
	[sflag:s23] =	ssyncadd.s32 $0xFFFFC000  }
.LBB2_15:
0x43: {  	[bflag:$0x0] =	sbarrier.arrive $0xFFFF  }
0x44: {  	[tilespmem:s22], [sflag:$0x2] =	stream.linear.gather [spmem:s4], $0x4000, $0x38;
	[tilespmem:$0x18400] =	vst v63  }
0x45: {  	_ =	swait.ge [sflag:s23], $0x4000  }
0x46: {  	[sflag:s23] =	ssyncset.done $0x0  }
0x47: {  	s18 =	rddreg [dreg:$0xc];
	[sflag:s23] =	ssyncadd.s32 $0xFFFFC000  }
0x48: {  	[hbm4b:s18+s3] =	stream.linear.scatter [tilespmem:s22], [sflag:$0x2], $0x4000, $0x38;
	[tilespmem:$0x18400] =	vst v63  }
0x49: {  	_ =	swait.ge [sflag:s23], $0x4000  }
0x4a: {  	[sflag:s23] =	ssyncset.done $0x0  }
0x4b: {  	[sflag:s23] =	ssyncadd.s32 $0xFFFFC000  }
0x4c: {  	[tilespmem:s22], [sflag:$0x2] =	stream.linear.gather [spmem:s7], $0x4000, $0x38;
	[tilespmem:$0x18400] =	vst v63  }
0x4d: {  	_ =	swait.ge [sflag:s23], $0x4000  }
0x4e: {  	[sflag:s23] =	ssyncset.done $0x0  }
0x4f: {  	s19 =	rddreg [dreg:$0xd];
	[sflag:s23] =	ssyncadd.s32 $0xFFFFC000  }
0x50: {  	[hbm4b:s19+s3] =	stream.linear.scatter [tilespmem:s22], [sflag:$0x2], $0x4000, $0x38;
	[tilespmem:$0x18400] =	vst v63  }
0x51: {  	_ =	swait.ge [sflag:s23], $0x4000  }
0x52: {  	[sflag:s23] =	ssyncset.done $0x0  }
0x53: {  	[sflag:s23] =	ssyncadd.s32 $0xFFFFC000  }
0x54: {  	[tilespmem:s22], [sflag:$0x2] =	stream.linear.gather [spmem:s6], $0x4000, $0x38;
	[tilespmem:$0x18400] =	vst v63  }
0x55: {  	_ =	swait.ge [sflag:s23], $0x4000  }
0x56: {  	[sflag:s23] =	ssyncset.done $0x0  }
0x57: {  	s19 =	rddreg [dreg:$0xe];
	[sflag:s23] =	ssyncadd.s32 $0xFFFFC000  }
0x58: {  	[hbm4b:s19+s3] =	stream.linear.scatter [tilespmem:s22], [sflag:$0x2], $0x4000, $0x38;
	[tilespmem:$0x18400] =	vst v63  }
0x59: {  	_ =	swait.ge [sflag:s23], $0x4000  }
0x5a: {  	[sflag:s23] =	ssyncset.done $0x0  }
0x5b: {  	[sflag:s23] =	ssyncadd.s32 $0xFFFFC000  }
0x5c: {  	[tilespmem:s22], [sflag:$0x2] =	stream.linear.gather [spmem:s5], $0x4000, $0x38;
	[tilespmem:$0x18400] =	vst v63  }
0x5d: {  	_ =	swait.ge [sflag:s23], $0x4000  }
0x5e: {  	[sflag:s23] =	ssyncset.done $0x0  }
0x5f: {  	s19 =	rddreg [dreg:$0xf];
	[sflag:s23] =	ssyncadd.s32 $0xFFFFC000  }
0x60: {  	[hbm4b:s19+s3] =	stream.linear.scatter [tilespmem:s22], [sflag:$0x2], $0x4000, $0x38;
	[tilespmem:$0x18400] =	vst v63  }
0x61: {  	_ =	swait.ge [sflag:s23], $0x4000  }
0x62: {  	[sflag:s23] =	ssyncset.done $0x0  }
0x63: {  	[sflag:s23] =	ssyncadd.s32 $0xFFFFC000  }
0x64: {  	[tilespmem:s22], [sflag:$0x2] =	stream.linear.gather [spmem:s8], $0x3C00, $0x38;
	[tilespmem:$0x18400] =	vst v63  }
0x65: {  	_ =	swait.ge [sflag:s23], $0x3C00  }
0x66: {  	[sflag:s23] =	ssyncset.done $0x0  }
0x67: {  	s19 =	rddreg [dreg:$0x10];
	[sflag:s23] =	ssyncadd.s32 $0xFFFFC400  }
0x68: {  	[hbm4b:s19+s3] =	stream.linear.scatter [tilespmem:s22], [sflag:$0x2], $0x3C00, $0x38;
	[tilespmem:$0x18400] =	vst v63  }
0x69: {  	_ =	swait.ge [sflag:s23], $0x3C00  }
0x6a: {  	s17 =	sadd.s32 $0x1, s17;
	s19 =	rddreg [dreg:$0x11]  }
0x6b: {  	p1 =	sne.s32 s17, s19  }
.Ltmp1:
0x6c: {  	_ = 	snop;
	(pc) =	sbr.rel @!p1 .LBB2_16-.Ltmp1, $3  }
0x6d: {  	_ =	sdelay $0x1  }
0x6e: {  	[sflag:s23] =	ssyncset.done $0x0  }
0x6f: {  	[sflag:s23] =	ssyncadd.s32 $0xFFFFC400  }
.LBB2_1:
0x70: {  	s18 =	simm.s32 $0x0;
	s19 =	simm.s32 $0x200  }
.LBB2_2:
0x71: {  	p1 =	sne.s32 s19, $0xFE00;
	[tilespmem:s18+$0x870] =	vst v0  }
0x72: {  	[tilespmem:s18+$0x800] =	vst v0  }
0x73: {  	[tilespmem:s18+$0x810] =	vst v0  }
.Ltmp2:
0x74: {  	[tilespmem:s18+$0x820] =	vst v0;
	(pc) =	sbr.rel @p1 .LBB2_2-.Ltmp2, $4  }
0x75: {  	[tilespmem:s18+$0x830] =	vst v0  }
0x76: {  	[tilespmem:s18+$0x840] =	vst v0  }
0x77: {  	[tilespmem:s18+$0x850] =	vst v0  }
0x78: {  	[tilespmem:s18+$0x860] =	vst v0;
	s18 =	sshra.s32 s19, $0x2;
	s19 =	sadd.s32 $0x200, s19  }
0x79: {  	[tilespmem:s18+$0x870] =	vst v0  }
0x7a: {  	[tilespmem:s18+$0x800] =	vst v0  }
0x7b: {  	[tilespmem:s18+$0x810] =	vst v0  }
0x7c: {  	[tilespmem:s18+$0x820] =	vst v0  }
0x7d: {  	[tilespmem:s18+$0x830] =	vst v0  }
0x7e: {  	[tilespmem:s18+$0x840] =	vst v0  }
0x7f: {  	[tilespmem:s18+$0x850] =	vst v0  }
0x80: {  	[tilespmem:s18+$0x860] =	vst v0  }
0x81: {  	[spmem:s4] =	stream.linear.scatter [tilespmem:s22], [sflag:$0x2], $0x4000, $0x38;
	[tilespmem:$0x18400] =	vst v63  }
0x82: {  	_ =	swait.ge [sflag:s23], $0x4000  }
0x83: {  	[sflag:s23] =	ssyncset.done $0x0  }
0x84: {  	[sflag:s23] =	ssyncadd.s32 $0xFFFFC000  }
0x85: {  	[spmem:s7] =	stream.linear.scatter [tilespmem:s22], [sflag:$0x2], $0x4000, $0x38;
	[tilespmem:$0x18400] =	vst v63  }
0x86: {  	_ =	swait.ge [sflag:s23], $0x4000  }
0x87: {  	[sflag:s23] =	ssyncset.done $0x0  }
0x88: {  	[sflag:s23] =	ssyncadd.s32 $0xFFFFC000  }
0x89: {  	[spmem:s6] =	stream.linear.scatter [tilespmem:s22], [sflag:$0x2], $0x4000, $0x38;
	[tilespmem:$0x18400] =	vst v63  }
0x8a: {  	_ =	swait.ge [sflag:s23], $0x4000  }
0x8b: {  	[sflag:s23] =	ssyncset.done $0x0  }
0x8c: {  	[sflag:s23] =	ssyncadd.s32 $0xFFFFC000  }
0x8d: {  	[spmem:s5] =	stream.linear.scatter [tilespmem:s22], [sflag:$0x2], $0x4000, $0x38;
	[tilespmem:$0x18400] =	vst v63  }
0x8e: {  	_ =	swait.ge [sflag:s23], $0x4000  }
0x8f: {  	[sflag:s23] =	ssyncset.done $0x0  }
0x90: {  	[sflag:s23] =	ssyncadd.s32 $0xFFFFC000  }
0x91: {  	[spmem:s8] =	stream.linear.scatter [tilespmem:s22], [sflag:$0x2], $0x3C00, $0x38;
	[tilespmem:$0x18400] =	vst v63  }
.Ltmp3:
0x92: {  	_ =	swait.ge [sflag:s23], $0x3C00;
	(pc) =	sbr.rel @p0 .LBB2_7-.Ltmp3, $4  }
0x93: {  	[sflag:s23] =	ssyncset.done $0x0  }
0x94: {  	[sflag:s23] =	ssyncadd.s32 $0xFFFFC400  }
0x95: {  	[bflag:$0x0] =	sbarrier.arrive $0xFFFF  }
0x96: {  	s18 =	smov.u32 s5  }
0x97: {  	s5 =	sadd.s32 $0x0, s21  }
0x98: {  	[tilespmem:s3], [sflag:$0x2] =	stream.linear.gather [hbm4b:s5+s3], $0x400, $0x38;
	[tilespmem:$0x18400] =	vst v63  }
0x99: {  	_ =	swait.ge [sflag:s23], $0x400  }
0x9a: {  	[sflag:s23] =	ssyncset.done $0x0  }
0x9b: {  	s19 =	sadd.s32 $0x0, s20;
	[sflag:s23] =	ssyncadd.s32 $0xFFFFFC00  }
0x9c: {  	[tilespmem:s24], [sflag:$0x2] =	stream.linear.gather [hbm4b:s19+s3], $0x400, $0x38;
	[tilespmem:$0x18400] =	vst v63  }
0x9d: {  	_ =	swait.ge [sflag:s23], $0x400  }
0x9e: {  	[sflag:s23] =	ssyncset.done $0x0  }
0x9f: {  	[sflag:s23] =	ssyncadd.s32 $0xFFFFFC00  }
0xa0: {  	[tilespmem:s22], [sflag:$0x1] =	stream.indirect.gather [hbm4b:s1+s25], $0x80, s3, s25, $0xb8;
	[tilespmem:$0x18400] =	vst v63  }
0xa1: {  	_ =	swait.ge [sflag:s26], $0x4000  }
0xa2: {  	[sflag:s26] =	ssyncset.done $0x0  }
0xa3: {  	[sflag:s26] =	ssyncadd.s32 $0xFFFFC000  }
0xa4: {  	[spmem:s2] =	stream.indirect.scatter.add.f32 [tilespmem:s22], [sflag:$0x2], $0x80, s24, s25, $0xb8;
	[tilespmem:$0x18400] =	vst v63  }
0xa5: {  	_ =	swait.ge [sflag:s23], $0x4000  }
0xa6: {  	[sflag:s23] =	ssyncset.done $0x0  }
0xa7: {  	[sflag:s23] =	ssyncadd.s32 $0xFFFFC000  }
0xa8: {  	[tilespmem:s22], [sflag:$0x1] =	stream.indirect.gather [hbm4b:s1+s25], $0x80, s25, s25, $0xb8;
	[tilespmem:$0x18400] =	vst v63  }
0xa9: {  	_ =	swait.ge [sflag:s26], $0x4000  }
0xaa: {  	[sflag:s26] =	ssyncset.done $0x0  }
0xab: {  	[sflag:s26] =	ssyncadd.s32 $0xFFFFC000  }
0xac: {  	[spmem:s2] =	stream.indirect.scatter.add.f32 [tilespmem:s22], [sflag:$0x2], $0x80, s28, s25, $0xb8;
	[tilespmem:$0x18400] =	vst v63  }
0xad: {  	_ =	swait.ge [sflag:s23], $0x4000  }
0xae: {  	[sflag:s23] =	ssyncset.done $0x0  }
0xaf: {  	[sflag:s23] =	ssyncadd.s32 $0xFFFFC000  }
0xb0: {  	[tilespmem:s22], [sflag:$0x1] =	stream.indirect.gather [hbm4b:s1+s25], $0x80, s29, s25, $0xb8;
	[tilespmem:$0x18400] =	vst v63  }
0xb1: {  	_ =	swait.ge [sflag:s26], $0x4000  }
0xb2: {  	[sflag:s26] =	ssyncset.done $0x0  }
0xb3: {  	[sflag:s26] =	ssyncadd.s32 $0xFFFFC000  }
0xb4: {  	[spmem:s2] =	stream.indirect.scatter.add.f32 [tilespmem:s22], [sflag:$0x2], $0x80, s30, s25, $0xb8;
	[tilespmem:$0x18400] =	vst v63  }
0xb5: {  	_ =	swait.ge [sflag:s23], $0x4000  }
0xb6: {  	[sflag:s23] =	ssyncset.done $0x0  }
0xb7: {  	[sflag:s23] =	ssyncadd.s32 $0xFFFFC000  }
0xb8: {  	[tilespmem:s22], [sflag:$0x1] =	stream.indirect.gather [hbm4b:s1+s25], $0x80, s31, s25, $0xb8;
	[tilespmem:$0x18400] =	vst v63  }
0xb9: {  	_ =	swait.ge [sflag:s26], $0x4000  }
0xba: {  	[sflag:s26] =	ssyncset.done $0x0  }
0xbb: {  	[sflag:s26] =	ssyncadd.s32 $0xFFFFC000  }
0xbc: {  	[spmem:s2] =	stream.indirect.scatter.add.f32 [tilespmem:s22], [sflag:$0x2], $0x80, s0, s25, $0xb8;
	[tilespmem:$0x18400] =	vst v63  }
0xbd: {  	_ =	swait.ge [sflag:s23], $0x4000  }
0xbe: {  	[sflag:s23] =	ssyncset.done $0x0  }
0xbf: {  	[sflag:s23] =	ssyncadd.s32 $0xFFFFC000  }
0xc0: {  	[tilespmem:s22], [sflag:$0x1] =	stream.indirect.gather [hbm4b:s1+s25], $0x80, s9, s25, $0xb8;
	[tilespmem:$0x18400] =	vst v63  }
0xc1: {  	_ =	swait.ge [sflag:s26], $0x4000  }
0xc2: {  	[sflag:s26] =	ssyncset.done $0x0  }
0xc3: {  	[sflag:s26] =	ssyncadd.s32 $0xFFFFC000  }
0xc4: {  	[spmem:s2] =	stream.indirect.scatter.add.f32 [tilespmem:s22], [sflag:$0x2], $0x80, s10, s25, $0xb8;
	[tilespmem:$0x18400] =	vst v63  }
0xc5: {  	_ =	swait.ge [sflag:s23], $0x4000  }
0xc6: {  	[sflag:s23] =	ssyncset.done $0x0  }
0xc7: {  	[sflag:s23] =	ssyncadd.s32 $0xFFFFC000  }
0xc8: {  	[tilespmem:s22], [sflag:$0x1] =	stream.indirect.gather [hbm4b:s1+s25], $0x80, s11, s25, $0xb8;
	[tilespmem:$0x18400] =	vst v63  }
0xc9: {  	_ =	swait.ge [sflag:s26], $0x4000  }
0xca: {  	[sflag:s26] =	ssyncset.done $0x0  }
0xcb: {  	[sflag:s26] =	ssyncadd.s32 $0xFFFFC000  }
0xcc: {  	[spmem:s2] =	stream.indirect.scatter.add.f32 [tilespmem:s22], [sflag:$0x2], $0x80, s12, s25, $0xb8;
	[tilespmem:$0x18400] =	vst v63  }
0xcd: {  	_ =	swait.ge [sflag:s23], $0x4000  }
0xce: {  	[sflag:s23] =	ssyncset.done $0x0  }
0xcf: {  	[sflag:s23] =	ssyncadd.s32 $0xFFFFC000  }
0xd0: {  	[tilespmem:s22], [sflag:$0x1] =	stream.indirect.gather [hbm4b:s1+s25], $0x80, s13, s25, $0xb8;
	[tilespmem:$0x18400] =	vst v63  }
0xd1: {  	_ =	swait.ge [sflag:s26], $0x4000  }
0xd2: {  	[sflag:s26] =	ssyncset.done $0x0  }
0xd3: {  	[sflag:s26] =	ssyncadd.s32 $0xFFFFC000  }
0xd4: {  	[spmem:s2] =	stream.indirect.scatter.add.f32 [tilespmem:s22], [sflag:$0x2], $0x80, s14, s25, $0xb8;
	[tilespmem:$0x18400] =	vst v63  }
0xd5: {  	_ =	swait.ge [sflag:s23], $0x4000  }
0xd6: {  	[sflag:s23] =	ssyncset.done $0x0  }
0xd7: {  	[sflag:s23] =	ssyncadd.s32 $0xFFFFC000  }
0xd8: {  	[tilespmem:s22], [sflag:$0x1] =	stream.indirect.gather [hbm4b:s1+s25], $0x80, s15, s25, $0xb8;
	[tilespmem:$0x18400] =	vst v63  }
0xd9: {  	_ =	swait.ge [sflag:s26], $0x4000  }
0xda: {  	[sflag:s26] =	ssyncset.done $0x0  }
0xdb: {  	[sflag:s26] =	ssyncadd.s32 $0xFFFFC000  }
0xdc: {  	[spmem:s2] =	stream.indirect.scatter.add.f32 [tilespmem:s22], [sflag:$0x2], $0x80, s16, s25, $0xb8;
	[tilespmem:$0x18400] =	vst v63  }
0xdd: {  	_ =	swait.ge [sflag:s23], $0x4000  }
0xde: {  	s18 =	simm.s32 $0x80;
	s19 =	simm.s32 $0x100;
	[sflag:s23] =	ssyncset.done $0x0  }
.LBB2_5:
0xdf: {  	s6 =	sadd.s32 s18, s21  }
0xe0: {  	[sflag:s23] =	ssyncadd.s32 $0xFFFFC000;
	s7 =	smov.u32 s19;
	s5 =	sadd.s32 $0x80, s19  }
0xe1: {  	[tilespmem:s3], [sflag:$0x2] =	stream.linear.gather [hbm4b:s6+s3], $0x400, $0x38;
	[tilespmem:$0x18400] =	vst v63  }
0xe2: {  	p1 =	sne.s32 s19, $0x4E80;
	_ =	swait.ge [sflag:s23], $0x400  }
0xe3: {  	[sflag:s23] =	ssyncset.done $0x0  }
0xe4: {  	s6 =	sadd.s32 s18, s20;
	s18 =	smov.u32 s7;
	[sflag:s23] =	ssyncadd.s32 $0xFFFFFC00  }
0xe5: {  	[tilespmem:s24], [sflag:$0x2] =	stream.linear.gather [hbm4b:s6+s3], $0x400, $0x38;
	[tilespmem:$0x18400] =	vst v63  }
0xe6: {  	_ =	swait.ge [sflag:s23], $0x400  }
0xe7: {  	[sflag:s23] =	ssyncset.done $0x0  }
0xe8: {  	[sflag:s23] =	ssyncadd.s32 $0xFFFFFC00  }
0xe9: {  	[tilespmem:s22], [sflag:$0x1] =	stream.indirect.gather [hbm4b:s1+s25], $0x80, s3, s25, $0xb8;
	[tilespmem:$0x18400] =	vst v63  }
0xea: {  	_ =	swait.ge [sflag:s26], $0x4000  }
0xeb: {  	[sflag:s26] =	ssyncset.done $0x0  }
0xec: {  	[sflag:s26] =	ssyncadd.s32 $0xFFFFC000  }
0xed: {  	[spmem:s2] =	stream.indirect.scatter.add.f32 [tilespmem:s22], [sflag:$0x2], $0x80, s24, s25, $0xb8;
	[tilespmem:$0x18400] =	vst v63  }
0xee: {  	_ =	swait.ge [sflag:s23], $0x4000  }
0xef: {  	[sflag:s23] =	ssyncset.done $0x0  }
0xf0: {  	[sflag:s23] =	ssyncadd.s32 $0xFFFFC000  }
0xf1: {  	[tilespmem:s22], [sflag:$0x1] =	stream.indirect.gather [hbm4b:s1+s25], $0x80, s25, s25, $0xb8;
	[tilespmem:$0x18400] =	vst v63  }
0xf2: {  	_ =	swait.ge [sflag:s26], $0x4000  }
0xf3: {  	[sflag:s26] =	ssyncset.done $0x0  }
0xf4: {  	[sflag:s26] =	ssyncadd.s32 $0xFFFFC000  }
0xf5: {  	[spmem:s2] =	stream.indirect.scatter.add.f32 [tilespmem:s22], [sflag:$0x2], $0x80, s28, s25, $0xb8;
	[tilespmem:$0x18400] =	vst v63  }
0xf6: {  	_ =	swait.ge [sflag:s23], $0x4000  }
0xf7: {  	[sflag:s23] =	ssyncset.done $0x0  }
0xf8: {  	[sflag:s23] =	ssyncadd.s32 $0xFFFFC000  }
0xf9: {  	[tilespmem:s22], [sflag:$0x1] =	stream.indirect.gather [hbm4b:s1+s25], $0x80, s29, s25, $0xb8;
	[tilespmem:$0x18400] =	vst v63  }
0xfa: {  	_ =	swait.ge [sflag:s26], $0x4000  }
0xfb: {  	[sflag:s26] =	ssyncset.done $0x0  }
0xfc: {  	[sflag:s26] =	ssyncadd.s32 $0xFFFFC000  }
0xfd: {  	[spmem:s2] =	stream.indirect.scatter.add.f32 [tilespmem:s22], [sflag:$0x2], $0x80, s30, s25, $0xb8;
	[tilespmem:$0x18400] =	vst v63  }
0xfe: {  	_ =	swait.ge [sflag:s23], $0x4000  }
0xff: {  	[sflag:s23] =	ssyncset.done $0x0  }
0x100: {  	[sflag:s23] =	ssyncadd.s32 $0xFFFFC000  }
0x101: {  	[tilespmem:s22], [sflag:$0x1] =	stream.indirect.gather [hbm4b:s1+s25], $0x80, s31, s25, $0xb8;
	[tilespmem:$0x18400] =	vst v63  }
0x102: {  	_ =	swait.ge [sflag:s26], $0x4000  }
0x103: {  	[sflag:s26] =	ssyncset.done $0x0  }
0x104: {  	[sflag:s26] =	ssyncadd.s32 $0xFFFFC000  }
0x105: {  	[spmem:s2] =	stream.indirect.scatter.add.f32 [tilespmem:s22], [sflag:$0x2], $0x80, s0, s25, $0xb8;
	[tilespmem:$0x18400] =	vst v63  }
0x106: {  	_ =	swait.ge [sflag:s23], $0x4000  }
0x107: {  	[sflag:s23] =	ssyncset.done $0x0  }
0x108: {  	[sflag:s23] =	ssyncadd.s32 $0xFFFFC000  }
0x109: {  	[tilespmem:s22], [sflag:$0x1] =	stream.indirect.gather [hbm4b:s1+s25], $0x80, s9, s25, $0xb8;
	[tilespmem:$0x18400] =	vst v63  }
0x10a: {  	_ =	swait.ge [sflag:s26], $0x4000  }
0x10b: {  	[sflag:s26] =	ssyncset.done $0x0  }
0x10c: {  	[sflag:s26] =	ssyncadd.s32 $0xFFFFC000  }
0x10d: {  	[spmem:s2] =	stream.indirect.scatter.add.f32 [tilespmem:s22], [sflag:$0x2], $0x80, s10, s25, $0xb8;
	[tilespmem:$0x18400] =	vst v63  }
0x10e: {  	_ =	swait.ge [sflag:s23], $0x4000  }
0x10f: {  	[sflag:s23] =	ssyncset.done $0x0  }
0x110: {  	[sflag:s23] =	ssyncadd.s32 $0xFFFFC000  }
0x111: {  	[tilespmem:s22], [sflag:$0x1] =	stream.indirect.gather [hbm4b:s1+s25], $0x80, s11, s25, $0xb8;
	[tilespmem:$0x18400] =	vst v63  }
0x112: {  	_ =	swait.ge [sflag:s26], $0x4000  }
0x113: {  	[sflag:s26] =	ssyncset.done $0x0  }
0x114: {  	[sflag:s26] =	ssyncadd.s32 $0xFFFFC000  }
0x115: {  	[spmem:s2] =	stream.indirect.scatter.add.f32 [tilespmem:s22], [sflag:$0x2], $0x80, s12, s25, $0xb8;
	[tilespmem:$0x18400] =	vst v63  }
0x116: {  	_ =	swait.ge [sflag:s23], $0x4000  }
0x117: {  	[sflag:s23] =	ssyncset.done $0x0  }
0x118: {  	[sflag:s23] =	ssyncadd.s32 $0xFFFFC000  }
0x119: {  	[tilespmem:s22], [sflag:$0x1] =	stream.indirect.gather [hbm4b:s1+s25], $0x80, s13, s25, $0xb8;
	[tilespmem:$0x18400] =	vst v63  }
0x11a: {  	_ =	swait.ge [sflag:s26], $0x4000  }
0x11b: {  	[sflag:s26] =	ssyncset.done $0x0  }
0x11c: {  	[sflag:s26] =	ssyncadd.s32 $0xFFFFC000  }
0x11d: {  	[spmem:s2] =	stream.indirect.scatter.add.f32 [tilespmem:s22], [sflag:$0x2], $0x80, s14, s25, $0xb8;
	[tilespmem:$0x18400] =	vst v63  }
0x11e: {  	_ =	swait.ge [sflag:s23], $0x4000  }
0x11f: {  	[sflag:s23] =	ssyncset.done $0x0  }
0x120: {  	[sflag:s23] =	ssyncadd.s32 $0xFFFFC000  }
0x121: {  	[tilespmem:s22], [sflag:$0x1] =	stream.indirect.gather [hbm4b:s1+s25], $0x80, s15, s25, $0xb8;
	[tilespmem:$0x18400] =	vst v63  }
0x122: {  	_ =	swait.ge [sflag:s26], $0x4000  }
.Ltmp4:
0x123: {  	[sflag:s26] =	ssyncset.done $0x0;
	(pc) =	sbr.rel @p1 .LBB2_5-.Ltmp4, $4  }
0x124: {  	[sflag:s26] =	ssyncadd.s32 $0xFFFFC000  }
0x125: {  	[spmem:s2] =	stream.indirect.scatter.add.f32 [tilespmem:s22], [sflag:$0x2], $0x80, s16, s25, $0xb8;
	[tilespmem:$0x18400] =	vst v63  }
0x126: {  	_ =	swait.ge [sflag:s23], $0x4000  }
0x127: {  	s19 =	smov.u32 s5;
	[sflag:s23] =	ssyncset.done $0x0  }
0x128: {  	s5 =	sadd.s32 s18, s21;
	[sflag:s23] =	ssyncadd.s32 $0xFFFFC000  }
0x129: {  	[tilespmem:s3], [sflag:$0x2] =	stream.linear.gather [hbm4b:s5+s3], $0x400, $0x38;
	[tilespmem:$0x18400] =	vst v63  }
0x12a: {  	_ =	swait.ge [sflag:s23], $0x400  }
0x12b: {  	[sflag:s23] =	ssyncset.done $0x0  }
0x12c: {  	s19 =	sadd.s32 s18, s20;
	[sflag:s23] =	ssyncadd.s32 $0xFFFFFC00  }
0x12d: {  	[tilespmem:s24], [sflag:$0x2] =	stream.linear.gather [hbm4b:s19+s3], $0x400, $0x38;
	[tilespmem:$0x18400] =	vst v63  }
0x12e: {  	_ =	swait.ge [sflag:s23], $0x400  }
0x12f: {  	[sflag:s23] =	ssyncset.done $0x0  }
0x130: {  	[sflag:s23] =	ssyncadd.s32 $0xFFFFFC00  }
0x131: {  	[tilespmem:s22], [sflag:$0x1] =	stream.indirect.gather [hbm4b:s1+s25], $0x80, s3, s25, $0xb8;
	[tilespmem:$0x18400] =	vst v63  }
0x132: {  	_ =	swait.ge [sflag:s26], $0x4000  }
0x133: {  	[sflag:s26] =	ssyncset.done $0x0  }
0x134: {  	[sflag:s26] =	ssyncadd.s32 $0xFFFFC000  }
0x135: {  	[spmem:s2] =	stream.indirect.scatter.add.f32 [tilespmem:s22], [sflag:$0x2], $0x80, s24, s25, $0xb8;
	[tilespmem:$0x18400] =	vst v63  }
0x136: {  	_ =	swait.ge [sflag:s23], $0x4000  }
0x137: {  	[sflag:s23] =	ssyncset.done $0x0  }
0x138: {  	[sflag:s23] =	ssyncadd.s32 $0xFFFFC000  }
0x139: {  	[tilespmem:s22], [sflag:$0x1] =	stream.indirect.gather [hbm4b:s1+s25], $0x80, s25, s25, $0xb8;
	[tilespmem:$0x18400] =	vst v63  }
0x13a: {  	_ =	swait.ge [sflag:s26], $0x4000  }
0x13b: {  	[sflag:s26] =	ssyncset.done $0x0  }
0x13c: {  	[sflag:s26] =	ssyncadd.s32 $0xFFFFC000  }
0x13d: {  	[spmem:s2] =	stream.indirect.scatter.add.f32 [tilespmem:s22], [sflag:$0x2], $0x80, s28, s25, $0xb8;
	[tilespmem:$0x18400] =	vst v63  }
0x13e: {  	_ =	swait.ge [sflag:s23], $0x4000  }
0x13f: {  	[sflag:s23] =	ssyncset.done $0x0  }
0x140: {  	[sflag:s23] =	ssyncadd.s32 $0xFFFFC000  }
0x141: {  	[tilespmem:s22], [sflag:$0x1] =	stream.indirect.gather [hbm4b:s1+s25], $0x80, s29, s25, $0xb8;
	[tilespmem:$0x18400] =	vst v63  }
0x142: {  	_ =	swait.ge [sflag:s26], $0x4000  }
0x143: {  	[sflag:s26] =	ssyncset.done $0x0  }
0x144: {  	[sflag:s26] =	ssyncadd.s32 $0xFFFFC000  }
0x145: {  	[spmem:s2] =	stream.indirect.scatter.add.f32 [tilespmem:s22], [sflag:$0x2], $0x80, s30, s25, $0xb8;
	[tilespmem:$0x18400] =	vst v63  }
0x146: {  	_ =	swait.ge [sflag:s23], $0x4000  }
0x147: {  	[sflag:s23] =	ssyncset.done $0x0  }
0x148: {  	[sflag:s23] =	ssyncadd.s32 $0xFFFFC000  }
0x149: {  	[tilespmem:s22], [sflag:$0x1] =	stream.indirect.gather [hbm4b:s1+s25], $0x80, s31, s25, $0xb8;
	[tilespmem:$0x18400] =	vst v63  }
0x14a: {  	_ =	swait.ge [sflag:s26], $0x4000  }
0x14b: {  	[sflag:s26] =	ssyncset.done $0x0  }
0x14c: {  	[sflag:s26] =	ssyncadd.s32 $0xFFFFC000  }
0x14d: {  	[spmem:s2] =	stream.indirect.scatter.add.f32 [tilespmem:s22], [sflag:$0x2], $0x80, s0, s25, $0xb8;
	[tilespmem:$0x18400] =	vst v63  }
0x14e: {  	_ =	swait.ge [sflag:s23], $0x4000  }
0x14f: {  	[sflag:s23] =	ssyncset.done $0x0  }
0x150: {  	[sflag:s23] =	ssyncadd.s32 $0xFFFFC000  }
0x151: {  	[tilespmem:s22], [sflag:$0x1] =	stream.indirect.gather [hbm4b:s1+s25], $0x80, s9, s25, $0xb8;
	[tilespmem:$0x18400] =	vst v63  }
0x152: {  	_ =	swait.ge [sflag:s26], $0x4000  }
0x153: {  	[sflag:s26] =	ssyncset.done $0x0  }
0x154: {  	[sflag:s26] =	ssyncadd.s32 $0xFFFFC000  }
0x155: {  	[spmem:s2] =	stream.indirect.scatter.add.f32 [tilespmem:s22], [sflag:$0x2], $0x80, s10, s25, $0xb8;
	[tilespmem:$0x18400] =	vst v63  }
0x156: {  	_ =	swait.ge [sflag:s23], $0x4000  }
0x157: {  	[sflag:s23] =	ssyncset.done $0x0  }
0x158: {  	[sflag:s23] =	ssyncadd.s32 $0xFFFFC000  }
0x159: {  	[tilespmem:s22], [sflag:$0x1] =	stream.indirect.gather [hbm4b:s1+s25], $0x80, s11, s25, $0xb8;
	[tilespmem:$0x18400] =	vst v63  }
0x15a: {  	_ =	swait.ge [sflag:s26], $0x4000  }
0x15b: {  	[sflag:s26] =	ssyncset.done $0x0  }
0x15c: {  	[sflag:s26] =	ssyncadd.s32 $0xFFFFC000  }
0x15d: {  	[spmem:s2] =	stream.indirect.scatter.add.f32 [tilespmem:s22], [sflag:$0x2], $0x80, s12, s25, $0xb8;
	[tilespmem:$0x18400] =	vst v63  }
0x15e: {  	_ =	swait.ge [sflag:s23], $0x4000  }
0x15f: {  	[sflag:s23] =	ssyncset.done $0x0  }
0x160: {  	[sflag:s23] =	ssyncadd.s32 $0xFFFFC000  }
0x161: {  	[tilespmem:s22], [sflag:$0x1] =	stream.indirect.gather [hbm4b:s1+s25], $0x80, s13, s25, $0xb8;
	[tilespmem:$0x18400] =	vst v63  }
0x162: {  	_ =	swait.ge [sflag:s26], $0x4000  }
0x163: {  	[sflag:s26] =	ssyncset.done $0x0  }
0x164: {  	[sflag:s26] =	ssyncadd.s32 $0xFFFFC000  }
0x165: {  	[spmem:s2] =	stream.indirect.scatter.add.f32 [tilespmem:s22], [sflag:$0x2], $0x80, s14, s25, $0xb8;
	[tilespmem:$0x18400] =	vst v63  }
0x166: {  	_ =	swait.ge [sflag:s23], $0x4000  }
0x167: {  	[sflag:s23] =	ssyncset.done $0x0  }
0x168: {  	[sflag:s23] =	ssyncadd.s32 $0xFFFFC000  }
0x169: {  	[tilespmem:s22], [sflag:$0x1] =	stream.indirect.gather [hbm4b:s1+s25], $0x80, s15, s25, $0xb8;
	[tilespmem:$0x18400] =	vst v63  }
0x16a: {  	_ =	swait.ge [sflag:s26], $0x4000  }
0x16b: {  	[sflag:s26] =	ssyncset.done $0x0  }
0x16c: {  	[sflag:s26] =	ssyncadd.s32 $0xFFFFC000  }
0x16d: {  	[spmem:s2] =	stream.indirect.scatter.add.f32 [tilespmem:s22], [sflag:$0x2], $0x80, s16, s25, $0xb8;
	[tilespmem:$0x18400] =	vst v63  }
0x16e: {  	_ =	swait.ge [sflag:s23], $0x4000  }
0x16f: {  	s7 =	rddreg [dreg:$0x4]  }
0x170: {  	[sflag:s23] =	ssyncset.done $0x0;
	s6 =	rddreg [dreg:$0x5]  }
0x171: {  	s18 =	rddreg [dreg:$0x6];
	[sflag:s23] =	ssyncadd.s32 $0xFFFFC000  }
.LBB2_7:
0x172: {  	[bflag:$0x0] =	sbarrier.arrive $0xFFFF  }
0x173: {  	[tilespmem:s22], [sflag:$0x2] =	stream.linear.gather [spmem:s4], $0x4000, $0x38;
	[tilespmem:$0x18400] =	vst v63  }
0x174: {  	_ =	swait.ge [sflag:s23], $0x4000  }
0x175: {  	[sflag:s23] =	ssyncset.done $0x0  }
0x176: {  	s5 =	simm.s32 $0x0;
	s19 =	rddreg [dreg:$0x7];
	[sflag:s23] =	ssyncadd.s32 $0xFFFFC000  }
0x177: {  	[hbm4b:s19+s5] =	stream.linear.scatter [tilespmem:s22], [sflag:$0x2], $0x4000, $0x38;
	[tilespmem:$0x18400] =	vst v63  }
0x178: {  	_ =	swait.ge [sflag:s23], $0x4000  }
0x179: {  	[sflag:s23] =	ssyncset.done $0x0  }
0x17a: {  	[sflag:s23] =	ssyncadd.s32 $0xFFFFC000  }
0x17b: {  	[tilespmem:s22], [sflag:$0x2] =	stream.linear.gather [spmem:s7], $0x4000, $0x38;
	[tilespmem:$0x18400] =	vst v63  }
0x17c: {  	_ =	swait.ge [sflag:s23], $0x4000  }
0x17d: {  	[sflag:s23] =	ssyncset.done $0x0  }
0x17e: {  	s19 =	rddreg [dreg:$0x8];
	[sflag:s23] =	ssyncadd.s32 $0xFFFFC000  }
0x17f: {  	[hbm4b:s19+s5] =	stream.linear.scatter [tilespmem:s22], [sflag:$0x2], $0x4000, $0x38;
	[tilespmem:$0x18400] =	vst v63  }
0x180: {  	_ =	swait.ge [sflag:s23], $0x4000  }
0x181: {  	[sflag:s23] =	ssyncset.done $0x0  }
0x182: {  	[sflag:s23] =	ssyncadd.s32 $0xFFFFC000  }
0x183: {  	[tilespmem:s22], [sflag:$0x2] =	stream.linear.gather [spmem:s6], $0x4000, $0x38;
	[tilespmem:$0x18400] =	vst v63  }
0x184: {  	_ =	swait.ge [sflag:s23], $0x4000  }
0x185: {  	[sflag:s23] =	ssyncset.done $0x0  }
0x186: {  	s19 =	rddreg [dreg:$0x9];
	[sflag:s23] =	ssyncadd.s32 $0xFFFFC000  }
0x187: {  	[hbm4b:s19+s5] =	stream.linear.scatter [tilespmem:s22], [sflag:$0x2], $0x4000, $0x38;
	[tilespmem:$0x18400] =	vst v63  }
0x188: {  	_ =	swait.ge [sflag:s23], $0x4000  }
0x189: {  	[sflag:s23] =	ssyncset.done $0x0  }
0x18a: {  	[sflag:s23] =	ssyncadd.s32 $0xFFFFC000  }
0x18b: {  	[tilespmem:s22], [sflag:$0x2] =	stream.linear.gather [spmem:s18], $0x4000, $0x38;
	[tilespmem:$0x18400] =	vst v63  }
0x18c: {  	_ =	swait.ge [sflag:s23], $0x4000  }
0x18d: {  	[sflag:s23] =	ssyncset.done $0x0  }
0x18e: {  	s19 =	rddreg [dreg:$0xa];
	[sflag:s23] =	ssyncadd.s32 $0xFFFFC000  }
0x18f: {  	[hbm4b:s19+s5] =	stream.linear.scatter [tilespmem:s22], [sflag:$0x2], $0x4000, $0x38;
	[tilespmem:$0x18400] =	vst v63  }
0x190: {  	_ =	swait.ge [sflag:s23], $0x4000  }
0x191: {  	[sflag:s23] =	ssyncset.done $0x0  }
0x192: {  	[sflag:s23] =	ssyncadd.s32 $0xFFFFC000  }
0x193: {  	[tilespmem:s22], [sflag:$0x2] =	stream.linear.gather [spmem:s8], $0x3C00, $0x38;
	[tilespmem:$0x18400] =	vst v63  }
0x194: {  	_ =	swait.ge [sflag:s23], $0x3C00  }
0x195: {  	[sflag:s23] =	ssyncset.done $0x0  }
0x196: {  	s19 =	rddreg [dreg:$0xb];
	[sflag:s23] =	ssyncadd.s32 $0xFFFFC400  }
0x197: {  	[hbm4b:s19+s5] =	stream.linear.scatter [tilespmem:s22], [sflag:$0x2], $0x3C00, $0x38;
	[tilespmem:$0x18400] =	vst v63  }
0x198: {  	_ =	swait.ge [sflag:s23], $0x3C00  }
0x199: {  	[sflag:s23] =	ssyncset.done $0x0  }
0x19a: {  	s18 =	simm.s32 $0x0;
	s19 =	simm.s32 $0x200;
	[sflag:s23] =	ssyncadd.s32 $0xFFFFC400  }
.LBB2_8:
0x19b: {  	p1 =	sne.s32 s19, $0xFE00;
	[tilespmem:s18+$0x870] =	vst v0  }
0x19c: {  	[tilespmem:s18+$0x800] =	vst v0  }
0x19d: {  	[tilespmem:s18+$0x810] =	vst v0  }
.Ltmp5:
0x19e: {  	[tilespmem:s18+$0x820] =	vst v0;
	(pc) =	sbr.rel @p1 .LBB2_8-.Ltmp5, $4  }
0x19f: {  	[tilespmem:s18+$0x830] =	vst v0  }
0x1a0: {  	[tilespmem:s18+$0x840] =	vst v0  }
0x1a1: {  	[tilespmem:s18+$0x850] =	vst v0  }
0x1a2: {  	[tilespmem:s18+$0x860] =	vst v0;
	s18 =	sshra.s32 s19, $0x2;
	s19 =	sadd.s32 $0x200, s19  }
0x1a3: {  	[tilespmem:s18+$0x870] =	vst v0  }
0x1a4: {  	[tilespmem:s18+$0x800] =	vst v0  }
0x1a5: {  	[tilespmem:s18+$0x810] =	vst v0  }
0x1a6: {  	[tilespmem:s18+$0x820] =	vst v0  }
0x1a7: {  	[tilespmem:s18+$0x830] =	vst v0  }
0x1a8: {  	[tilespmem:s18+$0x840] =	vst v0  }
0x1a9: {  	[tilespmem:s18+$0x850] =	vst v0  }
0x1aa: {  	[tilespmem:s18+$0x860] =	vst v0  }
0x1ab: {  	[spmem:s4] =	stream.linear.scatter [tilespmem:s22], [sflag:$0x2], $0x4000, $0x38;
	[tilespmem:$0x18400] =	vst v63  }
0x1ac: {  	_ =	swait.ge [sflag:s23], $0x4000  }
0x1ad: {  	[sflag:s23] =	ssyncset.done $0x0  }
0x1ae: {  	[sflag:s23] =	ssyncadd.s32 $0xFFFFC000  }
0x1af: {  	[spmem:s7] =	stream.linear.scatter [tilespmem:s22], [sflag:$0x2], $0x4000, $0x38;
	[tilespmem:$0x18400] =	vst v63  }
0x1b0: {  	_ =	swait.ge [sflag:s23], $0x4000  }
0x1b1: {  	[sflag:s23] =	ssyncset.done $0x0  }
0x1b2: {  	[sflag:s23] =	ssyncadd.s32 $0xFFFFC000  }
0x1b3: {  	[spmem:s6] =	stream.linear.scatter [tilespmem:s22], [sflag:$0x2], $0x4000, $0x38;
	[tilespmem:$0x18400] =	vst v63  }
0x1b4: {  	_ =	swait.ge [sflag:s23], $0x4000  }
0x1b5: {  	[sflag:s23] =	ssyncset.done $0x0  }
0x1b6: {  	s5 =	rddreg [dreg:$0x6];
	[sflag:s23] =	ssyncadd.s32 $0xFFFFC000  }
0x1b7: {  	[spmem:s5] =	stream.linear.scatter [tilespmem:s22], [sflag:$0x2], $0x4000, $0x38;
	[tilespmem:$0x18400] =	vst v63  }
0x1b8: {  	_ =	swait.ge [sflag:s23], $0x4000  }
0x1b9: {  	[sflag:s23] =	ssyncset.done $0x0  }
0x1ba: {  	[sflag:s23] =	ssyncadd.s32 $0xFFFFC000  }
0x1bb: {  	[spmem:s8] =	stream.linear.scatter [tilespmem:s22], [sflag:$0x2], $0x3C00, $0x38;
	[tilespmem:$0x18400] =	vst v63  }
0x1bc: {  	_ =	swait.ge [sflag:s23], $0x3C00  }
0x1bd: {  	[sflag:s23] =	ssyncset.done $0x0  }
0x1be: {  	s18 =	simm.s32 $0x0;
	s19 =	simm.s32 $0x200;
	[sflag:s23] =	ssyncadd.s32 $0xFFFFC400  }
.LBB2_10:
0x1bf: {  	p1 =	sne.s32 s19, $0xFE00;
	[tilespmem:s18+$0x870] =	vst v1  }
0x1c0: {  	[tilespmem:s18+$0x800] =	vst v1  }
0x1c1: {  	[tilespmem:s18+$0x810] =	vst v1  }
.Ltmp6:
0x1c2: {  	[tilespmem:s18+$0x820] =	vst v1;
	(pc) =	sbr.rel @p1 .LBB2_10-.Ltmp6, $4  }
0x1c3: {  	[tilespmem:s18+$0x830] =	vst v1  }
0x1c4: {  	[tilespmem:s18+$0x840] =	vst v1  }
0x1c5: {  	[tilespmem:s18+$0x850] =	vst v1  }
0x1c6: {  	[tilespmem:s18+$0x860] =	vst v1;
	s18 =	sshra.s32 s19, $0x2;
	s19 =	sadd.s32 $0x200, s19  }
0x1c7: {  	[tilespmem:s18+$0x870] =	vst v1  }
0x1c8: {  	[tilespmem:s18+$0x800] =	vst v1  }
0x1c9: {  	[tilespmem:s18+$0x810] =	vst v1  }
0x1ca: {  	[tilespmem:s18+$0x820] =	vst v1  }
0x1cb: {  	[tilespmem:s18+$0x830] =	vst v1  }
.Ltmp7:
0x1cc: {  	[tilespmem:s18+$0x840] =	vst v1;
	(pc) =	sbr.rel @p0 .LBB2_15-.Ltmp7, $3  }
0x1cd: {  	[tilespmem:s18+$0x850] =	vst v1  }
0x1ce: {  	[tilespmem:s18+$0x860] =	vst v1  }
0x1cf: {  	[bflag:$0x0] =	sbarrier.arrive $0xFFFF;
	_ =	sdelay $0x1  }
0x1d0: {  	s5 =	sadd.s32 $0x0, s20  }
0x1d1: {  	[tilespmem:s24], [sflag:$0x2] =	stream.linear.gather [hbm4b:s5+s3], $0x400, $0x38;
	[tilespmem:$0x18400] =	vst v63  }
0x1d2: {  	_ =	swait.ge [sflag:s23], $0x400  }
0x1d3: {  	[sflag:s23] =	ssyncset.done $0x0  }
0x1d4: {  	[sflag:s23] =	ssyncadd.s32 $0xFFFFFC00  }
0x1d5: {  	[spmem:s2] =	stream.indirect.scatter.add.f32 [tilespmem:s22], [sflag:$0x2], $0x80, s24, s25, $0xb8;
	[tilespmem:$0x18400] =	vst v63  }
0x1d6: {  	_ =	swait.ge [sflag:s23], $0x4000  }
0x1d7: {  	[sflag:s23] =	ssyncset.done $0x0  }
0x1d8: {  	[sflag:s23] =	ssyncadd.s32 $0xFFFFC000  }
0x1d9: {  	[spmem:s2] =	stream.indirect.scatter.add.f32 [tilespmem:s22], [sflag:$0x2], $0x80, s28, s25, $0xb8;
	[tilespmem:$0x18400] =	vst v63  }
0x1da: {  	_ =	swait.ge [sflag:s23], $0x4000  }
0x1db: {  	[sflag:s23] =	ssyncset.done $0x0  }
0x1dc: {  	[sflag:s23] =	ssyncadd.s32 $0xFFFFC000  }
0x1dd: {  	[spmem:s2] =	stream.indirect.scatter.add.f32 [tilespmem:s22], [sflag:$0x2], $0x80, s30, s25, $0xb8;
	[tilespmem:$0x18400] =	vst v63  }
0x1de: {  	_ =	swait.ge [sflag:s23], $0x4000  }
0x1df: {  	[sflag:s23] =	ssyncset.done $0x0  }
0x1e0: {  	[sflag:s23] =	ssyncadd.s32 $0xFFFFC000  }
0x1e1: {  	[spmem:s2] =	stream.indirect.scatter.add.f32 [tilespmem:s22], [sflag:$0x2], $0x80, s0, s25, $0xb8;
	[tilespmem:$0x18400] =	vst v63  }
0x1e2: {  	_ =	swait.ge [sflag:s23], $0x4000  }
0x1e3: {  	[sflag:s23] =	ssyncset.done $0x0  }
0x1e4: {  	[sflag:s23] =	ssyncadd.s32 $0xFFFFC000  }
0x1e5: {  	[spmem:s2] =	stream.indirect.scatter.add.f32 [tilespmem:s22], [sflag:$0x2], $0x80, s10, s25, $0xb8;
	[tilespmem:$0x18400] =	vst v63  }
0x1e6: {  	_ =	swait.ge [sflag:s23], $0x4000  }
0x1e7: {  	[sflag:s23] =	ssyncset.done $0x0  }
0x1e8: {  	[sflag:s23] =	ssyncadd.s32 $0xFFFFC000  }
0x1e9: {  	[spmem:s2] =	stream.indirect.scatter.add.f32 [tilespmem:s22], [sflag:$0x2], $0x80, s12, s25, $0xb8;
	[tilespmem:$0x18400] =	vst v63  }
0x1ea: {  	_ =	swait.ge [sflag:s23], $0x4000  }
0x1eb: {  	[sflag:s23] =	ssyncset.done $0x0  }
0x1ec: {  	[sflag:s23] =	ssyncadd.s32 $0xFFFFC000  }
0x1ed: {  	[spmem:s2] =	stream.indirect.scatter.add.f32 [tilespmem:s22], [sflag:$0x2], $0x80, s14, s25, $0xb8;
	[tilespmem:$0x18400] =	vst v63  }
0x1ee: {  	_ =	swait.ge [sflag:s23], $0x4000  }
0x1ef: {  	[sflag:s23] =	ssyncset.done $0x0  }
0x1f0: {  	[sflag:s23] =	ssyncadd.s32 $0xFFFFC000  }
0x1f1: {  	[spmem:s2] =	stream.indirect.scatter.add.f32 [tilespmem:s22], [sflag:$0x2], $0x80, s16, s25, $0xb8;
	[tilespmem:$0x18400] =	vst v63  }
0x1f2: {  	_ =	swait.ge [sflag:s23], $0x4000  }
0x1f3: {  	s18 =	simm.s32 $0x80;
	s5 =	simm.s32 $0x100;
	[sflag:s23] =	ssyncset.done $0x0  }
.LBB2_13:
0x1f4: {  	s6 =	sadd.s32 s18, s20  }
0x1f5: {  	[sflag:s23] =	ssyncadd.s32 $0xFFFFC000;
	s18 =	smov.u32 s5;
	s19 =	sadd.s32 $0x80, s5  }
0x1f6: {  	[tilespmem:s24], [sflag:$0x2] =	stream.linear.gather [hbm4b:s6+s3], $0x400, $0x38;
	[tilespmem:$0x18400] =	vst v63  }
0x1f7: {  	p1 =	sne.s32 s5, $0x4E80;
	_ =	swait.ge [sflag:s23], $0x400  }
0x1f8: {  	[sflag:s23] =	ssyncset.done $0x0  }
0x1f9: {  	[sflag:s23] =	ssyncadd.s32 $0xFFFFFC00  }
0x1fa: {  	[spmem:s2] =	stream.indirect.scatter.add.f32 [tilespmem:s22], [sflag:$0x2], $0x80, s24, s25, $0xb8;
	[tilespmem:$0x18400] =	vst v63  }
0x1fb: {  	_ =	swait.ge [sflag:s23], $0x4000  }
0x1fc: {  	[sflag:s23] =	ssyncset.done $0x0  }
0x1fd: {  	[sflag:s23] =	ssyncadd.s32 $0xFFFFC000  }
0x1fe: {  	[spmem:s2] =	stream.indirect.scatter.add.f32 [tilespmem:s22], [sflag:$0x2], $0x80, s28, s25, $0xb8;
	[tilespmem:$0x18400] =	vst v63  }
0x1ff: {  	_ =	swait.ge [sflag:s23], $0x4000  }
0x200: {  	[sflag:s23] =	ssyncset.done $0x0  }
0x201: {  	[sflag:s23] =	ssyncadd.s32 $0xFFFFC000  }
0x202: {  	[spmem:s2] =	stream.indirect.scatter.add.f32 [tilespmem:s22], [sflag:$0x2], $0x80, s30, s25, $0xb8;
	[tilespmem:$0x18400] =	vst v63  }
0x203: {  	_ =	swait.ge [sflag:s23], $0x4000  }
0x204: {  	[sflag:s23] =	ssyncset.done $0x0  }
0x205: {  	[sflag:s23] =	ssyncadd.s32 $0xFFFFC000  }
0x206: {  	[spmem:s2] =	stream.indirect.scatter.add.f32 [tilespmem:s22], [sflag:$0x2], $0x80, s0, s25, $0xb8;
	[tilespmem:$0x18400] =	vst v63  }
0x207: {  	_ =	swait.ge [sflag:s23], $0x4000  }
0x208: {  	[sflag:s23] =	ssyncset.done $0x0  }
0x209: {  	[sflag:s23] =	ssyncadd.s32 $0xFFFFC000  }
0x20a: {  	[spmem:s2] =	stream.indirect.scatter.add.f32 [tilespmem:s22], [sflag:$0x2], $0x80, s10, s25, $0xb8;
	[tilespmem:$0x18400] =	vst v63  }
0x20b: {  	_ =	swait.ge [sflag:s23], $0x4000  }
0x20c: {  	[sflag:s23] =	ssyncset.done $0x0  }
0x20d: {  	[sflag:s23] =	ssyncadd.s32 $0xFFFFC000  }
0x20e: {  	[spmem:s2] =	stream.indirect.scatter.add.f32 [tilespmem:s22], [sflag:$0x2], $0x80, s12, s25, $0xb8;
	[tilespmem:$0x18400] =	vst v63  }
0x20f: {  	_ =	swait.ge [sflag:s23], $0x4000  }
0x210: {  	[sflag:s23] =	ssyncset.done $0x0  }
0x211: {  	[sflag:s23] =	ssyncadd.s32 $0xFFFFC000  }
0x212: {  	[spmem:s2] =	stream.indirect.scatter.add.f32 [tilespmem:s22], [sflag:$0x2], $0x80, s14, s25, $0xb8;
	[tilespmem:$0x18400] =	vst v63  }
0x213: {  	_ =	swait.ge [sflag:s23], $0x4000  }
.Ltmp8:
0x214: {  	[sflag:s23] =	ssyncset.done $0x0;
	(pc) =	sbr.rel @p1 .LBB2_13-.Ltmp8, $4  }
0x215: {  	[sflag:s23] =	ssyncadd.s32 $0xFFFFC000  }
0x216: {  	[spmem:s2] =	stream.indirect.scatter.add.f32 [tilespmem:s22], [sflag:$0x2], $0x80, s16, s25, $0xb8;
	[tilespmem:$0x18400] =	vst v63  }
0x217: {  	_ =	swait.ge [sflag:s23], $0x4000  }
0x218: {  	s5 =	smov.u32 s19;
	[sflag:s23] =	ssyncset.done $0x0  }
.Ltmp9:
0x219: {  	_ = 	snop;
	(pc) =	sbr.rel .LBB2_14-.Ltmp9, $1  }
0x21a: {  	_ =	sdelay $0x3  }
.LBB2_16:
0x21b: {  	_ =	sfence.sel $0x180000  }
0x21c: {  	[bflag:$0x0] =	sbarrier.arrive $0xFFFF  }
0x21d: {  	_ =	strace $0x90000047  }
0x21e: {  	[bflag:$0x2] =	sbarrier.arrive $0xFFFF  }
0x21f: {  	s0 =	rddreg [dreg:$0x3]  }
0x220: {  	s0 =	sadd.s32 @!p0 $0x100000, s0  }
0x221: {  	[sflag:s0] =	ssyncadd.tile.s32 @!p0 $0x1;
	_ =	shalt  }
.Lfunc_end2:
_tile_overlayer_lowered:
.L_overlay_start_2:
0x222: {  	(tag) =	ssettag $0x2  }
0x223: {  	s0 =	rddreg [dreg:$0x0];
	s2 =	stileid.u32  }
0x224: {  	s1 =	rddreg [dreg:$0x1];
	p0 =	sne.s32 s2, $0x0  }
0x225: {  	s3 =	rddreg [dreg:$0x2];
	[bflag:$0x3] =	sbarrier.arrive $0xFFFF;
	s2 =	simm.s32 @!p0 $0x1C02  }
0x226: {  	[timem:s3], [sflag:s2] =	dma.local @!p0 [hbm:s0], s1  }
0x227: {  	s0 =	simm.s32 @!p0 $0x2  }
0x228: {  	_ =	swait.ge @!p0 [sflag:s0], s1  }
0x229: {  	s1 =	ssub.s32 @!p0 $0x0, s1;
	[sflag:s0] =	ssyncset.done @!p0 $0x0  }
0x22a: {  	[sflag:s0] =	ssyncadd.s32 @!p0 s1  }
0x22b: {  	[bflag:$0x3] =	sbarrier.arrive $0xFFFF  }
0x22c: {  	_ =	shalt  }

// kernel: kernel.9.cloned.1.call-start
scs
__scs_entry_jumppad:
0x0: {  	(pc) =	sbr.rel $0x88, $3  }
0x1: {  	(tag) =	ssettag $0x0;
	lr =	simm.s32 $0x1  }
0x2: {  	[smem:$0x3F99] =	sst lr;
	_ =	strace $0xD0000000  }
0x3: {  	_ = 	snop  }
0x4: {  	_ = 	snop  }
0x5: {  	_ = 	snop  }
0x6: {  	_ = 	snop  }
0x7: {  	_ = 	snop  }
__scs_overlays_trampoline_lowered:
0x8: {  	[smem:$0x3FA8] =	sst s0  }
0x9: {  	[smem:$0x3FA9] =	sst s1  }
0xa: {  	[smem:$0x3FAA] =	sst s2  }
0xb: {  	[smem:$0x3FAB] =	sst s3  }
0xc: {  	[smem:$0x3FAC] =	sst s4  }
0xd: {  	[smem:$0x3FAD] =	sst s5  }
0xe: {  	[smem:$0x3FAE] =	sst s6  }
0xf: {  	[smem:$0x3FAF] =	sst s7  }
0x10: {  	[smem:$0x3FB0] =	sst s8  }
0x11: {  	[smem:$0x3FB1] =	sst s9;
	s0 =	simm.s32 @!p0 $0x0  }
0x12: {  	s1 =	sld [smem:$0x3F97];
	s0 =	simm.s32 @p0 $0x1  }
0x13: {  	[smem:$0x3FB2] =	sst s0;
	s0 =	simm.s32 @!p1 $0x0  }
0x14: {  	s2 =	sld [smem:$0x3F96];
	s0 =	simm.s32 @p1 $0x1  }
0x15: {  	[smem:$0x3FB3] =	sst s0;
	s0 =	simm.s32 @!p2 $0x0  }
0x16: {  	s3 =	sld [smem:$0x3FDB];
	s0 =	simm.s32 @p2 $0x1  }
0x17: {  	s4 =	simm.s32 $0x1BF5;
	[smem:$0x3FB5] =	sst s0  }
0x18: {  	s0 =	sld [smem:$0x3F98];
	_ =	swait.ge [sflag:s4], $0x0  }
0x19: {  	s7 =	sld [smem:$0x3F99]  }
0x1a: {  	s8 =	sadd.s32 $0xFFFFE003, lr  }
0x1b: {  	s9 =	sadd.s32 $0xFFFFFEF7, lr;
	s5 =	simm.s32 $0xFFFFFFFF;
	p2 =	slt.u32 s8, $0xFFFFF086  }
0x1c: {  	p1 =	slt.u32 s9, $0xF7A;
	s5 =	simm.s32 @!p2 $0x0  }
0x1d: {  	s5 =	simm.s32 @p1 $0x1;
	p0 =	seq.s32 s7, s2  }
0x1e: {  	s7 =	smul.u32 @!p0 $0xF7A, s2;
	p2 =	seq.s32 @!p0 s5, $0x0  }
0x1f: {  	s9 =	smul.u32 $0xF7A, s1;
	s8 =	simm.s32 @!p0 $0x1BF5;
	p2 =	por !p2, p0  }
0x20: {  	[sflag:s8] =	ssyncset.s32 @!p0 $0xFFFFF086;
	s6 =	sadd.s32 @!p0 s3, s7;
	s7 =	simm.s32 @!p0 $0x108  }
0x21: {  	s3 =	sadd.s32 s3, s9;
	s6 =	sadd.s32 @!p0 $0x88, s6;
	s7 =	simm.s32 @p2 $0x1082  }
0x22: {  	[simem:s7], [sflag:s8] =	dma.local @!p0 [hbm:s6], $0xF7A  }
0x23: {  	s9 =	sor.u32 $0xD0000000, s2;
	s6 =	simm.s32 $0x108;
	_ =	swait.ge @!p0 [sflag:s8], $0x0  }
0x24: {  	s3 =	sadd.s32 $0x88, s3;
	s6 =	simm.s32 @!p1 $0x1082;
	[sflag:s4] =	ssyncset.s32 $0xFFFFF086  }
0x25: {  	[simem:s6], [sflag:s4] =	dma.local [hbm:s3], $0xF7A  }
0x26: {  	[smem:$0x3F99] =	sst s1;
	(tag) =	ssettag s2;
	_ =	strace s9  }
0x27: {  	s1 =	sld [smem:$0x3FA9]  }
0x28: {  	s2 =	sld [smem:$0x3FAA]  }
0x29: {  	s4 =	sld [smem:$0x3FAC]  }
0x2a: {  	p0 =	seq.s32 s5, $0x0;
	s5 =	sld [smem:$0x3FAD]  }
0x2b: {  	s6 =	sld [smem:$0x3FAE]  }
0x2c: {  	s7 =	sld [smem:$0x3FAF]  }
0x2d: {  	s3 =	simm.s32 $0x108;
	s8 =	sld [smem:$0x3FB0]  }
0x2e: {  	s3 =	simm.s32 @!p0 $0x1082;
	s9 =	sld [smem:$0x3FB1]  }
0x2f: {  	lr =	sadd.s32 s0, s3;
	s0 =	sld [smem:$0x3FA8]  }
0x30: {  	s3 =	sld [smem:$0x3FAB]  }
0x31: {  	[smem:$0x3FB4] =	sst s10  }
0x32: {  	s10 =	sld [smem:$0x3FB2];
	_ =	sdelay $0x3  }
0x33: {  	p0 =	seq.s32 s10, $0x1;
	s10 =	sld [smem:$0x3FB4];
	_ =	sdelay $0x3  }
0x34: {  	[smem:$0x3FB4] =	sst s10  }
0x35: {  	s10 =	sld [smem:$0x3FB3];
	_ =	sdelay $0x3  }
0x36: {  	p1 =	seq.s32 s10, $0x1;
	s10 =	sld [smem:$0x3FB4];
	_ =	sdelay $0x3  }
0x37: {  	[smem:$0x3FB4] =	sst s10  }
0x38: {  	s10 =	sld [smem:$0x3FB5]  }
0x39: {  	_ = 	snop;
	(pc) =	sbr.ind lr, $3  }
0x3a: {  	_ = 	snop  }
0x3b: {  	_ = 	snop  }
0x3c: {  	p2 =	seq.s32 s10, $0x1;
	s10 =	sld [smem:$0x3FB4]  }
0x3d: {  	_ =	shalt  }
0x3e: {  	_ =	shalt  }
0x3f: {  	_ =	shalt  }
0x40: {  	_ =	shalt  }
0x41: {  	_ =	shalt  }
0x42: {  	_ =	shalt  }
0x43: {  	_ =	shalt  }
0x44: {  	_ =	shalt  }
0x45: {  	_ =	shalt  }
0x46: {  	_ =	shalt  }
0x47: {  	_ =	shalt  }
0x48: {  	_ =	shalt  }
0x49: {  	_ =	shalt  }
0x4a: {  	_ =	shalt  }
0x4b: {  	_ =	shalt  }
0x4c: {  	_ =	shalt  }
0x4d: {  	_ =	shalt  }
0x4e: {  	_ =	shalt  }
0x4f: {  	_ =	shalt  }
0x50: {  	_ =	shalt  }
0x51: {  	_ =	shalt  }
0x52: {  	_ =	shalt  }
0x53: {  	_ =	shalt  }
0x54: {  	_ =	shalt  }
0x55: {  	_ =	shalt  }
0x56: {  	_ =	shalt  }
0x57: {  	_ =	shalt  }
0x58: {  	_ =	shalt  }
0x59: {  	_ =	shalt  }
0x5a: {  	_ =	shalt  }
0x5b: {  	_ =	shalt  }
0x5c: {  	_ =	shalt  }
0x5d: {  	_ =	shalt  }
0x5e: {  	_ =	shalt  }
0x5f: {  	_ =	shalt  }
0x60: {  	_ =	shalt  }
0x61: {  	_ =	shalt  }
0x62: {  	_ =	shalt  }
0x63: {  	_ =	shalt  }
0x64: {  	_ =	shalt  }
0x65: {  	_ =	shalt  }
0x66: {  	_ =	shalt  }
0x67: {  	_ =	shalt  }
0x68: {  	_ =	shalt  }
0x69: {  	_ =	shalt  }
0x6a: {  	_ =	shalt  }
0x6b: {  	_ =	shalt  }
0x6c: {  	_ =	shalt  }
0x6d: {  	_ =	shalt  }
0x6e: {  	_ =	shalt  }
0x6f: {  	_ =	shalt  }
0x70: {  	_ =	shalt  }
0x71: {  	_ =	shalt  }
0x72: {  	_ =	shalt  }
0x73: {  	_ =	shalt  }
0x74: {  	_ =	shalt  }
0x75: {  	_ =	shalt  }
0x76: {  	_ =	shalt  }
0x77: {  	_ =	shalt  }
0x78: {  	_ =	shalt  }
0x79: {  	_ =	shalt  }
0x7a: {  	_ =	shalt  }
0x7b: {  	_ =	shalt  }
0x7c: {  	_ =	shalt  }
0x7d: {  	_ =	shalt  }
0x7e: {  	_ =	shalt  }
0x7f: {  	_ =	shalt  }
0x80: {  	_ =	shalt  }
0x81: {  	_ =	shalt  }
0x82: {  	_ =	shalt  }
0x83: {  	_ =	shalt  }
0x84: {  	_ =	shalt  }
0x85: {  	_ =	shalt  }
0x86: {  	_ =	shalt  }
0x87: {  	_ =	shalt  }
.Lfunc_end0:
.L_simem_size_0:
called_computation.1_lowered:
.L_overlay_start_0:
0x88: {  	s2 =	sld [smem:$0x3FD9]  }
0x89: {  	s3 =	sld [smem:$0x3FFE];
	_ =	sdelay $0x1  }
0x8a: {  	s1 =	srdreg.scid  }
0x8b: {  	s0 =	sand.u32 $0x1, s1  }
0x8c: {  	s17 =	sshll.u32 s0, $0xA;
	s2 =	sadd.s32 s3, s2  }
0x8d: {  	s2 =	sadd.s32 s2, s17  }
0x8e: {  	[smem:$0x3FC0] =	sst s2  }
0x8f: {  	_ = 	snop  }
0x90: {  	s2 =	sld [smem:$0x3FD0];
	(tm) =	ssettm $0x1  }
0x91: {  	s18 =	sld [smem:$0x3FFB];
	_ =	sdelay $0x3  }
0x92: {  	_ =	strace s18  }
0x93: {  	s3 =	sld [smem:$0x3FFC];
	_ =	sdelay $0x3  }
0x94: {  	_ =	strace s3  }
0x95: {  	s3 =	sld [smem:$0x3FFD];
	_ =	sdelay $0x3  }
0x96: {  	_ =	strace s3  }
0x97: {  	_ =	strace $0x8FFFFFFF  }
0x98: {  	s19 =	sld [smem:$0x3FDB];
	_ =	sdelay $0x1  }
0x99: {  	s4 =	simm.s32 $_scs_section_size  }
0x9a: {  	s5 =	simm.s32 $_size__tile_overlayer_lowered;
	s6 =	simm.s32 $_tile_overlayer_lowered  }
0x9b: {  	s22 =	simm.s32 $0x1BFF;
	s21 =	sshll.u32 s6, $0x1;
	s3 =	sadd.s32 s4, s19  }
0x9c: {  	s7 =	simm.s32 $0x0;
	s20 =	sshll.u32 s5, $0x1;
	s5 =	sadd.s32 s21, s3  }
0x9d: {  	[timem:s7], [sflag:s22] =	dma.local [hbm:s5], s20  }
0x9e: {  	_ =	swait.ge [sflag:s22], s20  }
0x9f: {  	s4 =	ssub.s32 $0x0, s20;
	[sflag:s22] =	ssyncset.done $0x0  }
0xa0: {  	[sflag:s22] =	ssyncadd.s32 s4;
	_ =	sdelay $0x1  }
0xa1: {  	s23 =	simm.s32 $0x1B8B  }
0xa2: {  	_ =	swait.ge [sflag:s23], $0x1  }
0xa3: {  	[sflag:s23] =	ssyncset.done $0x0  }
0xa4: {  	s25 =	simm.s32 $0x1B8E;
	s24 =	sld [smem:$0x3FFE];
	[sflag:s23] =	ssyncadd.s32 $0xFFFFFFFF  }
0xa5: {  	s26 =	simm.s32 $execute0_lowered;
	[smem:$0x3FD2] =	sst s25  }
0xa6: {  	s5 =	sshll.u32 s26, $0x1;
	_ =	strace $0x80000049;
	[dreg:$0x1] =	wrdreg $0xFFFFFFFF  }
0xa7: {  	s28 =	simm.s32 $_size_execute0_lowered;
	s3 =	sadd.s32 s3, s5;
	[dreg:$0x0] =	wrdreg $0x0  }
0xa8: {  	s5 =	sshll.u32 s28, $0x1;
	[dreg:$0x2] =	wrdreg s3  }
0xa9: {  	[dreg:$0x3] =	wrdreg s5  }
0xaa: {  	[dreg:$0x4] =	wrdreg $0xC0  }
0xab: {  	_ =	task [dreg:s7], $0x5FFFF  }
0xac: {  	[dreg:$0x1] =	wrdreg $0xFFFFFFFF  }
0xad: {  	[dreg:$0x0] =	wrdreg $0x60  }
0xae: {  	[dreg:$0x2] =	wrdreg s2  }
0xaf: {  	[dreg:$0x3] =	wrdreg s24  }
0xb0: {  	[dreg:$0x4] =	wrdreg $0x48000  }
0xb1: {  	[dreg:$0x5] =	wrdreg $0x9  }
0xb2: {  	_ =	task.clear_ibuf [dreg:s7], $0x6FFFF;
	_ =	strace $0x90000049  }
0xb3: {  	s29 =	simm.s32 $0x9;
	_ =	strace $0x8000004B  }
0xb4: {  	_ =	swait.ge [sflag:s29], $0x1  }
0xb5: {  	[sflag:s29] =	ssyncadd.s32 $0xFFFFFFFF  }
0xb6: {  	_ =	strace $0x9000004B  }
0xb7: {  	_ =	sfence  }
0xb8: {  	s30 =	sld [smem:$0x0];
	_ =	sdelay $0x2  }
0xb9: {  	s31 =	sshll.u32 s1, $0xD;
	s1 =	sshrl.u32 s1, $0x2  }
0xba: {  	s3 =	sand.u32 $0x4000, s31;
	s1 =	sadd.s32 s1, s30  }
0xbb: {  	s0 =	sor.u32 s3, s0;
	s1 =	sshll.u32 s1, $0x11  }
0xbc: {  	s0 =	sor.u32 s1, s0  }
0xbd: {  	s0 =	sadd.s32 $0x8F2B, s0  }
0xbe: {  	[sflag:s0] =	ssyncadd.remote.s32 $0x1  }
0xbf: {  	_ =	sfence.sel $0xFFFF  }
0xc0: {  	[dreg:$0x0] =	wrdreg $0xFFFFFFFF;
	(pc) =	sbr.abs _section_cstart, $3  }
0xc1: {  	[dreg:$0x1] =	wrdreg $0xFFFFFFFF  }
0xc2: {  	_ =	task.clear_ibuf [dreg:s7], $0x2FFFF;
	_ =	strace $0x9FFFFFFF  }
0xc3: {  	(tm) =	ssettm $0x7FFFFFFF  }
tec
execute0_lowered:
.L_overlay_start_1:
0x0: {  	(tag) =	ssettag $0x1  }
0x1: {  	s0 =	rddreg [dreg:$0x0]  }
0x2: {  	s1 =	srdreg.scid;
	s4 =	rddreg [dreg:$0x1]  }
0x3: {  	s9 =	stileid.u32;
	s2 =	rddreg [dreg:$0x2]  }
0x4: {  	s3 =	simm.s32 $0x0;
	s17 =	simm.s32 $0x800;
	s18 =	simm.s32 $0x2  }
0x5: {  	s19 =	simm.s32 $0x400;
	s20 =	simm.s32 $0x80;
	s21 =	simm.s32 $0x1  }
0x6: {  	s28 =	simm.s32 $0x200;
	s29 =	simm.s32 $0x600;
	s6 =	smul.u32 $0x278, s9  }
0x7: {  	s30 =	simm.s32 $0x280;
	s1 =	sand.u32 $0x1, s1;
	s8 =	smul.u32 $0x4F000, s9  }
0x8: {  	s31 =	simm.s32 $0x680;
	[smem:$0x7FF] =	sst s3;
	s5 =	smul.u32 $0x4F00, s1  }
0x9: {  	p0 =	sne.s32 s9, $0x0;
	s9 =	simm.s32 $0x700;
	s7 =	smul.u32 $0x2780, s1  }
0xa: {  	_ =	strace $0x8000004A;
	s1 =	ssub.s32 $0x2, s1;
	s22 =	sshrl.u32 s8, $0x2  }
0xb: {  	s23 =	sshrl.u32 s1, $0x1;
	s5 =	sadd.s32 s5, s4;
	s6 =	sadd.s32 s6, s7  }
0xc: {  	s1 =	ssub.s32 s1, s23;
	s23 =	simm.s32 $0x100;
	s6 =	sshll.u32 s6, $0x4  }
0xd: {  	s1 =	smax.u32 s1, $0x1;
	s15 =	sadd.s32 $0x2000, s5;
	s16 =	sadd.s32 $0xBE00, s5  }
0xe: {  	s10 =	sadd.s32 s6, s4;
	s4 =	sadd.s32 s22, s2;
	[dreg:$0xc] =	wrdreg s1  }
0xf: {  	s22 =	simm.s32 $0x480;
	s1 =	simm.s32 $0x300;
	s12 =	sadd.s32 $0x15C00, s10  }
0x10: {  	s6 =	sadd.s32 $0x4000, s4;
	s24 =	sadd.s32 $0x16400, s10;
	[dreg:$0x7] =	wrdreg s12  }
0x11: {  	s7 =	sadd.s32 $0x8000, s4;
	s25 =	sadd.s32 $0x16C00, s10;
	[dreg:$0x8] =	wrdreg s24  }
0x12: {  	s11 =	sadd.s32 $0xC000, s4;
	s26 =	sadd.s32 $0x17400, s10;
	[dreg:$0x9] =	wrdreg s25  }
.Ltmp0:
0x13: {  	s10 =	sadd.s32 $0x17C00, s10;
	[dreg:$0xa] =	wrdreg s26;
	(pc) =	sbr.rel .LBB2_1-.Ltmp0, $4  }
0x14: {  	s8 =	sadd.s32 $0x10000, s4;
	[dreg:$0xb] =	wrdreg s10;
	s5 =	smov.u32 s11  }
0x15: {  	s24 =	simm.s32 $0x500;
	s25 =	simm.s32 $0x180;
	[dreg:$0x4] =	wrdreg s6  }
0x16: {  	s26 =	simm.s32 $0x580;
	s10 =	simm.s32 $0x380;
	[dreg:$0x5] =	wrdreg s7  }
0x17: {  	v0 =	vimm.f32 $0.0e+00;
	s11 =	simm.s32 $0x780;
	s12 =	simm.s32 $0x0;
	[dreg:$0x6] =	wrdreg s5  }
.LBB2_6:
0x18: {  	s5 =	sadd.s32 s13, s16;
	[sflag:s18] =	ssyncadd.s32 $0xFFFFC000  }
0x19: {  	[tilespmem:s3], [sflag:$0x2] =	stream.linear.gather [hbm4b:s5+s3], $0x400, $0x38;
	[tilespmem:$0x18400] =	vst v63  }
0x1a: {  	_ =	swait.ge [sflag:s18], $0x400  }
0x1b: {  	[sflag:s18] =	ssyncset.done $0x0  }
0x1c: {  	s14 =	sadd.s32 s13, s15;
	[sflag:s18] =	ssyncadd.s32 $0xFFFFFC00  }
0x1d: {  	[tilespmem:s19], [sflag:$0x2] =	stream.linear.gather [hbm4b:s14+s3], $0x400, $0x38;
	[tilespmem:$0x18400] =	vst v63  }
0x1e: {  	_ =	swait.ge [sflag:s18], $0x400  }
0x1f: {  	[sflag:s18] =	ssyncset.done $0x0  }
0x20: {  	[sflag:s18] =	ssyncadd.s32 $0xFFFFFC00  }
0x21: {  	[tilespmem:s17], [sflag:$0x1] =	stream.indirect.gather [hbm4b:s0+s20], $0x80, s3, s20, $0xb8;
	[tilespmem:$0x18400] =	vst v63  }
0x22: {  	_ =	swait.ge [sflag:s21], $0x4000  }
0x23: {  	[sflag:s21] =	ssyncset.done $0x0  }
0x24: {  	[sflag:s21] =	ssyncadd.s32 $0xFFFFC000  }
0x25: {  	[spmem:s2] =	stream.indirect.scatter.add.f32 [tilespmem:s17], [sflag:$0x2], $0x80, s19, s20, $0xb8;
	[tilespmem:$0x18400] =	vst v63  }
0x26: {  	_ =	swait.ge [sflag:s18], $0x4000  }
0x27: {  	[sflag:s18] =	ssyncset.done $0x0  }
0x28: {  	[sflag:s18] =	ssyncadd.s32 $0xFFFFC000  }
0x29: {  	[tilespmem:s17], [sflag:$0x1] =	stream.indirect.gather [hbm4b:s0+s20], $0x80, s20, s20, $0xb8;
	[tilespmem:$0x18400] =	vst v63  }
0x2a: {  	_ =	swait.ge [sflag:s21], $0x4000  }
0x2b: {  	[sflag:s21] =	ssyncset.done $0x0  }
0x2c: {  	[sflag:s21] =	ssyncadd.s32 $0xFFFFC000  }
0x2d: {  	[spmem:s2] =	stream.indirect.scatter.add.f32 [tilespmem:s17], [sflag:$0x2], $0x80, s22, s20, $0xb8;
	[tilespmem:$0x18400] =	vst v63  }
0x2e: {  	_ =	swait.ge [sflag:s18], $0x4000  }
0x2f: {  	[sflag:s18] =	ssyncset.done $0x0  }
0x30: {  	[sflag:s18] =	ssyncadd.s32 $0xFFFFC000  }
0x31: {  	[tilespmem:s17], [sflag:$0x1] =	stream.indirect.gather [hbm4b:s0+s20], $0x80, s23, s20, $0xb8;
	[tilespmem:$0x18400] =	vst v63  }
0x32: {  	_ =	swait.ge [sflag:s21], $0x4000  }
0x33: {  	[sflag:s21] =	ssyncset.done $0x0  }
0x34: {  	[sflag:s21] =	ssyncadd.s32 $0xFFFFC000  }
0x35: {  	[spmem:s2] =	stream.indirect.scatter.add.f32 [tilespmem:s17], [sflag:$0x2], $0x80, s24, s20, $0xb8;
	[tilespmem:$0x18400] =	vst v63  }
0x36: {  	_ =	swait.ge [sflag:s18], $0x4000  }
0x37: {  	[sflag:s18] =	ssyncset.done $0x0  }
0x38: {  	[sflag:s18] =	ssyncadd.s32 $0xFFFFC000  }
0x39: {  	[tilespmem:s17], [sflag:$0x1] =	stream.indirect.gather [hbm4b:s0+s20], $0x80, s25, s20, $0xb8;
	[tilespmem:$0x18400] =	vst v63  }
0x3a: {  	_ =	swait.ge [sflag:s21], $0x4000  }
0x3b: {  	[sflag:s21] =	ssyncset.done $0x0  }
0x3c: {  	[sflag:s21] =	ssyncadd.s32 $0xFFFFC000  }
0x3d: {  	[spmem:s2] =	stream.indirect.scatter.add.f32 [tilespmem:s17], [sflag:$0x2], $0x80, s26, s20, $0xb8;
	[tilespmem:$0x18400] =	vst v63  }
0x3e: {  	_ =	swait.ge [sflag:s18], $0x4000  }
0x3f: {  	[sflag:s18] =	ssyncset.done $0x0  }
0x40: {  	[sflag:s18] =	ssyncadd.s32 $0xFFFFC000  }
0x41: {  	[tilespmem:s17], [sflag:$0x1] =	stream.indirect.gather [hbm4b:s0+s20], $0x80, s28, s20, $0xb8;
	[tilespmem:$0x18400] =	vst v63  }
0x42: {  	_ =	swait.ge [sflag:s21], $0x4000  }
0x43: {  	[sflag:s21] =	ssyncset.done $0x0  }
0x44: {  	[sflag:s21] =	ssyncadd.s32 $0xFFFFC000  }
0x45: {  	[spmem:s2] =	stream.indirect.scatter.add.f32 [tilespmem:s17], [sflag:$0x2], $0x80, s29, s20, $0xb8;
	[tilespmem:$0x18400] =	vst v63  }
0x46: {  	_ =	swait.ge [sflag:s18], $0x4000  }
0x47: {  	[sflag:s18] =	ssyncset.done $0x0  }
0x48: {  	[sflag:s18] =	ssyncadd.s32 $0xFFFFC000  }
0x49: {  	[tilespmem:s17], [sflag:$0x1] =	stream.indirect.gather [hbm4b:s0+s20], $0x80, s30, s20, $0xb8;
	[tilespmem:$0x18400] =	vst v63  }
0x4a: {  	_ =	swait.ge [sflag:s21], $0x4000  }
0x4b: {  	[sflag:s21] =	ssyncset.done $0x0  }
0x4c: {  	[sflag:s21] =	ssyncadd.s32 $0xFFFFC000  }
0x4d: {  	[spmem:s2] =	stream.indirect.scatter.add.f32 [tilespmem:s17], [sflag:$0x2], $0x80, s31, s20, $0xb8;
	[tilespmem:$0x18400] =	vst v63  }
0x4e: {  	_ =	swait.ge [sflag:s18], $0x4000  }
0x4f: {  	[sflag:s18] =	ssyncset.done $0x0  }
0x50: {  	[sflag:s18] =	ssyncadd.s32 $0xFFFFC000  }
0x51: {  	[tilespmem:s17], [sflag:$0x1] =	stream.indirect.gather [hbm4b:s0+s20], $0x80, s1, s20, $0xb8;
	[tilespmem:$0x18400] =	vst v63  }
0x52: {  	_ =	swait.ge [sflag:s21], $0x4000  }
0x53: {  	[sflag:s21] =	ssyncset.done $0x0  }
0x54: {  	[sflag:s21] =	ssyncadd.s32 $0xFFFFC000  }
0x55: {  	[spmem:s2] =	stream.indirect.scatter.add.f32 [tilespmem:s17], [sflag:$0x2], $0x80, s9, s20, $0xb8;
	[tilespmem:$0x18400] =	vst v63  }
0x56: {  	_ =	swait.ge [sflag:s18], $0x4000  }
0x57: {  	[sflag:s18] =	ssyncset.done $0x0  }
0x58: {  	[sflag:s18] =	ssyncadd.s32 $0xFFFFC000  }
0x59: {  	[tilespmem:s17], [sflag:$0x1] =	stream.indirect.gather [hbm4b:s0+s20], $0x80, s10, s20, $0xb8;
	[tilespmem:$0x18400] =	vst v63  }
0x5a: {  	_ =	swait.ge [sflag:s21], $0x4000  }
0x5b: {  	[sflag:s21] =	ssyncset.done $0x0  }
0x5c: {  	[sflag:s21] =	ssyncadd.s32 $0xFFFFC000  }
0x5d: {  	[spmem:s2] =	stream.indirect.scatter.add.f32 [tilespmem:s17], [sflag:$0x2], $0x80, s11, s20, $0xb8;
	[tilespmem:$0x18400] =	vst v63  }
0x5e: {  	_ =	swait.ge [sflag:s18], $0x4000  }
0x5f: {  	s6 =	rddreg [dreg:$0x4]  }
0x60: {  	[sflag:s18] =	ssyncset.done $0x0;
	s7 =	rddreg [dreg:$0x5]  }
0x61: {  	s5 =	rddreg [dreg:$0x6];
	[sflag:s18] =	ssyncadd.s32 $0xFFFFC000  }
.LBB2_7:
0x62: {  	[bflag:$0x0] =	sbarrier.arrive $0xFFFF  }
0x63: {  	[tilespmem:s17], [sflag:$0x2] =	stream.linear.gather [spmem:s4], $0x4000, $0x38;
	[tilespmem:$0x18400] =	vst v63  }
0x64: {  	_ =	swait.ge [sflag:s18], $0x4000  }
0x65: {  	[sflag:s18] =	ssyncset.done $0x0  }
0x66: {  	s13 =	rddreg [dreg:$0x7];
	[sflag:s18] =	ssyncadd.s32 $0xFFFFC000  }
0x67: {  	[hbm4b:s13+s3] =	stream.linear.scatter [tilespmem:s17], [sflag:$0x2], $0x4000, $0x38;
	[tilespmem:$0x18400] =	vst v63  }
0x68: {  	_ =	swait.ge [sflag:s18], $0x4000  }
0x69: {  	[sflag:s18] =	ssyncset.done $0x0  }
0x6a: {  	[sflag:s18] =	ssyncadd.s32 $0xFFFFC000  }
0x6b: {  	[tilespmem:s17], [sflag:$0x2] =	stream.linear.gather [spmem:s6], $0x4000, $0x38;
	[tilespmem:$0x18400] =	vst v63  }
0x6c: {  	_ =	swait.ge [sflag:s18], $0x4000  }
0x6d: {  	[sflag:s18] =	ssyncset.done $0x0  }
0x6e: {  	s14 =	rddreg [dreg:$0x8];
	[sflag:s18] =	ssyncadd.s32 $0xFFFFC000  }
0x6f: {  	[hbm4b:s14+s3] =	stream.linear.scatter [tilespmem:s17], [sflag:$0x2], $0x4000, $0x38;
	[tilespmem:$0x18400] =	vst v63  }
0x70: {  	_ =	swait.ge [sflag:s18], $0x4000  }
0x71: {  	[sflag:s18] =	ssyncset.done $0x0  }
0x72: {  	[sflag:s18] =	ssyncadd.s32 $0xFFFFC000  }
0x73: {  	[tilespmem:s17], [sflag:$0x2] =	stream.linear.gather [spmem:s7], $0x4000, $0x38;
	[tilespmem:$0x18400] =	vst v63  }
0x74: {  	_ =	swait.ge [sflag:s18], $0x4000  }
0x75: {  	[sflag:s18] =	ssyncset.done $0x0  }
0x76: {  	s14 =	rddreg [dreg:$0x9];
	[sflag:s18] =	ssyncadd.s32 $0xFFFFC000  }
0x77: {  	[hbm4b:s14+s3] =	stream.linear.scatter [tilespmem:s17], [sflag:$0x2], $0x4000, $0x38;
	[tilespmem:$0x18400] =	vst v63  }
0x78: {  	_ =	swait.ge [sflag:s18], $0x4000  }
0x79: {  	[sflag:s18] =	ssyncset.done $0x0  }
0x7a: {  	[sflag:s18] =	ssyncadd.s32 $0xFFFFC000  }
0x7b: {  	[tilespmem:s17], [sflag:$0x2] =	stream.linear.gather [spmem:s5], $0x4000, $0x38;
	[tilespmem:$0x18400] =	vst v63  }
0x7c: {  	_ =	swait.ge [sflag:s18], $0x4000  }
0x7d: {  	[sflag:s18] =	ssyncset.done $0x0  }
0x7e: {  	s14 =	rddreg [dreg:$0xa];
	[sflag:s18] =	ssyncadd.s32 $0xFFFFC000  }
0x7f: {  	[hbm4b:s14+s3] =	stream.linear.scatter [tilespmem:s17], [sflag:$0x2], $0x4000, $0x38;
	[tilespmem:$0x18400] =	vst v63  }
0x80: {  	_ =	swait.ge [sflag:s18], $0x4000  }
0x81: {  	[sflag:s18] =	ssyncset.done $0x0  }
0x82: {  	[sflag:s18] =	ssyncadd.s32 $0xFFFFC000  }
0x83: {  	[tilespmem:s17], [sflag:$0x2] =	stream.linear.gather [spmem:s8], $0x3C00, $0x38;
	[tilespmem:$0x18400] =	vst v63  }
0x84: {  	_ =	swait.ge [sflag:s18], $0x3C00  }
0x85: {  	[sflag:s18] =	ssyncset.done $0x0  }
0x86: {  	s14 =	rddreg [dreg:$0xb];
	[sflag:s18] =	ssyncadd.s32 $0xFFFFC400  }
0x87: {  	[hbm4b:s14+s3] =	stream.linear.scatter [tilespmem:s17], [sflag:$0x2], $0x3C00, $0x38;
	[tilespmem:$0x18400] =	vst v63  }
0x88: {  	_ =	swait.ge [sflag:s18], $0x3C00  }
0x89: {  	s12 =	sadd.s32 $0x1, s12;
	s14 =	rddreg [dreg:$0xc]  }
0x8a: {  	p1 =	sne.s32 s12, s14  }
.Ltmp1:
0x8b: {  	_ = 	snop;
	(pc) =	sbr.rel @!p1 .LBB2_8-.Ltmp1, $3  }
0x8c: {  	_ =	sdelay $0x1  }
0x8d: {  	[sflag:s18] =	ssyncset.done $0x0  }
0x8e: {  	[sflag:s18] =	ssyncadd.s32 $0xFFFFC400  }
.LBB2_1:
0x8f: {  	s13 =	simm.s32 $0x0;
	s14 =	simm.s32 $0x200  }
.LBB2_2:
0x90: {  	p1 =	sne.s32 s14, $0xFE00;
	[tilespmem:s13+$0x870] =	vst v0  }
0x91: {  	[tilespmem:s13+$0x800] =	vst v0  }
0x92: {  	[tilespmem:s13+$0x810] =	vst v0  }
.Ltmp2:
0x93: {  	[tilespmem:s13+$0x820] =	vst v0;
	(pc) =	sbr.rel @p1 .LBB2_2-.Ltmp2, $4  }
0x94: {  	[tilespmem:s13+$0x830] =	vst v0  }
0x95: {  	[tilespmem:s13+$0x840] =	vst v0  }
0x96: {  	[tilespmem:s13+$0x850] =	vst v0  }
0x97: {  	[tilespmem:s13+$0x860] =	vst v0;
	s13 =	sshra.s32 s14, $0x2;
	s14 =	sadd.s32 $0x200, s14  }
0x98: {  	[tilespmem:s13+$0x870] =	vst v0  }
0x99: {  	[tilespmem:s13+$0x800] =	vst v0  }
0x9a: {  	[tilespmem:s13+$0x810] =	vst v0  }
0x9b: {  	[tilespmem:s13+$0x820] =	vst v0  }
0x9c: {  	[tilespmem:s13+$0x830] =	vst v0  }
0x9d: {  	[tilespmem:s13+$0x840] =	vst v0  }
0x9e: {  	[tilespmem:s13+$0x850] =	vst v0  }
0x9f: {  	[tilespmem:s13+$0x860] =	vst v0  }
0xa0: {  	[spmem:s4] =	stream.linear.scatter [tilespmem:s17], [sflag:$0x2], $0x4000, $0x38;
	[tilespmem:$0x18400] =	vst v63  }
0xa1: {  	_ =	swait.ge [sflag:s18], $0x4000  }
0xa2: {  	[sflag:s18] =	ssyncset.done $0x0  }
0xa3: {  	[sflag:s18] =	ssyncadd.s32 $0xFFFFC000  }
0xa4: {  	[spmem:s6] =	stream.linear.scatter [tilespmem:s17], [sflag:$0x2], $0x4000, $0x38;
	[tilespmem:$0x18400] =	vst v63  }
0xa5: {  	_ =	swait.ge [sflag:s18], $0x4000  }
0xa6: {  	[sflag:s18] =	ssyncset.done $0x0  }
0xa7: {  	[sflag:s18] =	ssyncadd.s32 $0xFFFFC000  }
0xa8: {  	[spmem:s7] =	stream.linear.scatter [tilespmem:s17], [sflag:$0x2], $0x4000, $0x38;
	[tilespmem:$0x18400] =	vst v63  }
0xa9: {  	_ =	swait.ge [sflag:s18], $0x4000  }
0xaa: {  	[sflag:s18] =	ssyncset.done $0x0  }
0xab: {  	[sflag:s18] =	ssyncadd.s32 $0xFFFFC000  }
0xac: {  	[spmem:s5] =	stream.linear.scatter [tilespmem:s17], [sflag:$0x2], $0x4000, $0x38;
	[tilespmem:$0x18400] =	vst v63  }
0xad: {  	_ =	swait.ge [sflag:s18], $0x4000  }
0xae: {  	[sflag:s18] =	ssyncset.done $0x0  }
0xaf: {  	[sflag:s18] =	ssyncadd.s32 $0xFFFFC000  }
0xb0: {  	[spmem:s8] =	stream.linear.scatter [tilespmem:s17], [sflag:$0x2], $0x3C00, $0x38;
	[tilespmem:$0x18400] =	vst v63  }
.Ltmp3:
0xb1: {  	_ =	swait.ge [sflag:s18], $0x3C00;
	(pc) =	sbr.rel @p0 .LBB2_7-.Ltmp3, $3  }
0xb2: {  	[sflag:s18] =	ssyncset.done $0x0  }
0xb3: {  	[sflag:s18] =	ssyncadd.s32 $0xFFFFC400  }
0xb4: {  	[bflag:$0x0] =	sbarrier.arrive $0xFFFF;
	_ =	sdelay $0x1  }
0xb5: {  	s5 =	sadd.s32 $0x0, s16  }
0xb6: {  	[tilespmem:s3], [sflag:$0x2] =	stream.linear.gather [hbm4b:s5+s3], $0x400, $0x38;
	[tilespmem:$0x18400] =	vst v63  }
0xb7: {  	_ =	swait.ge [sflag:s18], $0x400  }
0xb8: {  	[sflag:s18] =	ssyncset.done $0x0  }
0xb9: {  	s14 =	sadd.s32 $0x0, s15;
	[sflag:s18] =	ssyncadd.s32 $0xFFFFFC00  }
0xba: {  	[tilespmem:s19], [sflag:$0x2] =	stream.linear.gather [hbm4b:s14+s3], $0x400, $0x38;
	[tilespmem:$0x18400] =	vst v63  }
0xbb: {  	_ =	swait.ge [sflag:s18], $0x400  }
0xbc: {  	[sflag:s18] =	ssyncset.done $0x0  }
0xbd: {  	[sflag:s18] =	ssyncadd.s32 $0xFFFFFC00  }
0xbe: {  	[tilespmem:s17], [sflag:$0x1] =	stream.indirect.gather [hbm4b:s0+s20], $0x80, s3, s20, $0xb8;
	[tilespmem:$0x18400] =	vst v63  }
0xbf: {  	_ =	swait.ge [sflag:s21], $0x4000  }
0xc0: {  	[sflag:s21] =	ssyncset.done $0x0  }
0xc1: {  	[sflag:s21] =	ssyncadd.s32 $0xFFFFC000  }
0xc2: {  	[spmem:s2] =	stream.indirect.scatter.add.f32 [tilespmem:s17], [sflag:$0x2], $0x80, s19, s20, $0xb8;
	[tilespmem:$0x18400] =	vst v63  }
0xc3: {  	_ =	swait.ge [sflag:s18], $0x4000  }
0xc4: {  	[sflag:s18] =	ssyncset.done $0x0  }
0xc5: {  	[sflag:s18] =	ssyncadd.s32 $0xFFFFC000  }
0xc6: {  	[tilespmem:s17], [sflag:$0x1] =	stream.indirect.gather [hbm4b:s0+s20], $0x80, s20, s20, $0xb8;
	[tilespmem:$0x18400] =	vst v63  }
0xc7: {  	_ =	swait.ge [sflag:s21], $0x4000  }
0xc8: {  	[sflag:s21] =	ssyncset.done $0x0  }
0xc9: {  	[sflag:s21] =	ssyncadd.s32 $0xFFFFC000  }
0xca: {  	[spmem:s2] =	stream.indirect.scatter.add.f32 [tilespmem:s17], [sflag:$0x2], $0x80, s22, s20, $0xb8;
	[tilespmem:$0x18400] =	vst v63  }
0xcb: {  	_ =	swait.ge [sflag:s18], $0x4000  }
0xcc: {  	[sflag:s18] =	ssyncset.done $0x0  }
0xcd: {  	[sflag:s18] =	ssyncadd.s32 $0xFFFFC000  }
0xce: {  	[tilespmem:s17], [sflag:$0x1] =	stream.indirect.gather [hbm4b:s0+s20], $0x80, s23, s20, $0xb8;
	[tilespmem:$0x18400] =	vst v63  }
0xcf: {  	_ =	swait.ge [sflag:s21], $0x4000  }
0xd0: {  	[sflag:s21] =	ssyncset.done $0x0  }
0xd1: {  	[sflag:s21] =	ssyncadd.s32 $0xFFFFC000  }
0xd2: {  	[spmem:s2] =	stream.indirect.scatter.add.f32 [tilespmem:s17], [sflag:$0x2], $0x80, s24, s20, $0xb8;
	[tilespmem:$0x18400] =	vst v63  }
0xd3: {  	_ =	swait.ge [sflag:s18], $0x4000  }
0xd4: {  	[sflag:s18] =	ssyncset.done $0x0  }
0xd5: {  	[sflag:s18] =	ssyncadd.s32 $0xFFFFC000  }
0xd6: {  	[tilespmem:s17], [sflag:$0x1] =	stream.indirect.gather [hbm4b:s0+s20], $0x80, s25, s20, $0xb8;
	[tilespmem:$0x18400] =	vst v63  }
0xd7: {  	_ =	swait.ge [sflag:s21], $0x4000  }
0xd8: {  	[sflag:s21] =	ssyncset.done $0x0  }
0xd9: {  	[sflag:s21] =	ssyncadd.s32 $0xFFFFC000  }
0xda: {  	[spmem:s2] =	stream.indirect.scatter.add.f32 [tilespmem:s17], [sflag:$0x2], $0x80, s26, s20, $0xb8;
	[tilespmem:$0x18400] =	vst v63  }
0xdb: {  	_ =	swait.ge [sflag:s18], $0x4000  }
0xdc: {  	[sflag:s18] =	ssyncset.done $0x0  }
0xdd: {  	[sflag:s18] =	ssyncadd.s32 $0xFFFFC000  }
0xde: {  	[tilespmem:s17], [sflag:$0x1] =	stream.indirect.gather [hbm4b:s0+s20], $0x80, s28, s20, $0xb8;
	[tilespmem:$0x18400] =	vst v63  }
0xdf: {  	_ =	swait.ge [sflag:s21], $0x4000  }
0xe0: {  	[sflag:s21] =	ssyncset.done $0x0  }
0xe1: {  	[sflag:s21] =	ssyncadd.s32 $0xFFFFC000  }
0xe2: {  	[spmem:s2] =	stream.indirect.scatter.add.f32 [tilespmem:s17], [sflag:$0x2], $0x80, s29, s20, $0xb8;
	[tilespmem:$0x18400] =	vst v63  }
0xe3: {  	_ =	swait.ge [sflag:s18], $0x4000  }
0xe4: {  	[sflag:s18] =	ssyncset.done $0x0  }
0xe5: {  	[sflag:s18] =	ssyncadd.s32 $0xFFFFC000  }
0xe6: {  	[tilespmem:s17], [sflag:$0x1] =	stream.indirect.gather [hbm4b:s0+s20], $0x80, s30, s20, $0xb8;
	[tilespmem:$0x18400] =	vst v63  }
0xe7: {  	_ =	swait.ge [sflag:s21], $0x4000  }
0xe8: {  	[sflag:s21] =	ssyncset.done $0x0  }
0xe9: {  	[sflag:s21] =	ssyncadd.s32 $0xFFFFC000  }
0xea: {  	[spmem:s2] =	stream.indirect.scatter.add.f32 [tilespmem:s17], [sflag:$0x2], $0x80, s31, s20, $0xb8;
	[tilespmem:$0x18400] =	vst v63  }
0xeb: {  	_ =	swait.ge [sflag:s18], $0x4000  }
0xec: {  	[sflag:s18] =	ssyncset.done $0x0  }
0xed: {  	[sflag:s18] =	ssyncadd.s32 $0xFFFFC000  }
0xee: {  	[tilespmem:s17], [sflag:$0x1] =	stream.indirect.gather [hbm4b:s0+s20], $0x80, s1, s20, $0xb8;
	[tilespmem:$0x18400] =	vst v63  }
0xef: {  	_ =	swait.ge [sflag:s21], $0x4000  }
0xf0: {  	[sflag:s21] =	ssyncset.done $0x0  }
0xf1: {  	[sflag:s21] =	ssyncadd.s32 $0xFFFFC000  }
0xf2: {  	[spmem:s2] =	stream.indirect.scatter.add.f32 [tilespmem:s17], [sflag:$0x2], $0x80, s9, s20, $0xb8;
	[tilespmem:$0x18400] =	vst v63  }
0xf3: {  	_ =	swait.ge [sflag:s18], $0x4000  }
0xf4: {  	[sflag:s18] =	ssyncset.done $0x0  }
0xf5: {  	[sflag:s18] =	ssyncadd.s32 $0xFFFFC000  }
0xf6: {  	[tilespmem:s17], [sflag:$0x1] =	stream.indirect.gather [hbm4b:s0+s20], $0x80, s10, s20, $0xb8;
	[tilespmem:$0x18400] =	vst v63  }
0xf7: {  	_ =	swait.ge [sflag:s21], $0x4000  }
0xf8: {  	[sflag:s21] =	ssyncset.done $0x0  }
0xf9: {  	[sflag:s21] =	ssyncadd.s32 $0xFFFFC000  }
0xfa: {  	[spmem:s2] =	stream.indirect.scatter.add.f32 [tilespmem:s17], [sflag:$0x2], $0x80, s11, s20, $0xb8;
	[tilespmem:$0x18400] =	vst v63  }
0xfb: {  	_ =	swait.ge [sflag:s18], $0x4000  }
0xfc: {  	s13 =	simm.s32 $0x80;
	s14 =	simm.s32 $0x100;
	[sflag:s18] =	ssyncset.done $0x0  }
.LBB2_5:
0xfd: {  	s6 =	sadd.s32 s13, s16  }
0xfe: {  	[sflag:s18] =	ssyncadd.s32 $0xFFFFC000;
	s7 =	smov.u32 s14;
	s5 =	sadd.s32 $0x80, s14  }
0xff: {  	[tilespmem:s3], [sflag:$0x2] =	stream.linear.gather [hbm4b:s6+s3], $0x400, $0x38;
	[tilespmem:$0x18400] =	vst v63  }
0x100: {  	p1 =	sne.s32 s14, $0x4E80;
	_ =	swait.ge [sflag:s18], $0x400  }
0x101: {  	[sflag:s18] =	ssyncset.done $0x0  }
0x102: {  	s6 =	sadd.s32 s13, s15;
	s13 =	smov.u32 s7;
	[sflag:s18] =	ssyncadd.s32 $0xFFFFFC00  }
0x103: {  	[tilespmem:s19], [sflag:$0x2] =	stream.linear.gather [hbm4b:s6+s3], $0x400, $0x38;
	[tilespmem:$0x18400] =	vst v63  }
0x104: {  	_ =	swait.ge [sflag:s18], $0x400  }
0x105: {  	[sflag:s18] =	ssyncset.done $0x0  }
0x106: {  	[sflag:s18] =	ssyncadd.s32 $0xFFFFFC00  }
0x107: {  	[tilespmem:s17], [sflag:$0x1] =	stream.indirect.gather [hbm4b:s0+s20], $0x80, s3, s20, $0xb8;
	[tilespmem:$0x18400] =	vst v63  }
0x108: {  	_ =	swait.ge [sflag:s21], $0x4000  }
0x109: {  	[sflag:s21] =	ssyncset.done $0x0  }
0x10a: {  	[sflag:s21] =	ssyncadd.s32 $0xFFFFC000  }
0x10b: {  	[spmem:s2] =	stream.indirect.scatter.add.f32 [tilespmem:s17], [sflag:$0x2], $0x80, s19, s20, $0xb8;
	[tilespmem:$0x18400] =	vst v63  }
0x10c: {  	_ =	swait.ge [sflag:s18], $0x4000  }
0x10d: {  	[sflag:s18] =	ssyncset.done $0x0  }
0x10e: {  	[sflag:s18] =	ssyncadd.s32 $0xFFFFC000  }
0x10f: {  	[tilespmem:s17], [sflag:$0x1] =	stream.indirect.gather [hbm4b:s0+s20], $0x80, s20, s20, $0xb8;
	[tilespmem:$0x18400] =	vst v63  }
0x110: {  	_ =	swait.ge [sflag:s21], $0x4000  }
0x111: {  	[sflag:s21] =	ssyncset.done $0x0  }
0x112: {  	[sflag:s21] =	ssyncadd.s32 $0xFFFFC000  }
0x113: {  	[spmem:s2] =	stream.indirect.scatter.add.f32 [tilespmem:s17], [sflag:$0x2], $0x80, s22, s20, $0xb8;
	[tilespmem:$0x18400] =	vst v63  }
0x114: {  	_ =	swait.ge [sflag:s18], $0x4000  }
0x115: {  	[sflag:s18] =	ssyncset.done $0x0  }
0x116: {  	[sflag:s18] =	ssyncadd.s32 $0xFFFFC000  }
0x117: {  	[tilespmem:s17], [sflag:$0x1] =	stream.indirect.gather [hbm4b:s0+s20], $0x80, s23, s20, $0xb8;
	[tilespmem:$0x18400] =	vst v63  }
0x118: {  	_ =	swait.ge [sflag:s21], $0x4000  }
0x119: {  	[sflag:s21] =	ssyncset.done $0x0  }
0x11a: {  	[sflag:s21] =	ssyncadd.s32 $0xFFFFC000  }
0x11b: {  	[spmem:s2] =	stream.indirect.scatter.add.f32 [tilespmem:s17], [sflag:$0x2], $0x80, s24, s20, $0xb8;
	[tilespmem:$0x18400] =	vst v63  }
0x11c: {  	_ =	swait.ge [sflag:s18], $0x4000  }
0x11d: {  	[sflag:s18] =	ssyncset.done $0x0  }
0x11e: {  	[sflag:s18] =	ssyncadd.s32 $0xFFFFC000  }
0x11f: {  	[tilespmem:s17], [sflag:$0x1] =	stream.indirect.gather [hbm4b:s0+s20], $0x80, s25, s20, $0xb8;
	[tilespmem:$0x18400] =	vst v63  }
0x120: {  	_ =	swait.ge [sflag:s21], $0x4000  }
0x121: {  	[sflag:s21] =	ssyncset.done $0x0  }
0x122: {  	[sflag:s21] =	ssyncadd.s32 $0xFFFFC000  }
0x123: {  	[spmem:s2] =	stream.indirect.scatter.add.f32 [tilespmem:s17], [sflag:$0x2], $0x80, s26, s20, $0xb8;
	[tilespmem:$0x18400] =	vst v63  }
0x124: {  	_ =	swait.ge [sflag:s18], $0x4000  }
0x125: {  	[sflag:s18] =	ssyncset.done $0x0  }
0x126: {  	[sflag:s18] =	ssyncadd.s32 $0xFFFFC000  }
0x127: {  	[tilespmem:s17], [sflag:$0x1] =	stream.indirect.gather [hbm4b:s0+s20], $0x80, s28, s20, $0xb8;
	[tilespmem:$0x18400] =	vst v63  }
0x128: {  	_ =	swait.ge [sflag:s21], $0x4000  }
0x129: {  	[sflag:s21] =	ssyncset.done $0x0  }
0x12a: {  	[sflag:s21] =	ssyncadd.s32 $0xFFFFC000  }
0x12b: {  	[spmem:s2] =	stream.indirect.scatter.add.f32 [tilespmem:s17], [sflag:$0x2], $0x80, s29, s20, $0xb8;
	[tilespmem:$0x18400] =	vst v63  }
0x12c: {  	_ =	swait.ge [sflag:s18], $0x4000  }
0x12d: {  	[sflag:s18] =	ssyncset.done $0x0  }
0x12e: {  	[sflag:s18] =	ssyncadd.s32 $0xFFFFC000  }
0x12f: {  	[tilespmem:s17], [sflag:$0x1] =	stream.indirect.gather [hbm4b:s0+s20], $0x80, s30, s20, $0xb8;
	[tilespmem:$0x18400] =	vst v63  }
0x130: {  	_ =	swait.ge [sflag:s21], $0x4000  }
0x131: {  	[sflag:s21] =	ssyncset.done $0x0  }
0x132: {  	[sflag:s21] =	ssyncadd.s32 $0xFFFFC000  }
0x133: {  	[spmem:s2] =	stream.indirect.scatter.add.f32 [tilespmem:s17], [sflag:$0x2], $0x80, s31, s20, $0xb8;
	[tilespmem:$0x18400] =	vst v63  }
0x134: {  	_ =	swait.ge [sflag:s18], $0x4000  }
0x135: {  	[sflag:s18] =	ssyncset.done $0x0  }
0x136: {  	[sflag:s18] =	ssyncadd.s32 $0xFFFFC000  }
0x137: {  	[tilespmem:s17], [sflag:$0x1] =	stream.indirect.gather [hbm4b:s0+s20], $0x80, s1, s20, $0xb8;
	[tilespmem:$0x18400] =	vst v63  }
0x138: {  	_ =	swait.ge [sflag:s21], $0x4000  }
0x139: {  	[sflag:s21] =	ssyncset.done $0x0  }
0x13a: {  	[sflag:s21] =	ssyncadd.s32 $0xFFFFC000  }
0x13b: {  	[spmem:s2] =	stream.indirect.scatter.add.f32 [tilespmem:s17], [sflag:$0x2], $0x80, s9, s20, $0xb8;
	[tilespmem:$0x18400] =	vst v63  }
0x13c: {  	_ =	swait.ge [sflag:s18], $0x4000  }
0x13d: {  	[sflag:s18] =	ssyncset.done $0x0  }
0x13e: {  	[sflag:s18] =	ssyncadd.s32 $0xFFFFC000  }
0x13f: {  	[tilespmem:s17], [sflag:$0x1] =	stream.indirect.gather [hbm4b:s0+s20], $0x80, s10, s20, $0xb8;
	[tilespmem:$0x18400] =	vst v63  }
0x140: {  	_ =	swait.ge [sflag:s21], $0x4000  }
.Ltmp4:
0x141: {  	[sflag:s21] =	ssyncset.done $0x0;
	(pc) =	sbr.rel @p1 .LBB2_5-.Ltmp4, $4  }
0x142: {  	[sflag:s21] =	ssyncadd.s32 $0xFFFFC000  }
0x143: {  	[spmem:s2] =	stream.indirect.scatter.add.f32 [tilespmem:s17], [sflag:$0x2], $0x80, s11, s20, $0xb8;
	[tilespmem:$0x18400] =	vst v63  }
0x144: {  	_ =	swait.ge [sflag:s18], $0x4000  }
0x145: {  	s14 =	smov.u32 s5;
	[sflag:s18] =	ssyncset.done $0x0  }
.Ltmp5:
0x146: {  	_ = 	snop;
	(pc) =	sbr.rel .LBB2_6-.Ltmp5, $1  }
0x147: {  	_ =	sdelay $0x3  }
.LBB2_8:
0x148: {  	_ =	sfence.sel $0x180000  }
0x149: {  	[bflag:$0x0] =	sbarrier.arrive $0xFFFF  }
0x14a: {  	_ =	strace $0x9000004A  }
0x14b: {  	[bflag:$0x2] =	sbarrier.arrive $0xFFFF  }
0x14c: {  	s0 =	rddreg [dreg:$0x3]  }
0x14d: {  	s0 =	sadd.s32 @!p0 $0x100000, s0  }
0x14e: {  	[sflag:s0] =	ssyncadd.tile.s32 @!p0 $0x1;
	_ =	shalt  }
.Lfunc_end2:
_tile_overlayer_lowered:
.L_overlay_start_2:
0x14f: {  	(tag) =	ssettag $0x2  }
0x150: {  	s0 =	rddreg [dreg:$0x0];
	s2 =	stileid.u32  }
0x151: {  	s1 =	rddreg [dreg:$0x1];
	p0 =	sne.s32 s2, $0x0  }
0x152: {  	s3 =	rddreg [dreg:$0x2];
	[bflag:$0x3] =	sbarrier.arrive $0xFFFF;
	s2 =	simm.s32 @!p0 $0x1C02  }
0x153: {  	[timem:s3], [sflag:s2] =	dma.local @!p0 [hbm:s0], s1  }
0x154: {  	s0 =	simm.s32 @!p0 $0x2  }
0x155: {  	_ =	swait.ge @!p0 [sflag:s0], s1  }
0x156: {  	s1 =	ssub.s32 @!p0 $0x0, s1;
	[sflag:s0] =	ssyncset.done @!p0 $0x0  }
0x157: {  	[sflag:s0] =	ssyncadd.s32 @!p0 s1  }
0x158: {  	[bflag:$0x3] =	sbarrier.arrive $0xFFFF  }
0x159: {  	_ =	shalt  }

</sc_bundles>
